<compile_context>
chip_gen: v7x
topology: tpu7x:2x2x1
jax: 0.10.2.dev20260603
libtpu: 0.0.44.dev20260713+nightly
codegen_flags: <defaults>
</compile_context>

<pallas_src>
import functools

import jax
import jax.numpy as jnp
from jax import lax
from jax.experimental import pallas as pl
from jax.experimental.pallas import tpu as pltpu
from jax.experimental.pallas import tpu_sc as plsc

_B = 256
_CHUNK = 2048
_INF = 3.0e38
_BIG = 1.0e9

_N = 8192
_GOFF = (0, 8192, 12288)
_GTOT = 14336

_NC, _NS, _L = 2, 16, 16
_NW = _NC * _NS
_RPW = _N // _NW


def _argmin3(A, iotaf):
    ms, cs = [], []
    for rnd in range(3):
        m = jnp.min(A, axis=1, keepdims=True)
        idx = jnp.where(A == m, iotaf, _BIG)
        c = jnp.min(idx, axis=1, keepdims=True)
        if rnd < 2:
            A = jnp.where(idx == c, _INF, A)
        ms.append(m)
        cs.append(c)
    return ms, cs


def _argmin3_payload(A, G, iotaf):
    ms, gs = [], []
    for rnd in range(3):
        m = jnp.min(A, axis=1, keepdims=True)
        idx = jnp.where(A == m, iotaf, _BIG)
        c = jnp.min(idx, axis=1, keepdims=True)
        sel = idx == c
        g = jnp.sum(jnp.where(sel, G, 0.0), axis=1, keepdims=True)
        if rnd < 2:
            A = jnp.where(sel, _INF, A)
        ms.append(m)
        gs.append(g)
    return ms, gs


def _tc_body(u_ref, k2_ref, k3_ref, k4_ref, mt_ref, f2_ref, f3_ref, f4_ref,
             wfc_ref, wcls_ref, w_ref, i_ref, g_ref, gt_ref):
    pid = pl.program_id(0)
    u = u_ref[...]
    a2 = jnp.sum(u * u, axis=1, keepdims=True)
    un2 = u * -2.0
    vmat = jnp.dot(wcls_ref[...], wfc_ref[...])

    ws, idxs = [], []
    for s, (kref, fref) in enumerate(((k2_ref, f2_ref), (k3_ref, f3_ref),
                                      (k4_ref, f4_ref))):
        kT = kref[...]
        M = kT.shape[1]
        b2 = jnp.sum(kT * kT, axis=0, keepdims=True)

        @pl.when(pid == 0)
        def _write_g():
            gfull = jnp.dot(vmat[:, 32 * s:32 * s + 32], fref[...])
            g_ref[0:1, _GOFF[s]:_GOFF[s] + M] = gfull[0:1, :]

        cand_m, cand_i = [], []
        for c0 in range(0, M, _CHUNK):
            W = min(_CHUNK, M - c0)
            A = (a2 + b2[:, c0:c0 + W]) + jnp.dot(un2, kT[:, c0:c0 + W])
            A = jnp.maximum(A, 0.0)
            iotaf = lax.broadcasted_iota(jnp.int32, (_B, W), 1).astype(jnp.float32)
            ms, cs = _argmin3(A, iotaf)
            cand_m += ms
            cand_i += [c + float(c0 + _GOFF[s]) for c in cs]
        if len(cand_m) > 3:
            Ac = jnp.concatenate(cand_m, axis=1)
            Ic = jnp.concatenate(cand_i, axis=1)
            iotaf = lax.broadcasted_iota(jnp.int32, Ac.shape, 1).astype(jnp.float32)
            ms, gidx = _argmin3_payload(Ac, Ic, iotaf)
        else:
            ms, gidx = cand_m, cand_i
        d = [jnp.sqrt(m) for m in ms]
        r = [1.0 / (dd + 1e-8) for dd in d]
        norm = r[0] + r[1] + r[2]
        ws += [rj / norm for rj in r]
        idxs += gidx

    zero7 = jnp.zeros((_B, 7), jnp.float32)
    w_ref[...] = jnp.concatenate(ws + [zero7], axis=1)
    i_ref[...] = jnp.concatenate(idxs + [zero7], axis=1).astype(jnp.int32)

    mt = mt_ref[...]
    b2m = jnp.sum(mt * mt, axis=0, keepdims=True)
    Am = jnp.maximum((a2 + b2m) + jnp.dot(un2, mt), 0.0)
    min_d = jnp.sqrt(jnp.min(Am, axis=1, keepdims=True))
    gt_ref[...] = (min_d < 0.5).astype(jnp.float32)


def _sc_body(w_hbm, i_hbm, g_hbm, out_hbm, wv, iv, gath, acc, sem):
    wid = lax.axis_index("s") * _NC + lax.axis_index("c")
    base = wid * _RPW
    copies = []
    for j in range(9):
        copies.append(pltpu.async_copy(
            w_hbm.at[pl.ds(j * _N + base, _RPW)], wv.at[pl.ds(j * _RPW, _RPW)], sem))
        copies.append(pltpu.async_copy(
            i_hbm.at[pl.ds(j * _N + base, _RPW)], iv.at[pl.ds(j * _RPW, _RPW)], sem))
    for cp in copies:
        cp.wait()
    pltpu.async_copy(g_hbm.at[iv], gath, sem).wait()
    for t in range(_RPW // _L):
        a = jnp.zeros((_L,), jnp.float32)
        for j in range(9):
            o = j * _RPW + t * _L
            a = a + wv[pl.ds(o, _L)] * gath[pl.ds(o, _L)]
        acc[pl.ds(t * _L, _L)] = a
    pltpu.sync_copy(acc, out_hbm.at[pl.ds(base, _RPW)])


def kernel(unknown, known2, feats2, known3, feats3, known4, feats4,
           match_points, W_fc, W_cls):
    N = unknown.shape[0]

    def pad_t(pts):
        return jnp.zeros((8, pts.shape[0]), jnp.float32).at[:3, :].set(pts.T)

    upad = jnp.zeros((N, 8), jnp.float32).at[:, :3].set(unknown)
    k2, k3, k4, mt = pad_t(known2), pad_t(known3), pad_t(known4), pad_t(match_points)
    f2, f3, f4 = feats2.T, feats3.T, feats4.T
    wcls = jnp.zeros((8, 64), jnp.float32).at[0:1, :].set(W_cls)

    full = lambda shape: pl.BlockSpec(shape, lambda i: (0, 0))
    w9, i9, gcat, gt = pl.pallas_call(
        _tc_body,
        grid=(N // _B,),
        in_specs=[
            pl.BlockSpec((_B, 8), lambda i: (i, 0)),
            full(k2.shape), full(k3.shape), full(k4.shape), full(mt.shape),
            full(f2.shape), full(f3.shape), full(f4.shape),
            full(W_fc.shape), full(wcls.shape),
        ],
        out_specs=[
            pl.BlockSpec((_B, 16), lambda i: (i, 0)),
            pl.BlockSpec((_B, 16), lambda i: (i, 0)),
            pl.BlockSpec((1, _GTOT), lambda i: (0, 0)),
            pl.BlockSpec((_B, 1), lambda i: (i, 0)),
        ],
        out_shape=[
            jax.ShapeDtypeStruct((N, 16), jnp.float32),
            jax.ShapeDtypeStruct((N, 16), jnp.int32),
            jax.ShapeDtypeStruct((1, _GTOT), jnp.float32),
            jax.ShapeDtypeStruct((N, 1), jnp.float32),
        ],
        compiler_params=pltpu.CompilerParams(dimension_semantics=("arbitrary",)),
    )(upad, k2, k3, k4, mt, f2, f3, f4, W_fc, wcls)

    pred = _sc_combine(w9.T[:9].reshape(-1), i9.T[:9].reshape(-1), gcat.reshape(_GTOT))
    return pred.reshape(N, 1), gt.reshape(N)


def _sc_combine(w9, i9, gcat):
    sc_call = functools.partial(
        pl.kernel,
        out_type=jax.ShapeDtypeStruct((_N,), jnp.float32),
        mesh=plsc.VectorSubcoreMesh(core_axis_name="c", subcore_axis_name="s"),
        scratch_types=[
            pltpu.VMEM((9 * _RPW,), jnp.float32),
            pltpu.VMEM((9 * _RPW,), jnp.int32),
            pltpu.VMEM((9 * _RPW,), jnp.float32),
            pltpu.VMEM((_RPW,), jnp.float32),
            pltpu.SemaphoreType.DMA,
        ],
    )(_sc_body)
    return sc_call(w9, i9, gcat)

# --- scband reference (transcript-rebuilt; emitter-appended) ---
"""Pipeline reference for scband-height-compression-25984552140992 (READ-ONLY COPY).

The authoritative reference and input builder live on the scoring server;
editing this copy changes nothing except your own understanding.
"""

import jax, jax.numpy as jnp
import numpy as np


def _pairwise_sqdist(a, b):
    a2 = jnp.sum(a * a, axis=1, keepdims=True)
    b2 = jnp.sum(b * b, axis=1, keepdims=True)
    d2 = a2 + b2.T - 2.0 * (a @ b.T)
    return jnp.maximum(d2, 0.0)


def _three_interpolate(unknown, known, known_feats):
    # three_nn: find 3 nearest known points for every unknown point
    d2 = _pairwise_sqdist(unknown, known)
    neg_top, idx = jax.lax.top_k(-d2, 3)
    dist = jnp.sqrt(jnp.maximum(-neg_top, 0.0))
    # inverse-distance weighting (as in pointnet2 three_interpolate)
    dist_recip = 1.0 / (dist + 1e-08)
    norm = jnp.sum(dist_recip, axis=1, keepdims=True)
    weight = dist_recip / norm
    gathered = known_feats[idx]  # [N, 3, C] gather
    return jnp.sum(gathered * weight[:, :, None], axis=1)  # [N, C]


def setup_inputs(seed: int = 0):
    key = jax.random.key(seed)
    ks = jax.random.split(key, 12)
    scale = jnp.array([70.0, 80.0, 4.0], dtype=jnp.float32)
    off = jnp.array([0.0, -40.0, -3.0], dtype=jnp.float32)
    unknown = jax.random.uniform(ks[0], (8192, 3), dtype=jnp.float32) * scale + off
    known2 = jax.random.uniform(ks[1], (8192, 3), dtype=jnp.float32) * scale + off
    feats2 = jax.random.normal(ks[2], (8192, 32), dtype=jnp.float32)
    known3 = jax.random.uniform(ks[3], (4096, 3), dtype=jnp.float32) * scale + off
    feats3 = jax.random.normal(ks[4], (4096, 32), dtype=jnp.float32)
    known4 = jax.random.uniform(ks[5], (2048, 3), dtype=jnp.float32) * scale + off
    feats4 = jax.random.normal(ks[6], (2048, 32), dtype=jnp.float32)
    match_points = jax.random.uniform(ks[7], (2048, 3), dtype=jnp.float32) * scale + off
    W_fc = jax.random.normal(ks[8], (64, 96), dtype=jnp.float32) * 0.05
    W_cls = jax.random.normal(ks[9], (1, 64), dtype=jnp.float32) * 0.05
    return {
        'unknown': unknown,
        'known2': known2, 'feats2': feats2,
        'known3': known3, 'feats3': feats3,
        'known4': known4, 'feats4': feats4,
        'match_points': match_points,
        'W_fc': W_fc, 'W_cls': W_cls,
    }


def reference(unknown, known2, feats2, known3, feats3, known4, feats4, match_points, W_fc, W_cls):
    # multi-scale 3-NN inverse-distance interpolation (conv2/conv3/conv4 scales)
    p0 = _three_interpolate(unknown, known2, feats2)
    p1 = _three_interpolate(unknown, known3, feats3)
    p2 = _three_interpolate(unknown, known4, feats4)
    pointwise = jnp.concatenate([p0, p1, p2], axis=-1) @ W_fc.T  # point_fc (96->64, no bias)
    pred_hm = pointwise @ W_cls.T  # point_cls (64->1, no bias)
    # generate_valid_points_mask: 1-NN distance threshold 0.5m against match points
    d2m = _pairwise_sqdist(unknown, match_points)
    min_d = jnp.sqrt(jnp.min(d2m, axis=1))
    gt_hm = (min_d < 0.5).astype(jnp.float32)
    return pred_hm, gt_hm

if __name__ == "__main__":
    import jax
    _d = setup_inputs()
    print(jax.jit(kernel)(*tuple(_d.values())))

</pallas_src>

<mosaic_0001>
#map = affine_map<(d0, d1) -> (0)>
module attributes {stable_mosaic.version = 14 : i64} {
  func.func @_sc_body(%arg0: i32, %arg1: i32, %arg2: memref<73728xf32, #tpu.memory_space<hbm>>, %arg3: memref<73728xi32, #tpu.memory_space<hbm>>, %arg4: memref<14336xf32, #tpu.memory_space<hbm>>, %arg5: memref<8192xf32, #tpu.memory_space<hbm>>, %arg6: memref<2304xf32, #tpu.memory_space<vmem>>, %arg7: memref<2304xi32, #tpu.memory_space<vmem>>, %arg8: memref<2304xf32, #tpu.memory_space<vmem>>, %arg9: memref<256xf32, #tpu.memory_space<vmem>>, %arg10: memref<!tpu.dma_semaphore, #tpu.memory_space<semaphore_mem>>) attributes {dimension_semantics = [#tpu.dimension_semantics<core_parallel>, #tpu.dimension_semantics<subcore_parallel>], iteration_bounds = array<i64: 2, 16>, scalar_prefetch = 0 : i64, scratch_operands = 5 : i64, tpu.core_type = #tpu.core_type<sc_vector_subcore>, window_params = [{transform_indices = #map}, {transform_indices = #map}, {transform_indices = #map}, {transform_indices = #map}]} {
    %mul3A = arith.constant 2 : i32
    %mul3A_0 = arith.muli %arg1, %mul3A : i32
    %add3A = arith.addi %mul3A_0, %arg0 : i32
    %mul3A_1 = arith.constant 256 : i32
    %mul3A_2 = arith.muli %add3A, %mul3A_1 : i32
    %add3A_3 = arith.constant 0 : i32
    %add3A_4 = arith.addi %add3A_3, %mul3A_2 : i32
    %dma_start3A = arith.constant 0 : i32
    %dma_start3A_5 = tpu.memref_slice %arg6[%dma_start3A] : memref<2304xf32, #tpu.memory_space<vmem>> -> memref<256xf32, #tpu.memory_space<vmem>>
    %dma_start3A_6 = tpu.memref_slice %arg2[%add3A_4] : memref<73728xf32, #tpu.memory_space<hbm>> -> memref<256xf32, #tpu.memory_space<hbm>>
    %dma_start3A_7 = arith.constant 0 : i32
    %dma_start3A_8 = tpu.memref_slice %arg6[%dma_start3A_7] : memref<2304xf32, #tpu.memory_space<vmem>> -> memref<256xf32, #tpu.memory_space<vmem>>
    %dma_start3A_9 = tpu.memref_slice %arg2[%add3A_4] : memref<73728xf32, #tpu.memory_space<hbm>> -> memref<256xf32, #tpu.memory_space<hbm>>
    tpu.enqueue_dma source(%dma_start3A_9 : memref<256xf32, #tpu.memory_space<hbm>>) target(%dma_start3A_8 : memref<256xf32, #tpu.memory_space<vmem>>) target_semaphore(%arg10 : memref<!tpu.dma_semaphore, #tpu.memory_space<semaphore_mem>>)
    %add3A_10 = arith.constant 0 : i32
    %add3A_11 = arith.addi %add3A_10, %mul3A_2 : i32
    %dma_start3A_12 = arith.constant 0 : i32
    %dma_start3A_13 = tpu.memref_slice %arg7[%dma_start3A_12] : memref<2304xi32, #tpu.memory_space<vmem>> -> memref<256xi32, #tpu.memory_space<vmem>>
    %dma_start3A_14 = tpu.memref_slice %arg3[%add3A_11] : memref<73728xi32, #tpu.memory_space<hbm>> -> memref<256xi32, #tpu.memory_space<hbm>>
    %dma_start3A_15 = arith.constant 0 : i32
    %dma_start3A_16 = tpu.memref_slice %arg7[%dma_start3A_15] : memref<2304xi32, #tpu.memory_space<vmem>> -> memref<256xi32, #tpu.memory_space<vmem>>
    %dma_start3A_17 = tpu.memref_slice %arg3[%add3A_11] : memref<73728xi32, #tpu.memory_space<hbm>> -> memref<256xi32, #tpu.memory_space<hbm>>
    tpu.enqueue_dma source(%dma_start3A_17 : memref<256xi32, #tpu.memory_space<hbm>>) target(%dma_start3A_16 : memref<256xi32, #tpu.memory_space<vmem>>) target_semaphore(%arg10 : memref<!tpu.dma_semaphore, #tpu.memory_space<semaphore_mem>>)
    %add3A_18 = arith.constant 8192 : i32
    %add3A_19 = arith.addi %add3A_18, %mul3A_2 : i32
    %dma_start3A_20 = arith.constant 256 : i32
    %dma_start3A_21 = tpu.memref_slice %arg6[%dma_start3A_20] : memref<2304xf32, #tpu.memory_space<vmem>> -> memref<256xf32, #tpu.memory_space<vmem>>
    %dma_start3A_22 = tpu.memref_slice %arg2[%add3A_19] : memref<73728xf32, #tpu.memory_space<hbm>> -> memref<256xf32, #tpu.memory_space<hbm>>
    %dma_start3A_23 = arith.constant 256 : i32
    %dma_start3A_24 = tpu.memref_slice %arg6[%dma_start3A_23] : memref<2304xf32, #tpu.memory_space<vmem>> -> memref<256xf32, #tpu.memory_space<vmem>>
    %dma_start3A_25 = tpu.memref_slice %arg2[%add3A_19] : memref<73728xf32, #tpu.memory_space<hbm>> -> memref<256xf32, #tpu.memory_space<hbm>>
    tpu.enqueue_dma source(%dma_start3A_25 : memref<256xf32, #tpu.memory_space<hbm>>) target(%dma_start3A_24 : memref<256xf32, #tpu.memory_space<vmem>>) target_semaphore(%arg10 : memref<!tpu.dma_semaphore, #tpu.memory_space<semaphore_mem>>)
    %add3A_26 = arith.constant 8192 : i32
    %add3A_27 = arith.addi %add3A_26, %mul3A_2 : i32
    %dma_start3A_28 = arith.constant 256 : i32
    %dma_start3A_29 = tpu.memref_slice %arg7[%dma_start3A_28] : memref<2304xi32, #tpu.memory_space<vmem>> -> memref<256xi32, #tpu.memory_space<vmem>>
    %dma_start3A_30 = tpu.memref_slice %arg3[%add3A_27] : memref<73728xi32, #tpu.memory_space<hbm>> -> memref<256xi32, #tpu.memory_space<hbm>>
    %dma_start3A_31 = arith.constant 256 : i32
    %dma_start3A_32 = tpu.memref_slice %arg7[%dma_start3A_31] : memref<2304xi32, #tpu.memory_space<vmem>> -> memref<256xi32, #tpu.memory_space<vmem>>
    %dma_start3A_33 = tpu.memref_slice %arg3[%add3A_27] : memref<73728xi32, #tpu.memory_space<hbm>> -> memref<256xi32, #tpu.memory_space<hbm>>
    tpu.enqueue_dma source(%dma_start3A_33 : memref<256xi32, #tpu.memory_space<hbm>>) target(%dma_start3A_32 : memref<256xi32, #tpu.memory_space<vmem>>) target_semaphore(%arg10 : memref<!tpu.dma_semaphore, #tpu.memory_space<semaphore_mem>>)
    %add3A_34 = arith.constant 16384 : i32
    %add3A_35 = arith.addi %add3A_34, %mul3A_2 : i32
    %dma_start3A_36 = arith.constant 512 : i32
    %dma_start3A_37 = tpu.memref_slice %arg6[%dma_start3A_36] : memref<2304xf32, #tpu.memory_space<vmem>> -> memref<256xf32, #tpu.memory_space<vmem>>
    %dma_start3A_38 = tpu.memref_slice %arg2[%add3A_35] : memref<73728xf32, #tpu.memory_space<hbm>> -> memref<256xf32, #tpu.memory_space<hbm>>
    %dma_start3A_39 = arith.constant 512 : i32
    %dma_start3A_40 = tpu.memref_slice %arg6[%dma_start3A_39] : memref<2304xf32, #tpu.memory_space<vmem>> -> memref<256xf32, #tpu.memory_space<vmem>>
    %dma_start3A_41 = tpu.memref_slice %arg2[%add3A_35] : memref<73728xf32, #tpu.memory_space<hbm>> -> memref<256xf32, #tpu.memory_space<hbm>>
    tpu.enqueue_dma source(%dma_start3A_41 : memref<256xf32, #tpu.memory_space<hbm>>) target(%dma_start3A_40 : memref<256xf32, #tpu.memory_space<vmem>>) target_semaphore(%arg10 : memref<!tpu.dma_semaphore, #tpu.memory_space<semaphore_mem>>)
    %add3A_42 = arith.constant 16384 : i32
    %add3A_43 = arith.addi %add3A_42, %mul3A_2 : i32
    %dma_start3A_44 = arith.constant 512 : i32
    %dma_start3A_45 = tpu.memref_slice %arg7[%dma_start3A_44] : memref<2304xi32, #tpu.memory_space<vmem>> -> memref<256xi32, #tpu.memory_space<vmem>>
    %dma_start3A_46 = tpu.memref_slice %arg3[%add3A_43] : memref<73728xi32, #tpu.memory_space<hbm>> -> memref<256xi32, #tpu.memory_space<hbm>>
    %dma_start3A_47 = arith.constant 512 : i32
    %dma_start3A_48 = tpu.memref_slice %arg7[%dma_start3A_47] : memref<2304xi32, #tpu.memory_space<vmem>> -> memref<256xi32, #tpu.memory_space<vmem>>
    %dma_start3A_49 = tpu.memref_slice %arg3[%add3A_43] : memref<73728xi32, #tpu.memory_space<hbm>> -> memref<256xi32, #tpu.memory_space<hbm>>
    tpu.enqueue_dma source(%dma_start3A_49 : memref<256xi32, #tpu.memory_space<hbm>>) target(%dma_start3A_48 : memref<256xi32, #tpu.memory_space<vmem>>) target_semaphore(%arg10 : memref<!tpu.dma_semaphore, #tpu.memory_space<semaphore_mem>>)
    %add3A_50 = arith.constant 24576 : i32
    %add3A_51 = arith.addi %add3A_50, %mul3A_2 : i32
    %dma_start3A_52 = arith.constant 768 : i32
    %dma_start3A_53 = tpu.memref_slice %arg6[%dma_start3A_52] : memref<2304xf32, #tpu.memory_space<vmem>> -> memref<256xf32, #tpu.memory_space<vmem>>
    %dma_start3A_54 = tpu.memref_slice %arg2[%add3A_51] : memref<73728xf32, #tpu.memory_space<hbm>> -> memref<256xf32, #tpu.memory_space<hbm>>
    %dma_start3A_55 = arith.constant 768 : i32
    %dma_start3A_56 = tpu.memref_slice %arg6[%dma_start3A_55] : memref<2304xf32, #tpu.memory_space<vmem>> -> memref<256xf32, #tpu.memory_space<vmem>>
    %dma_start3A_57 = tpu.memref_slice %arg2[%add3A_51] : memref<73728xf32, #tpu.memory_space<hbm>> -> memref<256xf32, #tpu.memory_space<hbm>>
    tpu.enqueue_dma source(%dma_start3A_57 : memref<256xf32, #tpu.memory_space<hbm>>) target(%dma_start3A_56 : memref<256xf32, #tpu.memory_space<vmem>>) target_semaphore(%arg10 : memref<!tpu.dma_semaphore, #tpu.memory_space<semaphore_mem>>)
    %add3A_58 = arith.constant 24576 : i32
    %add3A_59 = arith.addi %add3A_58, %mul3A_2 : i32
    %dma_start3A_60 = arith.constant 768 : i32
    %dma_start3A_61 = tpu.memref_slice %arg7[%dma_start3A_60] : memref<2304xi32, #tpu.memory_space<vmem>> -> memref<256xi32, #tpu.memory_space<vmem>>
    %dma_start3A_62 = tpu.memref_slice %arg3[%add3A_59] : memref<73728xi32, #tpu.memory_space<hbm>> -> memref<256xi32, #tpu.memory_space<hbm>>
    %dma_start3A_63 = arith.constant 768 : i32
    %dma_start3A_64 = tpu.memref_slice %arg7[%dma_start3A_63] : memref<2304xi32, #tpu.memory_space<vmem>> -> memref<256xi32, #tpu.memory_space<vmem>>
    %dma_start3A_65 = tpu.memref_slice %arg3[%add3A_59] : memref<73728xi32, #tpu.memory_space<hbm>> -> memref<256xi32, #tpu.memory_space<hbm>>
    tpu.enqueue_dma source(%dma_start3A_65 : memref<256xi32, #tpu.memory_space<hbm>>) target(%dma_start3A_64 : memref<256xi32, #tpu.memory_space<vmem>>) target_semaphore(%arg10 : memref<!tpu.dma_semaphore, #tpu.memory_space<semaphore_mem>>)
    %add3A_66 = arith.constant 32768 : i32
    %add3A_67 = arith.addi %add3A_66, %mul3A_2 : i32
    %dma_start3A_68 = arith.constant 1024 : i32
    %dma_start3A_69 = tpu.memref_slice %arg6[%dma_start3A_68] : memref<2304xf32, #tpu.memory_space<vmem>> -> memref<256xf32, #tpu.memory_space<vmem>>
    %dma_start3A_70 = tpu.memref_slice %arg2[%add3A_67] : memref<73728xf32, #tpu.memory_space<hbm>> -> memref<256xf32, #tpu.memory_space<hbm>>
    %dma_start3A_71 = arith.constant 1024 : i32
    %dma_start3A_72 = tpu.memref_slice %arg6[%dma_start3A_71] : memref<2304xf32, #tpu.memory_space<vmem>> -> memref<256xf32, #tpu.memory_space<vmem>>
    %dma_start3A_73 = tpu.memref_slice %arg2[%add3A_67] : memref<73728xf32, #tpu.memory_space<hbm>> -> memref<256xf32, #tpu.memory_space<hbm>>
    tpu.enqueue_dma source(%dma_start3A_73 : memref<256xf32, #tpu.memory_space<hbm>>) target(%dma_start3A_72 : memref<256xf32, #tpu.memory_space<vmem>>) target_semaphore(%arg10 : memref<!tpu.dma_semaphore, #tpu.memory_space<semaphore_mem>>)
    %add3A_74 = arith.constant 32768 : i32
    %add3A_75 = arith.addi %add3A_74, %mul3A_2 : i32
    %dma_start3A_76 = arith.constant 1024 : i32
    %dma_start3A_77 = tpu.memref_slice %arg7[%dma_start3A_76] : memref<2304xi32, #tpu.memory_space<vmem>> -> memref<256xi32, #tpu.memory_space<vmem>>
    %dma_start3A_78 = tpu.memref_slice %arg3[%add3A_75] : memref<73728xi32, #tpu.memory_space<hbm>> -> memref<256xi32, #tpu.memory_space<hbm>>
    %dma_start3A_79 = arith.constant 1024 : i32
    %dma_start3A_80 = tpu.memref_slice %arg7[%dma_start3A_79] : memref<2304xi32, #tpu.memory_space<vmem>> -> memref<256xi32, #tpu.memory_space<vmem>>
    %dma_start3A_81 = tpu.memref_slice %arg3[%add3A_75] : memref<73728xi32, #tpu.memory_space<hbm>> -> memref<256xi32, #tpu.memory_space<hbm>>
    tpu.enqueue_dma source(%dma_start3A_81 : memref<256xi32, #tpu.memory_space<hbm>>) target(%dma_start3A_80 : memref<256xi32, #tpu.memory_space<vmem>>) target_semaphore(%arg10 : memref<!tpu.dma_semaphore, #tpu.memory_space<semaphore_mem>>)
    %add3A_82 = arith.constant 40960 : i32
    %add3A_83 = arith.addi %add3A_82, %mul3A_2 : i32
    %dma_start3A_84 = arith.constant 1280 : i32
    %dma_start3A_85 = tpu.memref_slice %arg6[%dma_start3A_84] : memref<2304xf32, #tpu.memory_space<vmem>> -> memref<256xf32, #tpu.memory_space<vmem>>
    %dma_start3A_86 = tpu.memref_slice %arg2[%add3A_83] : memref<73728xf32, #tpu.memory_space<hbm>> -> memref<256xf32, #tpu.memory_space<hbm>>
    %dma_start3A_87 = arith.constant 1280 : i32
    %dma_start3A_88 = tpu.memref_slice %arg6[%dma_start3A_87] : memref<2304xf32, #tpu.memory_space<vmem>> -> memref<256xf32, #tpu.memory_space<vmem>>
    %dma_start3A_89 = tpu.memref_slice %arg2[%add3A_83] : memref<73728xf32, #tpu.memory_space<hbm>> -> memref<256xf32, #tpu.memory_space<hbm>>
    tpu.enqueue_dma source(%dma_start3A_89 : memref<256xf32, #tpu.memory_space<hbm>>) target(%dma_start3A_88 : memref<256xf32, #tpu.memory_space<vmem>>) target_semaphore(%arg10 : memref<!tpu.dma_semaphore, #tpu.memory_space<semaphore_mem>>)
    %add3A_90 = arith.constant 40960 : i32
    %add3A_91 = arith.addi %add3A_90, %mul3A_2 : i32
    %dma_start3A_92 = arith.constant 1280 : i32
    %dma_start3A_93 = tpu.memref_slice %arg7[%dma_start3A_92] : memref<2304xi32, #tpu.memory_space<vmem>> -> memref<256xi32, #tpu.memory_space<vmem>>
    %dma_start3A_94 = tpu.memref_slice %arg3[%add3A_91] : memref<73728xi32, #tpu.memory_space<hbm>> -> memref<256xi32, #tpu.memory_space<hbm>>
    %dma_start3A_95 = arith.constant 1280 : i32
    %dma_start3A_96 = tpu.memref_slice %arg7[%dma_start3A_95] : memref<2304xi32, #tpu.memory_space<vmem>> -> memref<256xi32, #tpu.memory_space<vmem>>
    %dma_start3A_97 = tpu.memref_slice %arg3[%add3A_91] : memref<73728xi32, #tpu.memory_space<hbm>> -> memref<256xi32, #tpu.memory_space<hbm>>
    tpu.enqueue_dma source(%dma_start3A_97 : memref<256xi32, #tpu.memory_space<hbm>>) target(%dma_start3A_96 : memref<256xi32, #tpu.memory_space<vmem>>) target_semaphore(%arg10 : memref<!tpu.dma_semaphore, #tpu.memory_space<semaphore_mem>>)
    %add3A_98 = arith.constant 49152 : i32
    %add3A_99 = arith.addi %add3A_98, %mul3A_2 : i32
    %dma_start3A_100 = arith.constant 1536 : i32
    %dma_start3A_101 = tpu.memref_slice %arg6[%dma_start3A_100] : memref<2304xf32, #tpu.memory_space<vmem>> -> memref<256xf32, #tpu.memory_space<vmem>>
    %dma_start3A_102 = tpu.memref_slice %arg2[%add3A_99] : memref<73728xf32, #tpu.memory_space<hbm>> -> memref<256xf32, #tpu.memory_space<hbm>>
    %dma_start3A_103 = arith.constant 1536 : i32
    %dma_start3A_104 = tpu.memref_slice %arg6[%dma_start3A_103] : memref<2304xf32, #tpu.memory_space<vmem>> -> memref<256xf32, #tpu.memory_space<vmem>>
    %dma_start3A_105 = tpu.memref_slice %arg2[%add3A_99] : memref<73728xf32, #tpu.memory_space<hbm>> -> memref<256xf32, #tpu.memory_space<hbm>>
    tpu.enqueue_dma source(%dma_start3A_105 : memref<256xf32, #tpu.memory_space<hbm>>) target(%dma_start3A_104 : memref<256xf32, #tpu.memory_space<vmem>>) target_semaphore(%arg10 : memref<!tpu.dma_semaphore, #tpu.memory_space<semaphore_mem>>)
    %add3A_106 = arith.constant 49152 : i32
    %add3A_107 = arith.addi %add3A_106, %mul3A_2 : i32
    %dma_start3A_108 = arith.constant 1536 : i32
    %dma_start3A_109 = tpu.memref_slice %arg7[%dma_start3A_108] : memref<2304xi32, #tpu.memory_space<vmem>> -> memref<256xi32, #tpu.memory_space<vmem>>
    %dma_start3A_110 = tpu.memref_slice %arg3[%add3A_107] : memref<73728xi32, #tpu.memory_space<hbm>> -> memref<256xi32, #tpu.memory_space<hbm>>
    %dma_start3A_111 = arith.constant 1536 : i32
    %dma_start3A_112 = tpu.memref_slice %arg7[%dma_start3A_111] : memref<2304xi32, #tpu.memory_space<vmem>> -> memref<256xi32, #tpu.memory_space<vmem>>
    %dma_start3A_113 = tpu.memref_slice %arg3[%add3A_107] : memref<73728xi32, #tpu.memory_space<hbm>> -> memref<256xi32, #tpu.memory_space<hbm>>
    tpu.enqueue_dma source(%dma_start3A_113 : memref<256xi32, #tpu.memory_space<hbm>>) target(%dma_start3A_112 : memref<256xi32, #tpu.memory_space<vmem>>) target_semaphore(%arg10 : memref<!tpu.dma_semaphore, #tpu.memory_space<semaphore_mem>>)
    %add3A_114 = arith.constant 57344 : i32
    %add3A_115 = arith.addi %add3A_114, %mul3A_2 : i32
    %dma_start3A_116 = arith.constant 1792 : i32
    %dma_start3A_117 = tpu.memref_slice %arg6[%dma_start3A_116] : memref<2304xf32, #tpu.memory_space<vmem>> -> memref<256xf32, #tpu.memory_space<vmem>>
    %dma_start3A_118 = tpu.memref_slice %arg2[%add3A_115] : memref<73728xf32, #tpu.memory_space<hbm>> -> memref<256xf32, #tpu.memory_space<hbm>>
    %dma_start3A_119 = arith.constant 1792 : i32
    %dma_start3A_120 = tpu.memref_slice %arg6[%dma_start3A_119] : memref<2304xf32, #tpu.memory_space<vmem>> -> memref<256xf32, #tpu.memory_space<vmem>>
    %dma_start3A_121 = tpu.memref_slice %arg2[%add3A_115] : memref<73728xf32, #tpu.memory_space<hbm>> -> memref<256xf32, #tpu.memory_space<hbm>>
    tpu.enqueue_dma source(%dma_start3A_121 : memref<256xf32, #tpu.memory_space<hbm>>) target(%dma_start3A_120 : memref<256xf32, #tpu.memory_space<vmem>>) target_semaphore(%arg10 : memref<!tpu.dma_semaphore, #tpu.memory_space<semaphore_mem>>)
    %add3A_122 = arith.constant 57344 : i32
    %add3A_123 = arith.addi %add3A_122, %mul3A_2 : i32
    %dma_start3A_124 = arith.constant 1792 : i32
    %dma_start3A_125 = tpu.memref_slice %arg7[%dma_start3A_124] : memref<2304xi32, #tpu.memory_space<vmem>> -> memref<256xi32, #tpu.memory_space<vmem>>
    %dma_start3A_126 = tpu.memref_slice %arg3[%add3A_123] : memref<73728xi32, #tpu.memory_space<hbm>> -> memref<256xi32, #tpu.memory_space<hbm>>
    %dma_start3A_127 = arith.constant 1792 : i32
    %dma_start3A_128 = tpu.memref_slice %arg7[%dma_start3A_127] : memref<2304xi32, #tpu.memory_space<vmem>> -> memref<256xi32, #tpu.memory_space<vmem>>
    %dma_start3A_129 = tpu.memref_slice %arg3[%add3A_123] : memref<73728xi32, #tpu.memory_space<hbm>> -> memref<256xi32, #tpu.memory_space<hbm>>
    tpu.enqueue_dma source(%dma_start3A_129 : memref<256xi32, #tpu.memory_space<hbm>>) target(%dma_start3A_128 : memref<256xi32, #tpu.memory_space<vmem>>) target_semaphore(%arg10 : memref<!tpu.dma_semaphore, #tpu.memory_space<semaphore_mem>>)
    %add3A_130 = arith.constant 65536 : i32
    %add3A_131 = arith.addi %add3A_130, %mul3A_2 : i32
    %dma_start3A_132 = arith.constant 2048 : i32
    %dma_start3A_133 = tpu.memref_slice %arg6[%dma_start3A_132] : memref<2304xf32, #tpu.memory_space<vmem>> -> memref<256xf32, #tpu.memory_space<vmem>>
    %dma_start3A_134 = tpu.memref_slice %arg2[%add3A_131] : memref<73728xf32, #tpu.memory_space<hbm>> -> memref<256xf32, #tpu.memory_space<hbm>>
    %dma_start3A_135 = arith.constant 2048 : i32
    %dma_start3A_136 = tpu.memref_slice %arg6[%dma_start3A_135] : memref<2304xf32, #tpu.memory_space<vmem>> -> memref<256xf32, #tpu.memory_space<vmem>>
    %dma_start3A_137 = tpu.memref_slice %arg2[%add3A_131] : memref<73728xf32, #tpu.memory_space<hbm>> -> memref<256xf32, #tpu.memory_space<hbm>>
    tpu.enqueue_dma source(%dma_start3A_137 : memref<256xf32, #tpu.memory_space<hbm>>) target(%dma_start3A_136 : memref<256xf32, #tpu.memory_space<vmem>>) target_semaphore(%arg10 : memref<!tpu.dma_semaphore, #tpu.memory_space<semaphore_mem>>)
    %add3A_138 = arith.constant 65536 : i32
    %add3A_139 = arith.addi %add3A_138, %mul3A_2 : i32
    %dma_start3A_140 = arith.constant 2048 : i32
    %dma_start3A_141 = tpu.memref_slice %arg7[%dma_start3A_140] : memref<2304xi32, #tpu.memory_space<vmem>> -> memref<256xi32, #tpu.memory_space<vmem>>
    %dma_start3A_142 = tpu.memref_slice %arg3[%add3A_139] : memref<73728xi32, #tpu.memory_space<hbm>> -> memref<256xi32, #tpu.memory_space<hbm>>
    %dma_start3A_143 = arith.constant 2048 : i32
    %dma_start3A_144 = tpu.memref_slice %arg7[%dma_start3A_143] : memref<2304xi32, #tpu.memory_space<vmem>> -> memref<256xi32, #tpu.memory_space<vmem>>
    %dma_start3A_145 = tpu.memref_slice %arg3[%add3A_139] : memref<73728xi32, #tpu.memory_space<hbm>> -> memref<256xi32, #tpu.memory_space<hbm>>
    tpu.enqueue_dma source(%dma_start3A_145 : memref<256xi32, #tpu.memory_space<hbm>>) target(%dma_start3A_144 : memref<256xi32, #tpu.memory_space<vmem>>) target_semaphore(%arg10 : memref<!tpu.dma_semaphore, #tpu.memory_space<semaphore_mem>>)
    %dma_wait3A = arith.constant 0 : i32
    %dma_wait3A_146 = tpu.memref_slice %arg6[%dma_wait3A] : memref<2304xf32, #tpu.memory_space<vmem>> -> memref<256xf32, #tpu.memory_space<vmem>>
    %dma_wait3A_147 = tpu.memref_slice %arg2[%add3A_4] : memref<73728xf32, #tpu.memory_space<hbm>> -> memref<256xf32, #tpu.memory_space<hbm>>
    %dma_wait3A_148 = arith.constant 0 : i32
    %dma_wait3A_149 = tpu.memref_slice %arg6[%dma_wait3A_148] : memref<2304xf32, #tpu.memory_space<vmem>> -> memref<256xf32, #tpu.memory_space<vmem>>
    %dma_wait3A_150 = tpu.memref_slice %arg2[%add3A_4] : memref<73728xf32, #tpu.memory_space<hbm>> -> memref<256xf32, #tpu.memory_space<hbm>>
    tpu.wait_dma2 semaphore(%arg10 : memref<!tpu.dma_semaphore, #tpu.memory_space<semaphore_mem>>) src(%dma_wait3A_150 : memref<256xf32, #tpu.memory_space<hbm>>) dst(%dma_wait3A_149 : memref<256xf32, #tpu.memory_space<vmem>>)
    %dma_wait3A_151 = arith.constant 0 : i32
    %dma_wait3A_152 = tpu.memref_slice %arg7[%dma_wait3A_151] : memref<2304xi32, #tpu.memory_space<vmem>> -> memref<256xi32, #tpu.memory_space<vmem>>
    %dma_wait3A_153 = tpu.memref_slice %arg3[%add3A_11] : memref<73728xi32, #tpu.memory_space<hbm>> -> memref<256xi32, #tpu.memory_space<hbm>>
    %dma_wait3A_154 = arith.constant 0 : i32
    %dma_wait3A_155 = tpu.memref_slice %arg7[%dma_wait3A_154] : memref<2304xi32, #tpu.memory_space<vmem>> -> memref<256xi32, #tpu.memory_space<vmem>>
    %dma_wait3A_156 = tpu.memref_slice %arg3[%add3A_11] : memref<73728xi32, #tpu.memory_space<hbm>> -> memref<256xi32, #tpu.memory_space<hbm>>
    tpu.wait_dma2 semaphore(%arg10 : memref<!tpu.dma_semaphore, #tpu.memory_space<semaphore_mem>>) src(%dma_wait3A_156 : memref<256xi32, #tpu.memory_space<hbm>>) dst(%dma_wait3A_155 : memref<256xi32, #tpu.memory_space<vmem>>)
    %dma_wait3A_157 = arith.constant 256 : i32
    %dma_wait3A_158 = tpu.memref_slice %arg6[%dma_wait3A_157] : memref<2304xf32, #tpu.memory_space<vmem>> -> memref<256xf32, #tpu.memory_space<vmem>>
    %dma_wait3A_159 = tpu.memref_slice %arg2[%add3A_19] : memref<73728xf32, #tpu.memory_space<hbm>> -> memref<256xf32, #tpu.memory_space<hbm>>
    %dma_wait3A_160 = arith.constant 256 : i32
    %dma_wait3A_161 = tpu.memref_slice %arg6[%dma_wait3A_160] : memref<2304xf32, #tpu.memory_space<vmem>> -> memref<256xf32, #tpu.memory_space<vmem>>
    %dma_wait3A_162 = tpu.memref_slice %arg2[%add3A_19] : memref<73728xf32, #tpu.memory_space<hbm>> -> memref<256xf32, #tpu.memory_space<hbm>>
    tpu.wait_dma2 semaphore(%arg10 : memref<!tpu.dma_semaphore, #tpu.memory_space<semaphore_mem>>) src(%dma_wait3A_162 : memref<256xf32, #tpu.memory_space<hbm>>) dst(%dma_wait3A_161 : memref<256xf32, #tpu.memory_space<vmem>>)
    %dma_wait3A_163 = arith.constant 256 : i32
    %dma_wait3A_164 = tpu.memref_slice %arg7[%dma_wait3A_163] : memref<2304xi32, #tpu.memory_space<vmem>> -> memref<256xi32, #tpu.memory_space<vmem>>
    %dma_wait3A_165 = tpu.memref_slice %arg3[%add3A_27] : memref<73728xi32, #tpu.memory_space<hbm>> -> memref<256xi32, #tpu.memory_space<hbm>>
    %dma_wait3A_166 = arith.constant 256 : i32
    %dma_wait3A_167 = tpu.memref_slice %arg7[%dma_wait3A_166] : memref<2304xi32, #tpu.memory_space<vmem>> -> memref<256xi32, #tpu.memory_space<vmem>>
    %dma_wait3A_168 = tpu.memref_slice %arg3[%add3A_27] : memref<73728xi32, #tpu.memory_space<hbm>> -> memref<256xi32, #tpu.memory_space<hbm>>
    tpu.wait_dma2 semaphore(%arg10 : memref<!tpu.dma_semaphore, #tpu.memory_space<semaphore_mem>>) src(%dma_wait3A_168 : memref<256xi32, #tpu.memory_space<hbm>>) dst(%dma_wait3A_167 : memref<256xi32, #tpu.memory_space<vmem>>)
    %dma_wait3A_169 = arith.constant 512 : i32
    %dma_wait3A_170 = tpu.memref_slice %arg6[%dma_wait3A_169] : memref<2304xf32, #tpu.memory_space<vmem>> -> memref<256xf32, #tpu.memory_space<vmem>>
    %dma_wait3A_171 = tpu.memref_slice %arg2[%add3A_35] : memref<73728xf32, #tpu.memory_space<hbm>> -> memref<256xf32, #tpu.memory_space<hbm>>
    %dma_wait3A_172 = arith.constant 512 : i32
    %dma_wait3A_173 = tpu.memref_slice %arg6[%dma_wait3A_172] : memref<2304xf32, #tpu.memory_space<vmem>> -> memref<256xf32, #tpu.memory_space<vmem>>
    %dma_wait3A_174 = tpu.memref_slice %arg2[%add3A_35] : memref<73728xf32, #tpu.memory_space<hbm>> -> memref<256xf32, #tpu.memory_space<hbm>>
    tpu.wait_dma2 semaphore(%arg10 : memref<!tpu.dma_semaphore, #tpu.memory_space<semaphore_mem>>) src(%dma_wait3A_174 : memref<256xf32, #tpu.memory_space<hbm>>) dst(%dma_wait3A_173 : memref<256xf32, #tpu.memory_space<vmem>>)
    %dma_wait3A_175 = arith.constant 512 : i32
    %dma_wait3A_176 = tpu.memref_slice %arg7[%dma_wait3A_175] : memref<2304xi32, #tpu.memory_space<vmem>> -> memref<256xi32, #tpu.memory_space<vmem>>
    %dma_wait3A_177 = tpu.memref_slice %arg3[%add3A_43] : memref<73728xi32, #tpu.memory_space<hbm>> -> memref<256xi32, #tpu.memory_space<hbm>>
    %dma_wait3A_178 = arith.constant 512 : i32
    %dma_wait3A_179 = tpu.memref_slice %arg7[%dma_wait3A_178] : memref<2304xi32, #tpu.memory_space<vmem>> -> memref<256xi32, #tpu.memory_space<vmem>>
    %dma_wait3A_180 = tpu.memref_slice %arg3[%add3A_43] : memref<73728xi32, #tpu.memory_space<hbm>> -> memref<256xi32, #tpu.memory_space<hbm>>
    tpu.wait_dma2 semaphore(%arg10 : memref<!tpu.dma_semaphore, #tpu.memory_space<semaphore_mem>>) src(%dma_wait3A_180 : memref<256xi32, #tpu.memory_space<hbm>>) dst(%dma_wait3A_179 : memref<256xi32, #tpu.memory_space<vmem>>)
    %dma_wait3A_181 = arith.constant 768 : i32
    %dma_wait3A_182 = tpu.memref_slice %arg6[%dma_wait3A_181] : memref<2304xf32, #tpu.memory_space<vmem>> -> memref<256xf32, #tpu.memory_space<vmem>>
    %dma_wait3A_183 = tpu.memref_slice %arg2[%add3A_51] : memref<73728xf32, #tpu.memory_space<hbm>> -> memref<256xf32, #tpu.memory_space<hbm>>
    %dma_wait3A_184 = arith.constant 768 : i32
    %dma_wait3A_185 = tpu.memref_slice %arg6[%dma_wait3A_184] : memref<2304xf32, #tpu.memory_space<vmem>> -> memref<256xf32, #tpu.memory_space<vmem>>
    %dma_wait3A_186 = tpu.memref_slice %arg2[%add3A_51] : memref<73728xf32, #tpu.memory_space<hbm>> -> memref<256xf32, #tpu.memory_space<hbm>>
    tpu.wait_dma2 semaphore(%arg10 : memref<!tpu.dma_semaphore, #tpu.memory_space<semaphore_mem>>) src(%dma_wait3A_186 : memref<256xf32, #tpu.memory_space<hbm>>) dst(%dma_wait3A_185 : memref<256xf32, #tpu.memory_space<vmem>>)
    %dma_wait3A_187 = arith.constant 768 : i32
    %dma_wait3A_188 = tpu.memref_slice %arg7[%dma_wait3A_187] : memref<2304xi32, #tpu.memory_space<vmem>> -> memref<256xi32, #tpu.memory_space<vmem>>
    %dma_wait3A_189 = tpu.memref_slice %arg3[%add3A_59] : memref<73728xi32, #tpu.memory_space<hbm>> -> memref<256xi32, #tpu.memory_space<hbm>>
    %dma_wait3A_190 = arith.constant 768 : i32
    %dma_wait3A_191 = tpu.memref_slice %arg7[%dma_wait3A_190] : memref<2304xi32, #tpu.memory_space<vmem>> -> memref<256xi32, #tpu.memory_space<vmem>>
    %dma_wait3A_192 = tpu.memref_slice %arg3[%add3A_59] : memref<73728xi32, #tpu.memory_space<hbm>> -> memref<256xi32, #tpu.memory_space<hbm>>
    tpu.wait_dma2 semaphore(%arg10 : memref<!tpu.dma_semaphore, #tpu.memory_space<semaphore_mem>>) src(%dma_wait3A_192 : memref<256xi32, #tpu.memory_space<hbm>>) dst(%dma_wait3A_191 : memref<256xi32, #tpu.memory_space<vmem>>)
    %dma_wait3A_193 = arith.constant 1024 : i32
    %dma_wait3A_194 = tpu.memref_slice %arg6[%dma_wait3A_193] : memref<2304xf32, #tpu.memory_space<vmem>> -> memref<256xf32, #tpu.memory_space<vmem>>
    %dma_wait3A_195 = tpu.memref_slice %arg2[%add3A_67] : memref<73728xf32, #tpu.memory_space<hbm>> -> memref<256xf32, #tpu.memory_space<hbm>>
    %dma_wait3A_196 = arith.constant 1024 : i32
    %dma_wait3A_197 = tpu.memref_slice %arg6[%dma_wait3A_196] : memref<2304xf32, #tpu.memory_space<vmem>> -> memref<256xf32, #tpu.memory_space<vmem>>
    %dma_wait3A_198 = tpu.memref_slice %arg2[%add3A_67] : memref<73728xf32, #tpu.memory_space<hbm>> -> memref<256xf32, #tpu.memory_space<hbm>>
    tpu.wait_dma2 semaphore(%arg10 : memref<!tpu.dma_semaphore, #tpu.memory_space<semaphore_mem>>) src(%dma_wait3A_198 : memref<256xf32, #tpu.memory_space<hbm>>) dst(%dma_wait3A_197 : memref<256xf32, #tpu.memory_space<vmem>>)
    %dma_wait3A_199 = arith.constant 1024 : i32
    %dma_wait3A_200 = tpu.memref_slice %arg7[%dma_wait3A_199] : memref<2304xi32, #tpu.memory_space<vmem>> -> memref<256xi32, #tpu.memory_space<vmem>>
    %dma_wait3A_201 = tpu.memref_slice %arg3[%add3A_75] : memref<73728xi32, #tpu.memory_space<hbm>> -> memref<256xi32, #tpu.memory_space<hbm>>
    %dma_wait3A_202 = arith.constant 1024 : i32
    %dma_wait3A_203 = tpu.memref_slice %arg7[%dma_wait3A_202] : memref<2304xi32, #tpu.memory_space<vmem>> -> memref<256xi32, #tpu.memory_space<vmem>>
    %dma_wait3A_204 = tpu.memref_slice %arg3[%add3A_75] : memref<73728xi32, #tpu.memory_space<hbm>> -> memref<256xi32, #tpu.memory_space<hbm>>
    tpu.wait_dma2 semaphore(%arg10 : memref<!tpu.dma_semaphore, #tpu.memory_space<semaphore_mem>>) src(%dma_wait3A_204 : memref<256xi32, #tpu.memory_space<hbm>>) dst(%dma_wait3A_203 : memref<256xi32, #tpu.memory_space<vmem>>)
    %dma_wait3A_205 = arith.constant 1280 : i32
    %dma_wait3A_206 = tpu.memref_slice %arg6[%dma_wait3A_205] : memref<2304xf32, #tpu.memory_space<vmem>> -> memref<256xf32, #tpu.memory_space<vmem>>
    %dma_wait3A_207 = tpu.memref_slice %arg2[%add3A_83] : memref<73728xf32, #tpu.memory_space<hbm>> -> memref<256xf32, #tpu.memory_space<hbm>>
    %dma_wait3A_208 = arith.constant 1280 : i32
    %dma_wait3A_209 = tpu.memref_slice %arg6[%dma_wait3A_208] : memref<2304xf32, #tpu.memory_space<vmem>> -> memref<256xf32, #tpu.memory_space<vmem>>
    %dma_wait3A_210 = tpu.memref_slice %arg2[%add3A_83] : memref<73728xf32, #tpu.memory_space<hbm>> -> memref<256xf32, #tpu.memory_space<hbm>>
    tpu.wait_dma2 semaphore(%arg10 : memref<!tpu.dma_semaphore, #tpu.memory_space<semaphore_mem>>) src(%dma_wait3A_210 : memref<256xf32, #tpu.memory_space<hbm>>) dst(%dma_wait3A_209 : memref<256xf32, #tpu.memory_space<vmem>>)
    %dma_wait3A_211 = arith.constant 1280 : i32
    %dma_wait3A_212 = tpu.memref_slice %arg7[%dma_wait3A_211] : memref<2304xi32, #tpu.memory_space<vmem>> -> memref<256xi32, #tpu.memory_space<vmem>>
    %dma_wait3A_213 = tpu.memref_slice %arg3[%add3A_91] : memref<73728xi32, #tpu.memory_space<hbm>> -> memref<256xi32, #tpu.memory_space<hbm>>
    %dma_wait3A_214 = arith.constant 1280 : i32
    %dma_wait3A_215 = tpu.memref_slice %arg7[%dma_wait3A_214] : memref<2304xi32, #tpu.memory_space<vmem>> -> memref<256xi32, #tpu.memory_space<vmem>>
    %dma_wait3A_216 = tpu.memref_slice %arg3[%add3A_91] : memref<73728xi32, #tpu.memory_space<hbm>> -> memref<256xi32, #tpu.memory_space<hbm>>
    tpu.wait_dma2 semaphore(%arg10 : memref<!tpu.dma_semaphore, #tpu.memory_space<semaphore_mem>>) src(%dma_wait3A_216 : memref<256xi32, #tpu.memory_space<hbm>>) dst(%dma_wait3A_215 : memref<256xi32, #tpu.memory_space<vmem>>)
    %dma_wait3A_217 = arith.constant 1536 : i32
    %dma_wait3A_218 = tpu.memref_slice %arg6[%dma_wait3A_217] : memref<2304xf32, #tpu.memory_space<vmem>> -> memref<256xf32, #tpu.memory_space<vmem>>
    %dma_wait3A_219 = tpu.memref_slice %arg2[%add3A_99] : memref<73728xf32, #tpu.memory_space<hbm>> -> memref<256xf32, #tpu.memory_space<hbm>>
    %dma_wait3A_220 = arith.constant 1536 : i32
    %dma_wait3A_221 = tpu.memref_slice %arg6[%dma_wait3A_220] : memref<2304xf32, #tpu.memory_space<vmem>> -> memref<256xf32, #tpu.memory_space<vmem>>
    %dma_wait3A_222 = tpu.memref_slice %arg2[%add3A_99] : memref<73728xf32, #tpu.memory_space<hbm>> -> memref<256xf32, #tpu.memory_space<hbm>>
    tpu.wait_dma2 semaphore(%arg10 : memref<!tpu.dma_semaphore, #tpu.memory_space<semaphore_mem>>) src(%dma_wait3A_222 : memref<256xf32, #tpu.memory_space<hbm>>) dst(%dma_wait3A_221 : memref<256xf32, #tpu.memory_space<vmem>>)
    %dma_wait3A_223 = arith.constant 1536 : i32
    %dma_wait3A_224 = tpu.memref_slice %arg7[%dma_wait3A_223] : memref<2304xi32, #tpu.memory_space<vmem>> -> memref<256xi32, #tpu.memory_space<vmem>>
    %dma_wait3A_225 = tpu.memref_slice %arg3[%add3A_107] : memref<73728xi32, #tpu.memory_space<hbm>> -> memref<256xi32, #tpu.memory_space<hbm>>
    %dma_wait3A_226 = arith.constant 1536 : i32
    %dma_wait3A_227 = tpu.memref_slice %arg7[%dma_wait3A_226] : memref<2304xi32, #tpu.memory_space<vmem>> -> memref<256xi32, #tpu.memory_space<vmem>>
    %dma_wait3A_228 = tpu.memref_slice %arg3[%add3A_107] : memref<73728xi32, #tpu.memory_space<hbm>> -> memref<256xi32, #tpu.memory_space<hbm>>
    tpu.wait_dma2 semaphore(%arg10 : memref<!tpu.dma_semaphore, #tpu.memory_space<semaphore_mem>>) src(%dma_wait3A_228 : memref<256xi32, #tpu.memory_space<hbm>>) dst(%dma_wait3A_227 : memref<256xi32, #tpu.memory_space<vmem>>)
    %dma_wait3A_229 = arith.constant 1792 : i32
    %dma_wait3A_230 = tpu.memref_slice %arg6[%dma_wait3A_229] : memref<2304xf32, #tpu.memory_space<vmem>> -> memref<256xf32, #tpu.memory_space<vmem>>
    %dma_wait3A_231 = tpu.memref_slice %arg2[%add3A_115] : memref<73728xf32, #tpu.memory_space<hbm>> -> memref<256xf32, #tpu.memory_space<hbm>>
    %dma_wait3A_232 = arith.constant 1792 : i32
    %dma_wait3A_233 = tpu.memref_slice %arg6[%dma_wait3A_232] : memref<2304xf32, #tpu.memory_space<vmem>> -> memref<256xf32, #tpu.memory_space<vmem>>
    %dma_wait3A_234 = tpu.memref_slice %arg2[%add3A_115] : memref<73728xf32, #tpu.memory_space<hbm>> -> memref<256xf32, #tpu.memory_space<hbm>>
    tpu.wait_dma2 semaphore(%arg10 : memref<!tpu.dma_semaphore, #tpu.memory_space<semaphore_mem>>) src(%dma_wait3A_234 : memref<256xf32, #tpu.memory_space<hbm>>) dst(%dma_wait3A_233 : memref<256xf32, #tpu.memory_space<vmem>>)
    %dma_wait3A_235 = arith.constant 1792 : i32
    %dma_wait3A_236 = tpu.memref_slice %arg7[%dma_wait3A_235] : memref<2304xi32, #tpu.memory_space<vmem>> -> memref<256xi32, #tpu.memory_space<vmem>>
    %dma_wait3A_237 = tpu.memref_slice %arg3[%add3A_123] : memref<73728xi32, #tpu.memory_space<hbm>> -> memref<256xi32, #tpu.memory_space<hbm>>
    %dma_wait3A_238 = arith.constant 1792 : i32
    %dma_wait3A_239 = tpu.memref_slice %arg7[%dma_wait3A_238] : memref<2304xi32, #tpu.memory_space<vmem>> -> memref<256xi32, #tpu.memory_space<vmem>>
    %dma_wait3A_240 = tpu.memref_slice %arg3[%add3A_123] : memref<73728xi32, #tpu.memory_space<hbm>> -> memref<256xi32, #tpu.memory_space<hbm>>
    tpu.wait_dma2 semaphore(%arg10 : memref<!tpu.dma_semaphore, #tpu.memory_space<semaphore_mem>>) src(%dma_wait3A_240 : memref<256xi32, #tpu.memory_space<hbm>>) dst(%dma_wait3A_239 : memref<256xi32, #tpu.memory_space<vmem>>)
    %dma_wait3A_241 = arith.constant 2048 : i32
    %dma_wait3A_242 = tpu.memref_slice %arg6[%dma_wait3A_241] : memref<2304xf32, #tpu.memory_space<vmem>> -> memref<256xf32, #tpu.memory_space<vmem>>
    %dma_wait3A_243 = tpu.memref_slice %arg2[%add3A_131] : memref<73728xf32, #tpu.memory_space<hbm>> -> memref<256xf32, #tpu.memory_space<hbm>>
    %dma_wait3A_244 = arith.constant 2048 : i32
    %dma_wait3A_245 = tpu.memref_slice %arg6[%dma_wait3A_244] : memref<2304xf32, #tpu.memory_space<vmem>> -> memref<256xf32, #tpu.memory_space<vmem>>
    %dma_wait3A_246 = tpu.memref_slice %arg2[%add3A_131] : memref<73728xf32, #tpu.memory_space<hbm>> -> memref<256xf32, #tpu.memory_space<hbm>>
    tpu.wait_dma2 semaphore(%arg10 : memref<!tpu.dma_semaphore, #tpu.memory_space<semaphore_mem>>) src(%dma_wait3A_246 : memref<256xf32, #tpu.memory_space<hbm>>) dst(%dma_wait3A_245 : memref<256xf32, #tpu.memory_space<vmem>>)
    %dma_wait3A_247 = arith.constant 2048 : i32
    %dma_wait3A_248 = tpu.memref_slice %arg7[%dma_wait3A_247] : memref<2304xi32, #tpu.memory_space<vmem>> -> memref<256xi32, #tpu.memory_space<vmem>>
    %dma_wait3A_249 = tpu.memref_slice %arg3[%add3A_139] : memref<73728xi32, #tpu.memory_space<hbm>> -> memref<256xi32, #tpu.memory_space<hbm>>
    %dma_wait3A_250 = arith.constant 2048 : i32
    %dma_wait3A_251 = tpu.memref_slice %arg7[%dma_wait3A_250] : memref<2304xi32, #tpu.memory_space<vmem>> -> memref<256xi32, #tpu.memory_space<vmem>>
    %dma_wait3A_252 = tpu.memref_slice %arg3[%add3A_139] : memref<73728xi32, #tpu.memory_space<hbm>> -> memref<256xi32, #tpu.memory_space<hbm>>
    tpu.wait_dma2 semaphore(%arg10 : memref<!tpu.dma_semaphore, #tpu.memory_space<semaphore_mem>>) src(%dma_wait3A_252 : memref<256xi32, #tpu.memory_space<hbm>>) dst(%dma_wait3A_251 : memref<256xi32, #tpu.memory_space<vmem>>)
    %dma_start3A_253 = arith.constant 0 : i32
    %dma_start3A_254 = tpu.memref_slice %arg4[%dma_start3A_253] : memref<14336xf32, #tpu.memory_space<hbm>> -> memref<14336xf32, #tpu.memory_space<hbm>>
    tpu.enqueue_indirect_dma source(%dma_start3A_254 : memref<14336xf32, #tpu.memory_space<hbm>>) target(%arg8 : memref<2304xf32, #tpu.memory_space<vmem>>) offsets(%arg7 : memref<2304xi32, #tpu.memory_space<vmem>>) semaphore(%arg10 : memref<!tpu.dma_semaphore, #tpu.memory_space<semaphore_mem>>)
    %dma_wait3A_255 = arith.constant 0 : i32
    %dma_wait3A_256 = tpu.memref_slice %arg4[%dma_wait3A_255] : memref<14336xf32, #tpu.memory_space<hbm>> -> memref<14336xf32, #tpu.memory_space<hbm>>
    tpu.wait_indirect_dma semaphore(%arg10 : memref<!tpu.dma_semaphore, #tpu.memory_space<semaphore_mem>>) src(%dma_wait3A_256 : memref<14336xf32, #tpu.memory_space<hbm>>) dst(%arg8 : memref<2304xf32, #tpu.memory_space<vmem>>)
    %broadcast_in_dim3A = arith.constant 0.000000e+00 : f32
    %broadcast_in_dim3A_257 = vector.broadcast %broadcast_in_dim3A : f32 to vector<16xf32>
    %get3A = arith.constant 0 : index
    %get3A_258 = tpu.vector_load %arg6[%get3A] {strides = array<i32>} : memref<2304xf32, #tpu.memory_space<vmem>>, vector<16xf32>,
    %get3A_259 = vector.shape_cast %get3A_258 : vector<16xf32> to vector<16xf32>
    %get3A_260 = arith.constant 0 : index
    %get3A_261 = tpu.vector_load %arg8[%get3A_260] {strides = array<i32>} : memref<2304xf32, #tpu.memory_space<vmem>>, vector<16xf32>,
    %get3A_262 = vector.shape_cast %get3A_261 : vector<16xf32> to vector<16xf32>
    %mul3A_263 = arith.mulf %get3A_259, %get3A_262 : vector<16xf32>
    %add3A_264 = arith.addf %broadcast_in_dim3A_257, %mul3A_263 : vector<16xf32>
    %get3A_265 = arith.constant 256 : index
    %get3A_266 = tpu.vector_load %arg6[%get3A_265] {strides = array<i32>} : memref<2304xf32, #tpu.memory_space<vmem>>, vector<16xf32>,
    %get3A_267 = vector.shape_cast %get3A_266 : vector<16xf32> to vector<16xf32>
    %get3A_268 = arith.constant 256 : index
    %get3A_269 = tpu.vector_load %arg8[%get3A_268] {strides = array<i32>} : memref<2304xf32, #tpu.memory_space<vmem>>, vector<16xf32>,
    %get3A_270 = vector.shape_cast %get3A_269 : vector<16xf32> to vector<16xf32>
    %mul3A_271 = arith.mulf %get3A_267, %get3A_270 : vector<16xf32>
    %add3A_272 = arith.addf %add3A_264, %mul3A_271 : vector<16xf32>
    %get3A_273 = arith.constant 512 : index
    %get3A_274 = tpu.vector_load %arg6[%get3A_273] {strides = array<i32>} : memref<2304xf32, #tpu.memory_space<vmem>>, vector<16xf32>,
    %get3A_275 = vector.shape_cast %get3A_274 : vector<16xf32> to vector<16xf32>
    %get3A_276 = arith.constant 512 : index
    %get3A_277 = tpu.vector_load %arg8[%get3A_276] {strides = array<i32>} : memref<2304xf32, #tpu.memory_space<vmem>>, vector<16xf32>,
    %get3A_278 = vector.shape_cast %get3A_277 : vector<16xf32> to vector<16xf32>
    %mul3A_279 = arith.mulf %get3A_275, %get3A_278 : vector<16xf32>
    %add3A_280 = arith.addf %add3A_272, %mul3A_279 : vector<16xf32>
    %get3A_281 = arith.constant 768 : index
    %get3A_282 = tpu.vector_load %arg6[%get3A_281] {strides = array<i32>} : memref<2304xf32, #tpu.memory_space<vmem>>, vector<16xf32>,
    %get3A_283 = vector.shape_cast %get3A_282 : vector<16xf32> to vector<16xf32>
    %get3A_284 = arith.constant 768 : index
    %get3A_285 = tpu.vector_load %arg8[%get3A_284] {strides = array<i32>} : memref<2304xf32, #tpu.memory_space<vmem>>, vector<16xf32>,
    %get3A_286 = vector.shape_cast %get3A_285 : vector<16xf32> to vector<16xf32>
    %mul3A_287 = arith.mulf %get3A_283, %get3A_286 : vector<16xf32>
    %add3A_288 = arith.addf %add3A_280, %mul3A_287 : vector<16xf32>
    %get3A_289 = arith.constant 1024 : index
    %get3A_290 = tpu.vector_load %arg6[%get3A_289] {strides = array<i32>} : memref<2304xf32, #tpu.memory_space<vmem>>, vector<16xf32>,
    %get3A_291 = vector.shape_cast %get3A_290 : vector<16xf32> to vector<16xf32>
    %get3A_292 = arith.constant 1024 : index
    %get3A_293 = tpu.vector_load %arg8[%get3A_292] {strides = array<i32>} : memref<2304xf32, #tpu.memory_space<vmem>>, vector<16xf32>,
    %get3A_294 = vector.shape_cast %get3A_293 : vector<16xf32> to vector<16xf32>
    %mul3A_295 = arith.mulf %get3A_291, %get3A_294 : vector<16xf32>
    %add3A_296 = arith.addf %add3A_288, %mul3A_295 : vector<16xf32>
    %get3A_297 = arith.constant 1280 : index
    %get3A_298 = tpu.vector_load %arg6[%get3A_297] {strides = array<i32>} : memref<2304xf32, #tpu.memory_space<vmem>>, vector<16xf32>,
    %get3A_299 = vector.shape_cast %get3A_298 : vector<16xf32> to vector<16xf32>
    %get3A_300 = arith.constant 1280 : index
    %get3A_301 = tpu.vector_load %arg8[%get3A_300] {strides = array<i32>} : memref<2304xf32, #tpu.memory_space<vmem>>, vector<16xf32>,
    %get3A_302 = vector.shape_cast %get3A_301 : vector<16xf32> to vector<16xf32>
    %mul3A_303 = arith.mulf %get3A_299, %get3A_302 : vector<16xf32>
    %add3A_304 = arith.addf %add3A_296, %mul3A_303 : vector<16xf32>
    %get3A_305 = arith.constant 1536 : index
    %get3A_306 = tpu.vector_load %arg6[%get3A_305] {strides = array<i32>} : memref<2304xf32, #tpu.memory_space<vmem>>, vector<16xf32>,
    %get3A_307 = vector.shape_cast %get3A_306 : vector<16xf32> to vector<16xf32>
    %get3A_308 = arith.constant 1536 : index
    %get3A_309 = tpu.vector_load %arg8[%get3A_308] {strides = array<i32>} : memref<2304xf32, #tpu.memory_space<vmem>>, vector<16xf32>,
    %get3A_310 = vector.shape_cast %get3A_309 : vector<16xf32> to vector<16xf32>
    %mul3A_311 = arith.mulf %get3A_307, %get3A_310 : vector<16xf32>
    %add3A_312 = arith.addf %add3A_304, %mul3A_311 : vector<16xf32>
    %get3A_313 = arith.constant 1792 : index
    %get3A_314 = tpu.vector_load %arg6[%get3A_313] {strides = array<i32>} : memref<2304xf32, #tpu.memory_space<vmem>>, vector<16xf32>,
    %get3A_315 = vector.shape_cast %get3A_314 : vector<16xf32> to vector<16xf32>
    %get3A_316 = arith.constant 1792 : index
    %get3A_317 = tpu.vector_load %arg8[%get3A_316] {strides = array<i32>} : memref<2304xf32, #tpu.memory_space<vmem>>, vector<16xf32>,
    %get3A_318 = vector.shape_cast %get3A_317 : vector<16xf32> to vector<16xf32>
    %mul3A_319 = arith.mulf %get3A_315, %get3A_318 : vector<16xf32>
    %add3A_320 = arith.addf %add3A_312, %mul3A_319 : vector<16xf32>
    %get3A_321 = arith.constant 2048 : index
    %get3A_322 = tpu.vector_load %arg6[%get3A_321] {strides = array<i32>} : memref<2304xf32, #tpu.memory_space<vmem>>, vector<16xf32>,
    %get3A_323 = vector.shape_cast %get3A_322 : vector<16xf32> to vector<16xf32>
    %get3A_324 = arith.constant 2048 : index
    %get3A_325 = tpu.vector_load %arg8[%get3A_324] {strides = array<i32>} : memref<2304xf32, #tpu.memory_space<vmem>>, vector<16xf32>,
    %get3A_326 = vector.shape_cast %get3A_325 : vector<16xf32> to vector<16xf32>
    %mul3A_327 = arith.mulf %get3A_323, %get3A_326 : vector<16xf32>
    %add3A_328 = arith.addf %add3A_320, %mul3A_327 : vector<16xf32>
    %swap3A = arith.constant 0 : index
    %swap3A_329 = tpu.vector_load %arg9[%swap3A] {strides = array<i32>} : memref<256xf32, #tpu.memory_space<vmem>>, vector<16xf32>,
    %swap3A_330 = vector.shape_cast %swap3A_329 : vector<16xf32> to vector<16xf32>
    %swap3A_331 = vector.shape_cast %add3A_328 : vector<16xf32> to vector<16xf32>
    tpu.vector_store %arg9[%swap3A], %swap3A_331 {strides = array<i32>} : memref<256xf32, #tpu.memory_space<vmem>>, vector<16xf32>,
    %broadcast_in_dim3A_332 = arith.constant 0.000000e+00 : f32
    %broadcast_in_dim3A_333 = vector.broadcast %broadcast_in_dim3A_332 : f32 to vector<16xf32>
    %get3A_334 = arith.constant 16 : index
    %get3A_335 = tpu.vector_load %arg6[%get3A_334] {strides = array<i32>} : memref<2304xf32, #tpu.memory_space<vmem>>, vector<16xf32>,
    %get3A_336 = vector.shape_cast %get3A_335 : vector<16xf32> to vector<16xf32>
    %get3A_337 = arith.constant 16 : index
    %get3A_338 = tpu.vector_load %arg8[%get3A_337] {strides = array<i32>} : memref<2304xf32, #tpu.memory_space<vmem>>, vector<16xf32>,
    %get3A_339 = vector.shape_cast %get3A_338 : vector<16xf32> to vector<16xf32>
    %mul3A_340 = arith.mulf %get3A_336, %get3A_339 : vector<16xf32>
    %add3A_341 = arith.addf %broadcast_in_dim3A_333, %mul3A_340 : vector<16xf32>
    %get3A_342 = arith.constant 272 : index
    %get3A_343 = tpu.vector_load %arg6[%get3A_342] {strides = array<i32>} : memref<2304xf32, #tpu.memory_space<vmem>>, vector<16xf32>,
    %get3A_344 = vector.shape_cast %get3A_343 : vector<16xf32> to vector<16xf32>
    %get3A_345 = arith.constant 272 : index
    %get3A_346 = tpu.vector_load %arg8[%get3A_345] {strides = array<i32>} : memref<2304xf32, #tpu.memory_space<vmem>>, vector<16xf32>,
    %get3A_347 = vector.shape_cast %get3A_346 : vector<16xf32> to vector<16xf32>
    %mul3A_348 = arith.mulf %get3A_344, %get3A_347 : vector<16xf32>
    %add3A_349 = arith.addf %add3A_341, %mul3A_348 : vector<16xf32>
    %get3A_350 = arith.constant 528 : index
    %get3A_351 = tpu.vector_load %arg6[%get3A_350] {strides = array<i32>} : memref<2304xf32, #tpu.memory_space<vmem>>, vector<16xf32>,
    %get3A_352 = vector.shape_cast %get3A_351 : vector<16xf32> to vector<16xf32>
    %get3A_353 = arith.constant 528 : index
    %get3A_354 = tpu.vector_load %arg8[%get3A_353] {strides = array<i32>} : memref<2304xf32, #tpu.memory_space<vmem>>, vector<16xf32>,
    %get3A_355 = vector.shape_cast %get3A_354 : vector<16xf32> to vector<16xf32>
    %mul3A_356 = arith.mulf %get3A_352, %get3A_355 : vector<16xf32>
    %add3A_357 = arith.addf %add3A_349, %mul3A_356 : vector<16xf32>
    %get3A_358 = arith.constant 784 : index
    %get3A_359 = tpu.vector_load %arg6[%get3A_358] {strides = array<i32>} : memref<2304xf32, #tpu.memory_space<vmem>>, vector<16xf32>,
    %get3A_360 = vector.shape_cast %get3A_359 : vector<16xf32> to vector<16xf32>
    %get3A_361 = arith.constant 784 : index
    %get3A_362 = tpu.vector_load %arg8[%get3A_361] {strides = array<i32>} : memref<2304xf32, #tpu.memory_space<vmem>>, vector<16xf32>,
    %get3A_363 = vector.shape_cast %get3A_362 : vector<16xf32> to vector<16xf32>
    %mul3A_364 = arith.mulf %get3A_360, %get3A_363 : vector<16xf32>
    %add3A_365 = arith.addf %add3A_357, %mul3A_364 : vector<16xf32>
    %get3A_366 = arith.constant 1040 : index
    %get3A_367 = tpu.vector_load %arg6[%get3A_366] {strides = array<i32>} : memref<2304xf32, #tpu.memory_space<vmem>>, vector<16xf32>,
    %get3A_368 = vector.shape_cast %get3A_367 : vector<16xf32> to vector<16xf32>
    %get3A_369 = arith.constant 1040 : index
    %get3A_370 = tpu.vector_load %arg8[%get3A_369] {strides = array<i32>} : memref<2304xf32, #tpu.memory_space<vmem>>, vector<16xf32>,
    %get3A_371 = vector.shape_cast %get3A_370 : vector<16xf32> to vector<16xf32>
    %mul3A_372 = arith.mulf %get3A_368, %get3A_371 : vector<16xf32>
    %add3A_373 = arith.addf %add3A_365, %mul3A_372 : vector<16xf32>
    %get3A_374 = arith.constant 1296 : index
    %get3A_375 = tpu.vector_load %arg6[%get3A_374] {strides = array<i32>} : memref<2304xf32, #tpu.memory_space<vmem>>, vector<16xf32>,
    %get3A_376 = vector.shape_cast %get3A_375 : vector<16xf32> to vector<16xf32>
    %get3A_377 = arith.constant 1296 : index
    %get3A_378 = tpu.vector_load %arg8[%get3A_377] {strides = array<i32>} : memref<2304xf32, #tpu.memory_space<vmem>>, vector<16xf32>,
    %get3A_379 = vector.shape_cast %get3A_378 : vector<16xf32> to vector<16xf32>
    %mul3A_380 = arith.mulf %get3A_376, %get3A_379 : vector<16xf32>
    %add3A_381 = arith.addf %add3A_373, %mul3A_380 : vector<16xf32>
    %get3A_382 = arith.constant 1552 : index
    %get3A_383 = tpu.vector_load %arg6[%get3A_382] {strides = array<i32>} : memref<2304xf32, #tpu.memory_space<vmem>>, vector<16xf32>,
    %get3A_384 = vector.shape_cast %get3A_383 : vector<16xf32> to vector<16xf32>
    %get3A_385 = arith.constant 1552 : index
    %get3A_386 = tpu.vector_load %arg8[%get3A_385] {strides = array<i32>} : memref<2304xf32, #tpu.memory_space<vmem>>, vector<16xf32>,
    %get3A_387 = vector.shape_cast %get3A_386 : vector<16xf32> to vector<16xf32>
    %mul3A_388 = arith.mulf %get3A_384, %get3A_387 : vector<16xf32>
    %add3A_389 = arith.addf %add3A_381, %mul3A_388 : vector<16xf32>
    %get3A_390 = arith.constant 1808 : index
    %get3A_391 = tpu.vector_load %arg6[%get3A_390] {strides = array<i32>} : memref<2304xf32, #tpu.memory_space<vmem>>, vector<16xf32>,
    %get3A_392 = vector.shape_cast %get3A_391 : vector<16xf32> to vector<16xf32>
    %get3A_393 = arith.constant 1808 : index
    %get3A_394 = tpu.vector_load %arg8[%get3A_393] {strides = array<i32>} : memref<2304xf32, #tpu.memory_space<vmem>>, vector<16xf32>,
    %get3A_395 = vector.shape_cast %get3A_394 : vector<16xf32> to vector<16xf32>
    %mul3A_396 = arith.mulf %get3A_392, %get3A_395 : vector<16xf32>
    %add3A_397 = arith.addf %add3A_389, %mul3A_396 : vector<16xf32>
    %get3A_398 = arith.constant 2064 : index
    %get3A_399 = tpu.vector_load %arg6[%get3A_398] {strides = array<i32>} : memref<2304xf32, #tpu.memory_space<vmem>>, vector<16xf32>,
    %get3A_400 = vector.shape_cast %get3A_399 : vector<16xf32> to vector<16xf32>
    %get3A_401 = arith.constant 2064 : index
    %get3A_402 = tpu.vector_load %arg8[%get3A_401] {strides = array<i32>} : memref<2304xf32, #tpu.memory_space<vmem>>, vector<16xf32>,
    %get3A_403 = vector.shape_cast %get3A_402 : vector<16xf32> to vector<16xf32>
    %mul3A_404 = arith.mulf %get3A_400, %get3A_403 : vector<16xf32>
    %add3A_405 = arith.addf %add3A_397, %mul3A_404 : vector<16xf32>
    %swap3A_406 = arith.constant 16 : index
    %swap3A_407 = tpu.vector_load %arg9[%swap3A_406] {strides = array<i32>} : memref<256xf32, #tpu.memory_space<vmem>>, vector<16xf32>,
    %swap3A_408 = vector.shape_cast %swap3A_407 : vector<16xf32> to vector<16xf32>
    %swap3A_409 = vector.shape_cast %add3A_405 : vector<16xf32> to vector<16xf32>
    tpu.vector_store %arg9[%swap3A_406], %swap3A_409 {strides = array<i32>} : memref<256xf32, #tpu.memory_space<vmem>>, vector<16xf32>,
    %broadcast_in_dim3A_410 = arith.constant 0.000000e+00 : f32
    %broadcast_in_dim3A_411 = vector.broadcast %broadcast_in_dim3A_410 : f32 to vector<16xf32>
    %get3A_412 = arith.constant 32 : index
    %get3A_413 = tpu.vector_load %arg6[%get3A_412] {strides = array<i32>} : memref<2304xf32, #tpu.memory_space<vmem>>, vector<16xf32>,
    %get3A_414 = vector.shape_cast %get3A_413 : vector<16xf32> to vector<16xf32>
    %get3A_415 = arith.constant 32 : index
    %get3A_416 = tpu.vector_load %arg8[%get3A_415] {strides = array<i32>} : memref<2304xf32, #tpu.memory_space<vmem>>, vector<16xf32>,
    %get3A_417 = vector.shape_cast %get3A_416 : vector<16xf32> to vector<16xf32>
    %mul3A_418 = arith.mulf %get3A_414, %get3A_417 : vector<16xf32>
    %add3A_419 = arith.addf %broadcast_in_dim3A_411, %mul3A_418 : vector<16xf32>
    %get3A_420 = arith.constant 288 : index
    %get3A_421 = tpu.vector_load %arg6[%get3A_420] {strides = array<i32>} : memref<2304xf32, #tpu.memory_space<vmem>>, vector<16xf32>,
    %get3A_422 = vector.shape_cast %get3A_421 : vector<16xf32> to vector<16xf32>
    %get3A_423 = arith.constant 288 : index
    %get3A_424 = tpu.vector_load %arg8[%get3A_423] {strides = array<i32>} : memref<2304xf32, #tpu.memory_space<vmem>>, vector<16xf32>,
    %get3A_425 = vector.shape_cast %get3A_424 : vector<16xf32> to vector<16xf32>
    %mul3A_426 = arith.mulf %get3A_422, %get3A_425 : vector<16xf32>
    %add3A_427 = arith.addf %add3A_419, %mul3A_426 : vector<16xf32>
    %get3A_428 = arith.constant 544 : index
    %get3A_429 = tpu.vector_load %arg6[%get3A_428] {strides = array<i32>} : memref<2304xf32, #tpu.memory_space<vmem>>, vector<16xf32>,
    %get3A_430 = vector.shape_cast %get3A_429 : vector<16xf32> to vector<16xf32>
    %get3A_431 = arith.constant 544 : index
    %get3A_432 = tpu.vector_load %arg8[%get3A_431] {strides = array<i32>} : memref<2304xf32, #tpu.memory_space<vmem>>, vector<16xf32>,
    %get3A_433 = vector.shape_cast %get3A_432 : vector<16xf32> to vector<16xf32>
    %mul3A_434 = arith.mulf %get3A_430, %get3A_433 : vector<16xf32>
    %add3A_435 = arith.addf %add3A_427, %mul3A_434 : vector<16xf32>
    %get3A_436 = arith.constant 800 : index
    %get3A_437 = tpu.vector_load %arg6[%get3A_436] {strides = array<i32>} : memref<2304xf32, #tpu.memory_space<vmem>>, vector<16xf32>,
    %get3A_438 = vector.shape_cast %get3A_437 : vector<16xf32> to vector<16xf32>
    %get3A_439 = arith.constant 800 : index
    %get3A_440 = tpu.vector_load %arg8[%get3A_439] {strides = array<i32>} : memref<2304xf32, #tpu.memory_space<vmem>>, vector<16xf32>,
    %get3A_441 = vector.shape_cast %get3A_440 : vector<16xf32> to vector<16xf32>
    %mul3A_442 = arith.mulf %get3A_438, %get3A_441 : vector<16xf32>
    %add3A_443 = arith.addf %add3A_435, %mul3A_442 : vector<16xf32>
    %get3A_444 = arith.constant 1056 : index
    %get3A_445 = tpu.vector_load %arg6[%get3A_444] {strides = array<i32>} : memref<2304xf32, #tpu.memory_space<vmem>>, vector<16xf32>,
    %get3A_446 = vector.shape_cast %get3A_445 : vector<16xf32> to vector<16xf32>
    %get3A_447 = arith.constant 1056 : index
    %get3A_448 = tpu.vector_load %arg8[%get3A_447] {strides = array<i32>} : memref<2304xf32, #tpu.memory_space<vmem>>, vector<16xf32>,
    %get3A_449 = vector.shape_cast %get3A_448 : vector<16xf32> to vector<16xf32>
    %mul3A_450 = arith.mulf %get3A_446, %get3A_449 : vector<16xf32>
    %add3A_451 = arith.addf %add3A_443, %mul3A_450 : vector<16xf32>
    %get3A_452 = arith.constant 1312 : index
    %get3A_453 = tpu.vector_load %arg6[%get3A_452] {strides = array<i32>} : memref<2304xf32, #tpu.memory_space<vmem>>, vector<16xf32>,
    %get3A_454 = vector.shape_cast %get3A_453 : vector<16xf32> to vector<16xf32>
    %get3A_455 = arith.constant 1312 : index
    %get3A_456 = tpu.vector_load %arg8[%get3A_455] {strides = array<i32>} : memref<2304xf32, #tpu.memory_space<vmem>>, vector<16xf32>,
    %get3A_457 = vector.shape_cast %get3A_456 : vector<16xf32> to vector<16xf32>
    %mul3A_458 = arith.mulf %get3A_454, %get3A_457 : vector<16xf32>
    %add3A_459 = arith.addf %add3A_451, %mul3A_458 : vector<16xf32>
    %get3A_460 = arith.constant 1568 : index
    %get3A_461 = tpu.vector_load %arg6[%get3A_460] {strides = array<i32>} : memref<2304xf32, #tpu.memory_space<vmem>>, vector<16xf32>,
    %get3A_462 = vector.shape_cast %get3A_461 : vector<16xf32> to vector<16xf32>
    %get3A_463 = arith.constant 1568 : index
    %get3A_464 = tpu.vector_load %arg8[%get3A_463] {strides = array<i32>} : memref<2304xf32, #tpu.memory_space<vmem>>, vector<16xf32>,
    %get3A_465 = vector.shape_cast %get3A_464 : vector<16xf32> to vector<16xf32>
    %mul3A_466 = arith.mulf %get3A_462, %get3A_465 : vector<16xf32>
    %add3A_467 = arith.addf %add3A_459, %mul3A_466 : vector<16xf32>
    %get3A_468 = arith.constant 1824 : index
    %get3A_469 = tpu.vector_load %arg6[%get3A_468] {strides = array<i32>} : memref<2304xf32, #tpu.memory_space<vmem>>, vector<16xf32>,
    %get3A_470 = vector.shape_cast %get3A_469 : vector<16xf32> to vector<16xf32>
    %get3A_471 = arith.constant 1824 : index
    %get3A_472 = tpu.vector_load %arg8[%get3A_471] {strides = array<i32>} : memref<2304xf32, #tpu.memory_space<vmem>>, vector<16xf32>,
    %get3A_473 = vector.shape_cast %get3A_472 : vector<16xf32> to vector<16xf32>
    %mul3A_474 = arith.mulf %get3A_470, %get3A_473 : vector<16xf32>
    %add3A_475 = arith.addf %add3A_467, %mul3A_474 : vector<16xf32>
    %get3A_476 = arith.constant 2080 : index
    %get3A_477 = tpu.vector_load %arg6[%get3A_476] {strides = array<i32>} : memref<2304xf32, #tpu.memory_space<vmem>>, vector<16xf32>,
    %get3A_478 = vector.shape_cast %get3A_477 : vector<16xf32> to vector<16xf32>
    %get3A_479 = arith.constant 2080 : index
    %get3A_480 = tpu.vector_load %arg8[%get3A_479] {strides = array<i32>} : memref<2304xf32, #tpu.memory_space<vmem>>, vector<16xf32>,
    %get3A_481 = vector.shape_cast %get3A_480 : vector<16xf32> to vector<16xf32>
    %mul3A_482 = arith.mulf %get3A_478, %get3A_481 : vector<16xf32>
    %add3A_483 = arith.addf %add3A_475, %mul3A_482 : vector<16xf32>
    %swap3A_484 = arith.constant 32 : index
    %swap3A_485 = tpu.vector_load %arg9[%swap3A_484] {strides = array<i32>} : memref<256xf32, #tpu.memory_space<vmem>>, vector<16xf32>,
    %swap3A_486 = vector.shape_cast %swap3A_485 : vector<16xf32> to vector<16xf32>
    %swap3A_487 = vector.shape_cast %add3A_483 : vector<16xf32> to vector<16xf32>
    tpu.vector_store %arg9[%swap3A_484], %swap3A_487 {strides = array<i32>} : memref<256xf32, #tpu.memory_space<vmem>>, vector<16xf32>,
    %broadcast_in_dim3A_488 = arith.constant 0.000000e+00 : f32
    %broadcast_in_dim3A_489 = vector.broadcast %broadcast_in_dim3A_488 : f32 to vector<16xf32>
    %get3A_490 = arith.constant 48 : index
    %get3A_491 = tpu.vector_load %arg6[%get3A_490] {strides = array<i32>} : memref<2304xf32, #tpu.memory_space<vmem>>, vector<16xf32>,
    %get3A_492 = vector.shape_cast %get3A_491 : vector<16xf32> to vector<16xf32>
    %get3A_493 = arith.constant 48 : index
    %get3A_494 = tpu.vector_load %arg8[%get3A_493] {strides = array<i32>} : memref<2304xf32, #tpu.memory_space<vmem>>, vector<16xf32>,
    %get3A_495 = vector.shape_cast %get3A_494 : vector<16xf32> to vector<16xf32>
    %mul3A_496 = arith.mulf %get3A_492, %get3A_495 : vector<16xf32>
    %add3A_497 = arith.addf %broadcast_in_dim3A_489, %mul3A_496 : vector<16xf32>
    %get3A_498 = arith.constant 304 : index
    %get3A_499 = tpu.vector_load %arg6[%get3A_498] {strides = array<i32>} : memref<2304xf32, #tpu.memory_space<vmem>>, vector<16xf32>,
    %get3A_500 = vector.shape_cast %get3A_499 : vector<16xf32> to vector<16xf32>
    %get3A_501 = arith.constant 304 : index
    %get3A_502 = tpu.vector_load %arg8[%get3A_501] {strides = array<i32>} : memref<2304xf32, #tpu.memory_space<vmem>>, vector<16xf32>,
    %get3A_503 = vector.shape_cast %get3A_502 : vector<16xf32> to vector<16xf32>
    %mul3A_504 = arith.mulf %get3A_500, %get3A_503 : vector<16xf32>
    %add3A_505 = arith.addf %add3A_497, %mul3A_504 : vector<16xf32>
    %get3A_506 = arith.constant 560 : index
    %get3A_507 = tpu.vector_load %arg6[%get3A_506] {strides = array<i32>} : memref<2304xf32, #tpu.memory_space<vmem>>, vector<16xf32>,
    %get3A_508 = vector.shape_cast %get3A_507 : vector<16xf32> to vector<16xf32>
    %get3A_509 = arith.constant 560 : index
    %get3A_510 = tpu.vector_load %arg8[%get3A_509] {strides = array<i32>} : memref<2304xf32, #tpu.memory_space<vmem>>, vector<16xf32>,
    %get3A_511 = vector.shape_cast %get3A_510 : vector<16xf32> to vector<16xf32>
    %mul3A_512 = arith.mulf %get3A_508, %get3A_511 : vector<16xf32>
    %add3A_513 = arith.addf %add3A_505, %mul3A_512 : vector<16xf32>
    %get3A_514 = arith.constant 816 : index
    %get3A_515 = tpu.vector_load %arg6[%get3A_514] {strides = array<i32>} : memref<2304xf32, #tpu.memory_space<vmem>>, vector<16xf32>,
    %get3A_516 = vector.shape_cast %get3A_515 : vector<16xf32> to vector<16xf32>
    %get3A_517 = arith.constant 816 : index
    %get3A_518 = tpu.vector_load %arg8[%get3A_517] {strides = array<i32>} : memref<2304xf32, #tpu.memory_space<vmem>>, vector<16xf32>,
    %get3A_519 = vector.shape_cast %get3A_518 : vector<16xf32> to vector<16xf32>
    %mul3A_520 = arith.mulf %get3A_516, %get3A_519 : vector<16xf32>
    %add3A_521 = arith.addf %add3A_513, %mul3A_520 : vector<16xf32>
    %get3A_522 = arith.constant 1072 : index
    %get3A_523 = tpu.vector_load %arg6[%get3A_522] {strides = array<i32>} : memref<2304xf32, #tpu.memory_space<vmem>>, vector<16xf32>,
    %get3A_524 = vector.shape_cast %get3A_523 : vector<16xf32> to vector<16xf32>
    %get3A_525 = arith.constant 1072 : index
    %get3A_526 = tpu.vector_load %arg8[%get3A_525] {strides = array<i32>} : memref<2304xf32, #tpu.memory_space<vmem>>, vector<16xf32>,
    %get3A_527 = vector.shape_cast %get3A_526 : vector<16xf32> to vector<16xf32>
    %mul3A_528 = arith.mulf %get3A_524, %get3A_527 : vector<16xf32>
    %add3A_529 = arith.addf %add3A_521, %mul3A_528 : vector<16xf32>
    %get3A_530 = arith.constant 1328 : index
    %get3A_531 = tpu.vector_load %arg6[%get3A_530] {strides = array<i32>} : memref<2304xf32, #tpu.memory_space<vmem>>, vector<16xf32>,
    %get3A_532 = vector.shape_cast %get3A_531 : vector<16xf32> to vector<16xf32>
    %get3A_533 = arith.constant 1328 : index
    %get3A_534 = tpu.vector_load %arg8[%get3A_533] {strides = array<i32>} : memref<2304xf32, #tpu.memory_space<vmem>>, vector<16xf32>,
    %get3A_535 = vector.shape_cast %get3A_534 : vector<16xf32> to vector<16xf32>
    %mul3A_536 = arith.mulf %get3A_532, %get3A_535 : vector<16xf32>
    %add3A_537 = arith.addf %add3A_529, %mul3A_536 : vector<16xf32>
    %get3A_538 = arith.constant 1584 : index
    %get3A_539 = tpu.vector_load %arg6[%get3A_538] {strides = array<i32>} : memref<2304xf32, #tpu.memory_space<vmem>>, vector<16xf32>,
    %get3A_540 = vector.shape_cast %get3A_539 : vector<16xf32> to vector<16xf32>
    %get3A_541 = arith.constant 1584 : index
    %get3A_542 = tpu.vector_load %arg8[%get3A_541] {strides = array<i32>} : memref<2304xf32, #tpu.memory_space<vmem>>, vector<16xf32>,
    %get3A_543 = vector.shape_cast %get3A_542 : vector<16xf32> to vector<16xf32>
    %mul3A_544 = arith.mulf %get3A_540, %get3A_543 : vector<16xf32>
    %add3A_545 = arith.addf %add3A_537, %mul3A_544 : vector<16xf32>
    %get3A_546 = arith.constant 1840 : index
    %get3A_547 = tpu.vector_load %arg6[%get3A_546] {strides = array<i32>} : memref<2304xf32, #tpu.memory_space<vmem>>, vector<16xf32>,
    %get3A_548 = vector.shape_cast %get3A_547 : vector<16xf32> to vector<16xf32>
    %get3A_549 = arith.constant 1840 : index
    %get3A_550 = tpu.vector_load %arg8[%get3A_549] {strides = array<i32>} : memref<2304xf32, #tpu.memory_space<vmem>>, vector<16xf32>,
    %get3A_551 = vector.shape_cast %get3A_550 : vector<16xf32> to vector<16xf32>
    %mul3A_552 = arith.mulf %get3A_548, %get3A_551 : vector<16xf32>
    %add3A_553 = arith.addf %add3A_545, %mul3A_552 : vector<16xf32>
    %get3A_554 = arith.constant 2096 : index
    %get3A_555 = tpu.vector_load %arg6[%get3A_554] {strides = array<i32>} : memref<2304xf32, #tpu.memory_space<vmem>>, vector<16xf32>,
    %get3A_556 = vector.shape_cast %get3A_555 : vector<16xf32> to vector<16xf32>
    %get3A_557 = arith.constant 2096 : index
    %get3A_558 = tpu.vector_load %arg8[%get3A_557] {strides = array<i32>} : memref<2304xf32, #tpu.memory_space<vmem>>, vector<16xf32>,
    %get3A_559 = vector.shape_cast %get3A_558 : vector<16xf32> to vector<16xf32>
    %mul3A_560 = arith.mulf %get3A_556, %get3A_559 : vector<16xf32>
    %add3A_561 = arith.addf %add3A_553, %mul3A_560 : vector<16xf32>
    %swap3A_562 = arith.constant 48 : index
    %swap3A_563 = tpu.vector_load %arg9[%swap3A_562] {strides = array<i32>} : memref<256xf32, #tpu.memory_space<vmem>>, vector<16xf32>,
    %swap3A_564 = vector.shape_cast %swap3A_563 : vector<16xf32> to vector<16xf32>
    %swap3A_565 = vector.shape_cast %add3A_561 : vector<16xf32> to vector<16xf32>
    tpu.vector_store %arg9[%swap3A_562], %swap3A_565 {strides = array<i32>} : memref<256xf32, #tpu.memory_space<vmem>>, vector<16xf32>,
    %broadcast_in_dim3A_566 = arith.constant 0.000000e+00 : f32
    %broadcast_in_dim3A_567 = vector.broadcast %broadcast_in_dim3A_566 : f32 to vector<16xf32>
    %get3A_568 = arith.constant 64 : index
    %get3A_569 = tpu.vector_load %arg6[%get3A_568] {strides = array<i32>} : memref<2304xf32, #tpu.memory_space<vmem>>, vector<16xf32>,
    %get3A_570 = vector.shape_cast %get3A_569 : vector<16xf32> to vector<16xf32>
    %get3A_571 = arith.constant 64 : index
    %get3A_572 = tpu.vector_load %arg8[%get3A_571] {strides = array<i32>} : memref<2304xf32, #tpu.memory_space<vmem>>, vector<16xf32>,
    %get3A_573 = vector.shape_cast %get3A_572 : vector<16xf32> to vector<16xf32>
    %mul3A_574 = arith.mulf %get3A_570, %get3A_573 : vector<16xf32>
    %add3A_575 = arith.addf %broadcast_in_dim3A_567, %mul3A_574 : vector<16xf32>
    %get3A_576 = arith.constant 320 : index
    %get3A_577 = tpu.vector_load %arg6[%get3A_576] {strides = array<i32>} : memref<2304xf32, #tpu.memory_space<vmem>>, vector<16xf32>,
    %get3A_578 = vector.shape_cast %get3A_577 : vector<16xf32> to vector<16xf32>
    %get3A_579 = arith.constant 320 : index
    %get3A_580 = tpu.vector_load %arg8[%get3A_579] {strides = array<i32>} : memref<2304xf32, #tpu.memory_space<vmem>>, vector<16xf32>,
    %get3A_581 = vector.shape_cast %get3A_580 : vector<16xf32> to vector<16xf32>
    %mul3A_582 = arith.mulf %get3A_578, %get3A_581 : vector<16xf32>
    %add3A_583 = arith.addf %add3A_575, %mul3A_582 : vector<16xf32>
    %get3A_584 = arith.constant 576 : index
    %get3A_585 = tpu.vector_load %arg6[%get3A_584] {strides = array<i32>} : memref<2304xf32, #tpu.memory_space<vmem>>, vector<16xf32>,
    %get3A_586 = vector.shape_cast %get3A_585 : vector<16xf32> to vector<16xf32>
    %get3A_587 = arith.constant 576 : index
    %get3A_588 = tpu.vector_load %arg8[%get3A_587] {strides = array<i32>} : memref<2304xf32, #tpu.memory_space<vmem>>, vector<16xf32>,
    %get3A_589 = vector.shape_cast %get3A_588 : vector<16xf32> to vector<16xf32>
    %mul3A_590 = arith.mulf %get3A_586, %get3A_589 : vector<16xf32>
    %add3A_591 = arith.addf %add3A_583, %mul3A_590 : vector<16xf32>
    %get3A_592 = arith.constant 832 : index
    %get3A_593 = tpu.vector_load %arg6[%get3A_592] {strides = array<i32>} : memref<2304xf32, #tpu.memory_space<vmem>>, vector<16xf32>,
    %get3A_594 = vector.shape_cast %get3A_593 : vector<16xf32> to vector<16xf32>
    %get3A_595 = arith.constant 832 : index
    %get3A_596 = tpu.vector_load %arg8[%get3A_595] {strides = array<i32>} : memref<2304xf32, #tpu.memory_space<vmem>>, vector<16xf32>,
    %get3A_597 = vector.shape_cast %get3A_596 : vector<16xf32> to vector<16xf32>
    %mul3A_598 = arith.mulf %get3A_594, %get3A_597 : vector<16xf32>
    %add3A_599 = arith.addf %add3A_591, %mul3A_598 : vector<16xf32>
    %get3A_600 = arith.constant 1088 : index
    %get3A_601 = tpu.vector_load %arg6[%get3A_600] {strides = array<i32>} : memref<2304xf32, #tpu.memory_space<vmem>>, vector<16xf32>,
    %get3A_602 = vector.shape_cast %get3A_601 : vector<16xf32> to vector<16xf32>
    %get3A_603 = arith.constant 1088 : index
    %get3A_604 = tpu.vector_load %arg8[%get3A_603] {strides = array<i32>} : memref<2304xf32, #tpu.memory_space<vmem>>, vector<16xf32>,
    %get3A_605 = vector.shape_cast %get3A_604 : vector<16xf32> to vector<16xf32>
    %mul3A_606 = arith.mulf %get3A_602, %get3A_605 : vector<16xf32>
    %add3A_607 = arith.addf %add3A_599, %mul3A_606 : vector<16xf32>
    %get3A_608 = arith.constant 1344 : index
    %get3A_609 = tpu.vector_load %arg6[%get3A_608] {strides = array<i32>} : memref<2304xf32, #tpu.memory_space<vmem>>, vector<16xf32>,
    %get3A_610 = vector.shape_cast %get3A_609 : vector<16xf32> to vector<16xf32>
    %get3A_611 = arith.constant 1344 : index
    %get3A_612 = tpu.vector_load %arg8[%get3A_611] {strides = array<i32>} : memref<2304xf32, #tpu.memory_space<vmem>>, vector<16xf32>,
    %get3A_613 = vector.shape_cast %get3A_612 : vector<16xf32> to vector<16xf32>
    %mul3A_614 = arith.mulf %get3A_610, %get3A_613 : vector<16xf32>
    %add3A_615 = arith.addf %add3A_607, %mul3A_614 : vector<16xf32>
    %get3A_616 = arith.constant 1600 : index
    %get3A_617 = tpu.vector_load %arg6[%get3A_616] {strides = array<i32>} : memref<2304xf32, #tpu.memory_space<vmem>>, vector<16xf32>,
    %get3A_618 = vector.shape_cast %get3A_617 : vector<16xf32> to vector<16xf32>
    %get3A_619 = arith.constant 1600 : index
    %get3A_620 = tpu.vector_load %arg8[%get3A_619] {strides = array<i32>} : memref<2304xf32, #tpu.memory_space<vmem>>, vector<16xf32>,
    %get3A_621 = vector.shape_cast %get3A_620 : vector<16xf32> to vector<16xf32>
    %mul3A_622 = arith.mulf %get3A_618, %get3A_621 : vector<16xf32>
    %add3A_623 = arith.addf %add3A_615, %mul3A_622 : vector<16xf32>
    %get3A_624 = arith.constant 1856 : index
    %get3A_625 = tpu.vector_load %arg6[%get3A_624] {strides = array<i32>} : memref<2304xf32, #tpu.memory_space<vmem>>, vector<16xf32>,
    %get3A_626 = vector.shape_cast %get3A_625 : vector<16xf32> to vector<16xf32>
    %get3A_627 = arith.constant 1856 : index
    %get3A_628 = tpu.vector_load %arg8[%get3A_627] {strides = array<i32>} : memref<2304xf32, #tpu.memory_space<vmem>>, vector<16xf32>,
    %get3A_629 = vector.shape_cast %get3A_628 : vector<16xf32> to vector<16xf32>
    %mul3A_630 = arith.mulf %get3A_626, %get3A_629 : vector<16xf32>
    %add3A_631 = arith.addf %add3A_623, %mul3A_630 : vector<16xf32>
    %get3A_632 = arith.constant 2112 : index
    %get3A_633 = tpu.vector_load %arg6[%get3A_632] {strides = array<i32>} : memref<2304xf32, #tpu.memory_space<vmem>>, vector<16xf32>,
    %get3A_634 = vector.shape_cast %get3A_633 : vector<16xf32> to vector<16xf32>
    %get3A_635 = arith.constant 2112 : index
    %get3A_636 = tpu.vector_load %arg8[%get3A_635] {strides = array<i32>} : memref<2304xf32, #tpu.memory_space<vmem>>, vector<16xf32>,
    %get3A_637 = vector.shape_cast %get3A_636 : vector<16xf32> to vector<16xf32>
    %mul3A_638 = arith.mulf %get3A_634, %get3A_637 : vector<16xf32>
    %add3A_639 = arith.addf %add3A_631, %mul3A_638 : vector<16xf32>
    %swap3A_640 = arith.constant 64 : index
    %swap3A_641 = tpu.vector_load %arg9[%swap3A_640] {strides = array<i32>} : memref<256xf32, #tpu.memory_space<vmem>>, vector<16xf32>,
    %swap3A_642 = vector.shape_cast %swap3A_641 : vector<16xf32> to vector<16xf32>
    %swap3A_643 = vector.shape_cast %add3A_639 : vector<16xf32> to vector<16xf32>
    tpu.vector_store %arg9[%swap3A_640], %swap3A_643 {strides = array<i32>} : memref<256xf32, #tpu.memory_space<vmem>>, vector<16xf32>,
    %broadcast_in_dim3A_644 = arith.constant 0.000000e+00 : f32
    %broadcast_in_dim3A_645 = vector.broadcast %broadcast_in_dim3A_644 : f32 to vector<16xf32>
    %get3A_646 = arith.constant 80 : index
    %get3A_647 = tpu.vector_load %arg6[%get3A_646] {strides = array<i32>} : memref<2304xf32, #tpu.memory_space<vmem>>, vector<16xf32>,
    %get3A_648 = vector.shape_cast %get3A_647 : vector<16xf32> to vector<16xf32>
    %get3A_649 = arith.constant 80 : index
    %get3A_650 = tpu.vector_load %arg8[%get3A_649] {strides = array<i32>} : memref<2304xf32, #tpu.memory_space<vmem>>, vector<16xf32>,
    %get3A_651 = vector.shape_cast %get3A_650 : vector<16xf32> to vector<16xf32>
    %mul3A_652 = arith.mulf %get3A_648, %get3A_651 : vector<16xf32>
    %add3A_653 = arith.addf %broadcast_in_dim3A_645, %mul3A_652 : vector<16xf32>
    %get3A_654 = arith.constant 336 : index
    %get3A_655 = tpu.vector_load %arg6[%get3A_654] {strides = array<i32>} : memref<2304xf32, #tpu.memory_space<vmem>>, vector<16xf32>,
    %get3A_656 = vector.shape_cast %get3A_655 : vector<16xf32> to vector<16xf32>
    %get3A_657 = arith.constant 336 : index
    %get3A_658 = tpu.vector_load %arg8[%get3A_657] {strides = array<i32>} : memref<2304xf32, #tpu.memory_space<vmem>>, vector<16xf32>,
    %get3A_659 = vector.shape_cast %get3A_658 : vector<16xf32> to vector<16xf32>
    %mul3A_660 = arith.mulf %get3A_656, %get3A_659 : vector<16xf32>
    %add3A_661 = arith.addf %add3A_653, %mul3A_660 : vector<16xf32>
    %get3A_662 = arith.constant 592 : index
    %get3A_663 = tpu.vector_load %arg6[%get3A_662] {strides = array<i32>} : memref<2304xf32, #tpu.memory_space<vmem>>, vector<16xf32>,
    %get3A_664 = vector.shape_cast %get3A_663 : vector<16xf32> to vector<16xf32>
    %get3A_665 = arith.constant 592 : index
    %get3A_666 = tpu.vector_load %arg8[%get3A_665] {strides = array<i32>} : memref<2304xf32, #tpu.memory_space<vmem>>, vector<16xf32>,
    %get3A_667 = vector.shape_cast %get3A_666 : vector<16xf32> to vector<16xf32>
    %mul3A_668 = arith.mulf %get3A_664, %get3A_667 : vector<16xf32>
    %add3A_669 = arith.addf %add3A_661, %mul3A_668 : vector<16xf32>
    %get3A_670 = arith.constant 848 : index
    %get3A_671 = tpu.vector_load %arg6[%get3A_670] {strides = array<i32>} : memref<2304xf32, #tpu.memory_space<vmem>>, vector<16xf32>,
    %get3A_672 = vector.shape_cast %get3A_671 : vector<16xf32> to vector<16xf32>
    %get3A_673 = arith.constant 848 : index
    %get3A_674 = tpu.vector_load %arg8[%get3A_673] {strides = array<i32>} : memref<2304xf32, #tpu.memory_space<vmem>>, vector<16xf32>,
    %get3A_675 = vector.shape_cast %get3A_674 : vector<16xf32> to vector<16xf32>
    %mul3A_676 = arith.mulf %get3A_672, %get3A_675 : vector<16xf32>
    %add3A_677 = arith.addf %add3A_669, %mul3A_676 : vector<16xf32>
    %get3A_678 = arith.constant 1104 : index
    %get3A_679 = tpu.vector_load %arg6[%get3A_678] {strides = array<i32>} : memref<2304xf32, #tpu.memory_space<vmem>>, vector<16xf32>,
    %get3A_680 = vector.shape_cast %get3A_679 : vector<16xf32> to vector<16xf32>
    %get3A_681 = arith.constant 1104 : index
    %get3A_682 = tpu.vector_load %arg8[%get3A_681] {strides = array<i32>} : memref<2304xf32, #tpu.memory_space<vmem>>, vector<16xf32>,
    %get3A_683 = vector.shape_cast %get3A_682 : vector<16xf32> to vector<16xf32>
    %mul3A_684 = arith.mulf %get3A_680, %get3A_683 : vector<16xf32>
    %add3A_685 = arith.addf %add3A_677, %mul3A_684 : vector<16xf32>
    %get3A_686 = arith.constant 1360 : index
    %get3A_687 = tpu.vector_load %arg6[%get3A_686] {strides = array<i32>} : memref<2304xf32, #tpu.memory_space<vmem>>, vector<16xf32>,
    %get3A_688 = vector.shape_cast %get3A_687 : vector<16xf32> to vector<16xf32>
    %get3A_689 = arith.constant 1360 : index
    %get3A_690 = tpu.vector_load %arg8[%get3A_689] {strides = array<i32>} : memref<2304xf32, #tpu.memory_space<vmem>>, vector<16xf32>,
    %get3A_691 = vector.shape_cast %get3A_690 : vector<16xf32> to vector<16xf32>
    %mul3A_692 = arith.mulf %get3A_688, %get3A_691 : vector<16xf32>
    %add3A_693 = arith.addf %add3A_685, %mul3A_692 : vector<16xf32>
    %get3A_694 = arith.constant 1616 : index
    %get3A_695 = tpu.vector_load %arg6[%get3A_694] {strides = array<i32>} : memref<2304xf32, #tpu.memory_space<vmem>>, vector<16xf32>,
    %get3A_696 = vector.shape_cast %get3A_695 : vector<16xf32> to vector<16xf32>
    %get3A_697 = arith.constant 1616 : index
    %get3A_698 = tpu.vector_load %arg8[%get3A_697] {strides = array<i32>} : memref<2304xf32, #tpu.memory_space<vmem>>, vector<16xf32>,
    %get3A_699 = vector.shape_cast %get3A_698 : vector<16xf32> to vector<16xf32>
    %mul3A_700 = arith.mulf %get3A_696, %get3A_699 : vector<16xf32>
    %add3A_701 = arith.addf %add3A_693, %mul3A_700 : vector<16xf32>
    %get3A_702 = arith.constant 1872 : index
    %get3A_703 = tpu.vector_load %arg6[%get3A_702] {strides = array<i32>} : memref<2304xf32, #tpu.memory_space<vmem>>, vector<16xf32>,
    %get3A_704 = vector.shape_cast %get3A_703 : vector<16xf32> to vector<16xf32>
    %get3A_705 = arith.constant 1872 : index
    %get3A_706 = tpu.vector_load %arg8[%get3A_705] {strides = array<i32>} : memref<2304xf32, #tpu.memory_space<vmem>>, vector<16xf32>,
    %get3A_707 = vector.shape_cast %get3A_706 : vector<16xf32> to vector<16xf32>
    %mul3A_708 = arith.mulf %get3A_704, %get3A_707 : vector<16xf32>
    %add3A_709 = arith.addf %add3A_701, %mul3A_708 : vector<16xf32>
    %get3A_710 = arith.constant 2128 : index
    %get3A_711 = tpu.vector_load %arg6[%get3A_710] {strides = array<i32>} : memref<2304xf32, #tpu.memory_space<vmem>>, vector<16xf32>,
    %get3A_712 = vector.shape_cast %get3A_711 : vector<16xf32> to vector<16xf32>
    %get3A_713 = arith.constant 2128 : index
    %get3A_714 = tpu.vector_load %arg8[%get3A_713] {strides = array<i32>} : memref<2304xf32, #tpu.memory_space<vmem>>, vector<16xf32>,
    %get3A_715 = vector.shape_cast %get3A_714 : vector<16xf32> to vector<16xf32>
    %mul3A_716 = arith.mulf %get3A_712, %get3A_715 : vector<16xf32>
    %add3A_717 = arith.addf %add3A_709, %mul3A_716 : vector<16xf32>
    %swap3A_718 = arith.constant 80 : index
    %swap3A_719 = tpu.vector_load %arg9[%swap3A_718] {strides = array<i32>} : memref<256xf32, #tpu.memory_space<vmem>>, vector<16xf32>,
    %swap3A_720 = vector.shape_cast %swap3A_719 : vector<16xf32> to vector<16xf32>
    %swap3A_721 = vector.shape_cast %add3A_717 : vector<16xf32> to vector<16xf32>
    tpu.vector_store %arg9[%swap3A_718], %swap3A_721 {strides = array<i32>} : memref<256xf32, #tpu.memory_space<vmem>>, vector<16xf32>,
    %broadcast_in_dim3A_722 = arith.constant 0.000000e+00 : f32
    %broadcast_in_dim3A_723 = vector.broadcast %broadcast_in_dim3A_722 : f32 to vector<16xf32>
    %get3A_724 = arith.constant 96 : index
    %get3A_725 = tpu.vector_load %arg6[%get3A_724] {strides = array<i32>} : memref<2304xf32, #tpu.memory_space<vmem>>, vector<16xf32>,
    %get3A_726 = vector.shape_cast %get3A_725 : vector<16xf32> to vector<16xf32>
    %get3A_727 = arith.constant 96 : index
    %get3A_728 = tpu.vector_load %arg8[%get3A_727] {strides = array<i32>} : memref<2304xf32, #tpu.memory_space<vmem>>, vector<16xf32>,
    %get3A_729 = vector.shape_cast %get3A_728 : vector<16xf32> to vector<16xf32>
    %mul3A_730 = arith.mulf %get3A_726, %get3A_729 : vector<16xf32>
    %add3A_731 = arith.addf %broadcast_in_dim3A_723, %mul3A_730 : vector<16xf32>
    %get3A_732 = arith.constant 352 : index
    %get3A_733 = tpu.vector_load %arg6[%get3A_732] {strides = array<i32>} : memref<2304xf32, #tpu.memory_space<vmem>>, vector<16xf32>,
    %get3A_734 = vector.shape_cast %get3A_733 : vector<16xf32> to vector<16xf32>
    %get3A_735 = arith.constant 352 : index
    %get3A_736 = tpu.vector_load %arg8[%get3A_735] {strides = array<i32>} : memref<2304xf32, #tpu.memory_space<vmem>>, vector<16xf32>,
    %get3A_737 = vector.shape_cast %get3A_736 : vector<16xf32> to vector<16xf32>
    %mul3A_738 = arith.mulf %get3A_734, %get3A_737 : vector<16xf32>
    %add3A_739 = arith.addf %add3A_731, %mul3A_738 : vector<16xf32>
    %get3A_740 = arith.constant 608 : index
    %get3A_741 = tpu.vector_load %arg6[%get3A_740] {strides = array<i32>} : memref<2304xf32, #tpu.memory_space<vmem>>, vector<16xf32>,
    %get3A_742 = vector.shape_cast %get3A_741 : vector<16xf32> to vector<16xf32>
    %get3A_743 = arith.constant 608 : index
    %get3A_744 = tpu.vector_load %arg8[%get3A_743] {strides = array<i32>} : memref<2304xf32, #tpu.memory_space<vmem>>, vector<16xf32>,
    %get3A_745 = vector.shape_cast %get3A_744 : vector<16xf32> to vector<16xf32>
    %mul3A_746 = arith.mulf %get3A_742, %get3A_745 : vector<16xf32>
    %add3A_747 = arith.addf %add3A_739, %mul3A_746 : vector<16xf32>
    %get3A_748 = arith.constant 864 : index
    %get3A_749 = tpu.vector_load %arg6[%get3A_748] {strides = array<i32>} : memref<2304xf32, #tpu.memory_space<vmem>>, vector<16xf32>,
    %get3A_750 = vector.shape_cast %get3A_749 : vector<16xf32> to vector<16xf32>
    %get3A_751 = arith.constant 864 : index
    %get3A_752 = tpu.vector_load %arg8[%get3A_751] {strides = array<i32>} : memref<2304xf32, #tpu.memory_space<vmem>>, vector<16xf32>,
    %get3A_753 = vector.shape_cast %get3A_752 : vector<16xf32> to vector<16xf32>
    %mul3A_754 = arith.mulf %get3A_750, %get3A_753 : vector<16xf32>
    %add3A_755 = arith.addf %add3A_747, %mul3A_754 : vector<16xf32>
    %get3A_756 = arith.constant 1120 : index
    %get3A_757 = tpu.vector_load %arg6[%get3A_756] {strides = array<i32>} : memref<2304xf32, #tpu.memory_space<vmem>>, vector<16xf32>,
    %get3A_758 = vector.shape_cast %get3A_757 : vector<16xf32> to vector<16xf32>
    %get3A_759 = arith.constant 1120 : index
    %get3A_760 = tpu.vector_load %arg8[%get3A_759] {strides = array<i32>} : memref<2304xf32, #tpu.memory_space<vmem>>, vector<16xf32>,
    %get3A_761 = vector.shape_cast %get3A_760 : vector<16xf32> to vector<16xf32>
    %mul3A_762 = arith.mulf %get3A_758, %get3A_761 : vector<16xf32>
    %add3A_763 = arith.addf %add3A_755, %mul3A_762 : vector<16xf32>
    %get3A_764 = arith.constant 1376 : index
    %get3A_765 = tpu.vector_load %arg6[%get3A_764] {strides = array<i32>} : memref<2304xf32, #tpu.memory_space<vmem>>, vector<16xf32>,
    %get3A_766 = vector.shape_cast %get3A_765 : vector<16xf32> to vector<16xf32>
    %get3A_767 = arith.constant 1376 : index
    %get3A_768 = tpu.vector_load %arg8[%get3A_767] {strides = array<i32>} : memref<2304xf32, #tpu.memory_space<vmem>>, vector<16xf32>,
    %get3A_769 = vector.shape_cast %get3A_768 : vector<16xf32> to vector<16xf32>
    %mul3A_770 = arith.mulf %get3A_766, %get3A_769 : vector<16xf32>
    %add3A_771 = arith.addf %add3A_763, %mul3A_770 : vector<16xf32>
    %get3A_772 = arith.constant 1632 : index
    %get3A_773 = tpu.vector_load %arg6[%get3A_772] {strides = array<i32>} : memref<2304xf32, #tpu.memory_space<vmem>>, vector<16xf32>,
    %get3A_774 = vector.shape_cast %get3A_773 : vector<16xf32> to vector<16xf32>
    %get3A_775 = arith.constant 1632 : index
    %get3A_776 = tpu.vector_load %arg8[%get3A_775] {strides = array<i32>} : memref<2304xf32, #tpu.memory_space<vmem>>, vector<16xf32>,
    %get3A_777 = vector.shape_cast %get3A_776 : vector<16xf32> to vector<16xf32>
    %mul3A_778 = arith.mulf %get3A_774, %get3A_777 : vector<16xf32>
    %add3A_779 = arith.addf %add3A_771, %mul3A_778 : vector<16xf32>
    %get3A_780 = arith.constant 1888 : index
    %get3A_781 = tpu.vector_load %arg6[%get3A_780] {strides = array<i32>} : memref<2304xf32, #tpu.memory_space<vmem>>, vector<16xf32>,
    %get3A_782 = vector.shape_cast %get3A_781 : vector<16xf32> to vector<16xf32>
    %get3A_783 = arith.constant 1888 : index
    %get3A_784 = tpu.vector_load %arg8[%get3A_783] {strides = array<i32>} : memref<2304xf32, #tpu.memory_space<vmem>>, vector<16xf32>,
    %get3A_785 = vector.shape_cast %get3A_784 : vector<16xf32> to vector<16xf32>
    %mul3A_786 = arith.mulf %get3A_782, %get3A_785 : vector<16xf32>
    %add3A_787 = arith.addf %add3A_779, %mul3A_786 : vector<16xf32>
    %get3A_788 = arith.constant 2144 : index
    %get3A_789 = tpu.vector_load %arg6[%get3A_788] {strides = array<i32>} : memref<2304xf32, #tpu.memory_space<vmem>>, vector<16xf32>,
    %get3A_790 = vector.shape_cast %get3A_789 : vector<16xf32> to vector<16xf32>
    %get3A_791 = arith.constant 2144 : index
    %get3A_792 = tpu.vector_load %arg8[%get3A_791] {strides = array<i32>} : memref<2304xf32, #tpu.memory_space<vmem>>, vector<16xf32>,
    %get3A_793 = vector.shape_cast %get3A_792 : vector<16xf32> to vector<16xf32>
    %mul3A_794 = arith.mulf %get3A_790, %get3A_793 : vector<16xf32>
    %add3A_795 = arith.addf %add3A_787, %mul3A_794 : vector<16xf32>
    %swap3A_796 = arith.constant 96 : index
    %swap3A_797 = tpu.vector_load %arg9[%swap3A_796] {strides = array<i32>} : memref<256xf32, #tpu.memory_space<vmem>>, vector<16xf32>,
    %swap3A_798 = vector.shape_cast %swap3A_797 : vector<16xf32> to vector<16xf32>
    %swap3A_799 = vector.shape_cast %add3A_795 : vector<16xf32> to vector<16xf32>
    tpu.vector_store %arg9[%swap3A_796], %swap3A_799 {strides = array<i32>} : memref<256xf32, #tpu.memory_space<vmem>>, vector<16xf32>,
    %broadcast_in_dim3A_800 = arith.constant 0.000000e+00 : f32
    %broadcast_in_dim3A_801 = vector.broadcast %broadcast_in_dim3A_800 : f32 to vector<16xf32>
    %get3A_802 = arith.constant 112 : index
    %get3A_803 = tpu.vector_load %arg6[%get3A_802] {strides = array<i32>} : memref<2304xf32, #tpu.memory_space<vmem>>, vector<16xf32>,
    %get3A_804 = vector.shape_cast %get3A_803 : vector<16xf32> to vector<16xf32>
    %get3A_805 = arith.constant 112 : index
    %get3A_806 = tpu.vector_load %arg8[%get3A_805] {strides = array<i32>} : memref<2304xf32, #tpu.memory_space<vmem>>, vector<16xf32>,
    %get3A_807 = vector.shape_cast %get3A_806 : vector<16xf32> to vector<16xf32>
    %mul3A_808 = arith.mulf %get3A_804, %get3A_807 : vector<16xf32>
    %add3A_809 = arith.addf %broadcast_in_dim3A_801, %mul3A_808 : vector<16xf32>
    %get3A_810 = arith.constant 368 : index
    %get3A_811 = tpu.vector_load %arg6[%get3A_810] {strides = array<i32>} : memref<2304xf32, #tpu.memory_space<vmem>>, vector<16xf32>,
    %get3A_812 = vector.shape_cast %get3A_811 : vector<16xf32> to vector<16xf32>
    %get3A_813 = arith.constant 368 : index
    %get3A_814 = tpu.vector_load %arg8[%get3A_813] {strides = array<i32>} : memref<2304xf32, #tpu.memory_space<vmem>>, vector<16xf32>,
    %get3A_815 = vector.shape_cast %get3A_814 : vector<16xf32> to vector<16xf32>
    %mul3A_816 = arith.mulf %get3A_812, %get3A_815 : vector<16xf32>
    %add3A_817 = arith.addf %add3A_809, %mul3A_816 : vector<16xf32>
    %get3A_818 = arith.constant 624 : index
    %get3A_819 = tpu.vector_load %arg6[%get3A_818] {strides = array<i32>} : memref<2304xf32, #tpu.memory_space<vmem>>, vector<16xf32>,
    %get3A_820 = vector.shape_cast %get3A_819 : vector<16xf32> to vector<16xf32>
    %get3A_821 = arith.constant 624 : index
    %get3A_822 = tpu.vector_load %arg8[%get3A_821] {strides = array<i32>} : memref<2304xf32, #tpu.memory_space<vmem>>, vector<16xf32>,
    %get3A_823 = vector.shape_cast %get3A_822 : vector<16xf32> to vector<16xf32>
    %mul3A_824 = arith.mulf %get3A_820, %get3A_823 : vector<16xf32>
    %add3A_825 = arith.addf %add3A_817, %mul3A_824 : vector<16xf32>
    %get3A_826 = arith.constant 880 : index
    %get3A_827 = tpu.vector_load %arg6[%get3A_826] {strides = array<i32>} : memref<2304xf32, #tpu.memory_space<vmem>>, vector<16xf32>,
    %get3A_828 = vector.shape_cast %get3A_827 : vector<16xf32> to vector<16xf32>
    %get3A_829 = arith.constant 880 : index
    %get3A_830 = tpu.vector_load %arg8[%get3A_829] {strides = array<i32>} : memref<2304xf32, #tpu.memory_space<vmem>>, vector<16xf32>,
    %get3A_831 = vector.shape_cast %get3A_830 : vector<16xf32> to vector<16xf32>
    %mul3A_832 = arith.mulf %get3A_828, %get3A_831 : vector<16xf32>
    %add3A_833 = arith.addf %add3A_825, %mul3A_832 : vector<16xf32>
    %get3A_834 = arith.constant 1136 : index
    %get3A_835 = tpu.vector_load %arg6[%get3A_834] {strides = array<i32>} : memref<2304xf32, #tpu.memory_space<vmem>>, vector<16xf32>,
    %get3A_836 = vector.shape_cast %get3A_835 : vector<16xf32> to vector<16xf32>
    %get3A_837 = arith.constant 1136 : index
    %get3A_838 = tpu.vector_load %arg8[%get3A_837] {strides = array<i32>} : memref<2304xf32, #tpu.memory_space<vmem>>, vector<16xf32>,
    %get3A_839 = vector.shape_cast %get3A_838 : vector<16xf32> to vector<16xf32>
    %mul3A_840 = arith.mulf %get3A_836, %get3A_839 : vector<16xf32>
    %add3A_841 = arith.addf %add3A_833, %mul3A_840 : vector<16xf32>
    %get3A_842 = arith.constant 1392 : index
    %get3A_843 = tpu.vector_load %arg6[%get3A_842] {strides = array<i32>} : memref<2304xf32, #tpu.memory_space<vmem>>, vector<16xf32>,
    %get3A_844 = vector.shape_cast %get3A_843 : vector<16xf32> to vector<16xf32>
    %get3A_845 = arith.constant 1392 : index
    %get3A_846 = tpu.vector_load %arg8[%get3A_845] {strides = array<i32>} : memref<2304xf32, #tpu.memory_space<vmem>>, vector<16xf32>,
    %get3A_847 = vector.shape_cast %get3A_846 : vector<16xf32> to vector<16xf32>
    %mul3A_848 = arith.mulf %get3A_844, %get3A_847 : vector<16xf32>
    %add3A_849 = arith.addf %add3A_841, %mul3A_848 : vector<16xf32>
    %get3A_850 = arith.constant 1648 : index
    %get3A_851 = tpu.vector_load %arg6[%get3A_850] {strides = array<i32>} : memref<2304xf32, #tpu.memory_space<vmem>>, vector<16xf32>,
    %get3A_852 = vector.shape_cast %get3A_851 : vector<16xf32> to vector<16xf32>
    %get3A_853 = arith.constant 1648 : index
    %get3A_854 = tpu.vector_load %arg8[%get3A_853] {strides = array<i32>} : memref<2304xf32, #tpu.memory_space<vmem>>, vector<16xf32>,
    %get3A_855 = vector.shape_cast %get3A_854 : vector<16xf32> to vector<16xf32>
    %mul3A_856 = arith.mulf %get3A_852, %get3A_855 : vector<16xf32>
    %add3A_857 = arith.addf %add3A_849, %mul3A_856 : vector<16xf32>
    %get3A_858 = arith.constant 1904 : index
    %get3A_859 = tpu.vector_load %arg6[%get3A_858] {strides = array<i32>} : memref<2304xf32, #tpu.memory_space<vmem>>, vector<16xf32>,
    %get3A_860 = vector.shape_cast %get3A_859 : vector<16xf32> to vector<16xf32>
    %get3A_861 = arith.constant 1904 : index
    %get3A_862 = tpu.vector_load %arg8[%get3A_861] {strides = array<i32>} : memref<2304xf32, #tpu.memory_space<vmem>>, vector<16xf32>,
    %get3A_863 = vector.shape_cast %get3A_862 : vector<16xf32> to vector<16xf32>
    %mul3A_864 = arith.mulf %get3A_860, %get3A_863 : vector<16xf32>
    %add3A_865 = arith.addf %add3A_857, %mul3A_864 : vector<16xf32>
    %get3A_866 = arith.constant 2160 : index
    %get3A_867 = tpu.vector_load %arg6[%get3A_866] {strides = array<i32>} : memref<2304xf32, #tpu.memory_space<vmem>>, vector<16xf32>,
    %get3A_868 = vector.shape_cast %get3A_867 : vector<16xf32> to vector<16xf32>
    %get3A_869 = arith.constant 2160 : index
    %get3A_870 = tpu.vector_load %arg8[%get3A_869] {strides = array<i32>} : memref<2304xf32, #tpu.memory_space<vmem>>, vector<16xf32>,
    %get3A_871 = vector.shape_cast %get3A_870 : vector<16xf32> to vector<16xf32>
    %mul3A_872 = arith.mulf %get3A_868, %get3A_871 : vector<16xf32>
    %add3A_873 = arith.addf %add3A_865, %mul3A_872 : vector<16xf32>
    %swap3A_874 = arith.constant 112 : index
    %swap3A_875 = tpu.vector_load %arg9[%swap3A_874] {strides = array<i32>} : memref<256xf32, #tpu.memory_space<vmem>>, vector<16xf32>,
    %swap3A_876 = vector.shape_cast %swap3A_875 : vector<16xf32> to vector<16xf32>
    %swap3A_877 = vector.shape_cast %add3A_873 : vector<16xf32> to vector<16xf32>
    tpu.vector_store %arg9[%swap3A_874], %swap3A_877 {strides = array<i32>} : memref<256xf32, #tpu.memory_space<vmem>>, vector<16xf32>,
    %broadcast_in_dim3A_878 = arith.constant 0.000000e+00 : f32
    %broadcast_in_dim3A_879 = vector.broadcast %broadcast_in_dim3A_878 : f32 to vector<16xf32>
    %get3A_880 = arith.constant 128 : index
    %get3A_881 = tpu.vector_load %arg6[%get3A_880] {strides = array<i32>} : memref<2304xf32, #tpu.memory_space<vmem>>, vector<16xf32>,
    %get3A_882 = vector.shape_cast %get3A_881 : vector<16xf32> to vector<16xf32>
    %get3A_883 = arith.constant 128 : index
    %get3A_884 = tpu.vector_load %arg8[%get3A_883] {strides = array<i32>} : memref<2304xf32, #tpu.memory_space<vmem>>, vector<16xf32>,
    %get3A_885 = vector.shape_cast %get3A_884 : vector<16xf32> to vector<16xf32>
    %mul3A_886 = arith.mulf %get3A_882, %get3A_885 : vector<16xf32>
    %add3A_887 = arith.addf %broadcast_in_dim3A_879, %mul3A_886 : vector<16xf32>
    %get3A_888 = arith.constant 384 : index
    %get3A_889 = tpu.vector_load %arg6[%get3A_888] {strides = array<i32>} : memref<2304xf32, #tpu.memory_space<vmem>>, vector<16xf32>,
    %get3A_890 = vector.shape_cast %get3A_889 : vector<16xf32> to vector<16xf32>
    %get3A_891 = arith.constant 384 : index
    %get3A_892 = tpu.vector_load %arg8[%get3A_891] {strides = array<i32>} : memref<2304xf32, #tpu.memory_space<vmem>>, vector<16xf32>,
    %get3A_893 = vector.shape_cast %get3A_892 : vector<16xf32> to vector<16xf32>
    %mul3A_894 = arith.mulf %get3A_890, %get3A_893 : vector<16xf32>
    %add3A_895 = arith.addf %add3A_887, %mul3A_894 : vector<16xf32>
    %get3A_896 = arith.constant 640 : index
    %get3A_897 = tpu.vector_load %arg6[%get3A_896] {strides = array<i32>} : memref<2304xf32, #tpu.memory_space<vmem>>, vector<16xf32>,
    %get3A_898 = vector.shape_cast %get3A_897 : vector<16xf32> to vector<16xf32>
    %get3A_899 = arith.constant 640 : index
    %get3A_900 = tpu.vector_load %arg8[%get3A_899] {strides = array<i32>} : memref<2304xf32, #tpu.memory_space<vmem>>, vector<16xf32>,
    %get3A_901 = vector.shape_cast %get3A_900 : vector<16xf32> to vector<16xf32>
    %mul3A_902 = arith.mulf %get3A_898, %get3A_901 : vector<16xf32>
    %add3A_903 = arith.addf %add3A_895, %mul3A_902 : vector<16xf32>
    %get3A_904 = arith.constant 896 : index
    %get3A_905 = tpu.vector_load %arg6[%get3A_904] {strides = array<i32>} : memref<2304xf32, #tpu.memory_space<vmem>>, vector<16xf32>,
    %get3A_906 = vector.shape_cast %get3A_905 : vector<16xf32> to vector<16xf32>
    %get3A_907 = arith.constant 896 : index
    %get3A_908 = tpu.vector_load %arg8[%get3A_907] {strides = array<i32>} : memref<2304xf32, #tpu.memory_space<vmem>>, vector<16xf32>,
    %get3A_909 = vector.shape_cast %get3A_908 : vector<16xf32> to vector<16xf32>
    %mul3A_910 = arith.mulf %get3A_906, %get3A_909 : vector<16xf32>
    %add3A_911 = arith.addf %add3A_903, %mul3A_910 : vector<16xf32>
    %get3A_912 = arith.constant 1152 : index
    %get3A_913 = tpu.vector_load %arg6[%get3A_912] {strides = array<i32>} : memref<2304xf32, #tpu.memory_space<vmem>>, vector<16xf32>,
    %get3A_914 = vector.shape_cast %get3A_913 : vector<16xf32> to vector<16xf32>
    %get3A_915 = arith.constant 1152 : index
    %get3A_916 = tpu.vector_load %arg8[%get3A_915] {strides = array<i32>} : memref<2304xf32, #tpu.memory_space<vmem>>, vector<16xf32>,
    %get3A_917 = vector.shape_cast %get3A_916 : vector<16xf32> to vector<16xf32>
    %mul3A_918 = arith.mulf %get3A_914, %get3A_917 : vector<16xf32>
    %add3A_919 = arith.addf %add3A_911, %mul3A_918 : vector<16xf32>
    %get3A_920 = arith.constant 1408 : index
    %get3A_921 = tpu.vector_load %arg6[%get3A_920] {strides = array<i32>} : memref<2304xf32, #tpu.memory_space<vmem>>, vector<16xf32>,
    %get3A_922 = vector.shape_cast %get3A_921 : vector<16xf32> to vector<16xf32>
    %get3A_923 = arith.constant 1408 : index
    %get3A_924 = tpu.vector_load %arg8[%get3A_923] {strides = array<i32>} : memref<2304xf32, #tpu.memory_space<vmem>>, vector<16xf32>,
    %get3A_925 = vector.shape_cast %get3A_924 : vector<16xf32> to vector<16xf32>
    %mul3A_926 = arith.mulf %get3A_922, %get3A_925 : vector<16xf32>
    %add3A_927 = arith.addf %add3A_919, %mul3A_926 : vector<16xf32>
    %get3A_928 = arith.constant 1664 : index
    %get3A_929 = tpu.vector_load %arg6[%get3A_928] {strides = array<i32>} : memref<2304xf32, #tpu.memory_space<vmem>>, vector<16xf32>,
    %get3A_930 = vector.shape_cast %get3A_929 : vector<16xf32> to vector<16xf32>
    %get3A_931 = arith.constant 1664 : index
    %get3A_932 = tpu.vector_load %arg8[%get3A_931] {strides = array<i32>} : memref<2304xf32, #tpu.memory_space<vmem>>, vector<16xf32>,
    %get3A_933 = vector.shape_cast %get3A_932 : vector<16xf32> to vector<16xf32>
    %mul3A_934 = arith.mulf %get3A_930, %get3A_933 : vector<16xf32>
    %add3A_935 = arith.addf %add3A_927, %mul3A_934 : vector<16xf32>
    %get3A_936 = arith.constant 1920 : index
    %get3A_937 = tpu.vector_load %arg6[%get3A_936] {strides = array<i32>} : memref<2304xf32, #tpu.memory_space<vmem>>, vector<16xf32>,
    %get3A_938 = vector.shape_cast %get3A_937 : vector<16xf32> to vector<16xf32>
    %get3A_939 = arith.constant 1920 : index
    %get3A_940 = tpu.vector_load %arg8[%get3A_939] {strides = array<i32>} : memref<2304xf32, #tpu.memory_space<vmem>>, vector<16xf32>,
    %get3A_941 = vector.shape_cast %get3A_940 : vector<16xf32> to vector<16xf32>
    %mul3A_942 = arith.mulf %get3A_938, %get3A_941 : vector<16xf32>
    %add3A_943 = arith.addf %add3A_935, %mul3A_942 : vector<16xf32>
    %get3A_944 = arith.constant 2176 : index
    %get3A_945 = tpu.vector_load %arg6[%get3A_944] {strides = array<i32>} : memref<2304xf32, #tpu.memory_space<vmem>>, vector<16xf32>,
    %get3A_946 = vector.shape_cast %get3A_945 : vector<16xf32> to vector<16xf32>
    %get3A_947 = arith.constant 2176 : index
    %get3A_948 = tpu.vector_load %arg8[%get3A_947] {strides = array<i32>} : memref<2304xf32, #tpu.memory_space<vmem>>, vector<16xf32>,
    %get3A_949 = vector.shape_cast %get3A_948 : vector<16xf32> to vector<16xf32>
    %mul3A_950 = arith.mulf %get3A_946, %get3A_949 : vector<16xf32>
    %add3A_951 = arith.addf %add3A_943, %mul3A_950 : vector<16xf32>
    %swap3A_952 = arith.constant 128 : index
    %swap3A_953 = tpu.vector_load %arg9[%swap3A_952] {strides = array<i32>} : memref<256xf32, #tpu.memory_space<vmem>>, vector<16xf32>,
    %swap3A_954 = vector.shape_cast %swap3A_953 : vector<16xf32> to vector<16xf32>
    %swap3A_955 = vector.shape_cast %add3A_951 : vector<16xf32> to vector<16xf32>
    tpu.vector_store %arg9[%swap3A_952], %swap3A_955 {strides = array<i32>} : memref<256xf32, #tpu.memory_space<vmem>>, vector<16xf32>,
    %broadcast_in_dim3A_956 = arith.constant 0.000000e+00 : f32
    %broadcast_in_dim3A_957 = vector.broadcast %broadcast_in_dim3A_956 : f32 to vector<16xf32>
    %get3A_958 = arith.constant 144 : index
    %get3A_959 = tpu.vector_load %arg6[%get3A_958] {strides = array<i32>} : memref<2304xf32, #tpu.memory_space<vmem>>, vector<16xf32>,
    %get3A_960 = vector.shape_cast %get3A_959 : vector<16xf32> to vector<16xf32>
    %get3A_961 = arith.constant 144 : index
    %get3A_962 = tpu.vector_load %arg8[%get3A_961] {strides = array<i32>} : memref<2304xf32, #tpu.memory_space<vmem>>, vector<16xf32>,
    %get3A_963 = vector.shape_cast %get3A_962 : vector<16xf32> to vector<16xf32>
    %mul3A_964 = arith.mulf %get3A_960, %get3A_963 : vector<16xf32>
    %add3A_965 = arith.addf %broadcast_in_dim3A_957, %mul3A_964 : vector<16xf32>
    %get3A_966 = arith.constant 400 : index
    %get3A_967 = tpu.vector_load %arg6[%get3A_966] {strides = array<i32>} : memref<2304xf32, #tpu.memory_space<vmem>>, vector<16xf32>,
    %get3A_968 = vector.shape_cast %get3A_967 : vector<16xf32> to vector<16xf32>
    %get3A_969 = arith.constant 400 : index
    %get3A_970 = tpu.vector_load %arg8[%get3A_969] {strides = array<i32>} : memref<2304xf32, #tpu.memory_space<vmem>>, vector<16xf32>,
    %get3A_971 = vector.shape_cast %get3A_970 : vector<16xf32> to vector<16xf32>
    %mul3A_972 = arith.mulf %get3A_968, %get3A_971 : vector<16xf32>
    %add3A_973 = arith.addf %add3A_965, %mul3A_972 : vector<16xf32>
    %get3A_974 = arith.constant 656 : index
    %get3A_975 = tpu.vector_load %arg6[%get3A_974] {strides = array<i32>} : memref<2304xf32, #tpu.memory_space<vmem>>, vector<16xf32>,
    %get3A_976 = vector.shape_cast %get3A_975 : vector<16xf32> to vector<16xf32>
    %get3A_977 = arith.constant 656 : index
    %get3A_978 = tpu.vector_load %arg8[%get3A_977] {strides = array<i32>} : memref<2304xf32, #tpu.memory_space<vmem>>, vector<16xf32>,
    %get3A_979 = vector.shape_cast %get3A_978 : vector<16xf32> to vector<16xf32>
    %mul3A_980 = arith.mulf %get3A_976, %get3A_979 : vector<16xf32>
    %add3A_981 = arith.addf %add3A_973, %mul3A_980 : vector<16xf32>
    %get3A_982 = arith.constant 912 : index
    %get3A_983 = tpu.vector_load %arg6[%get3A_982] {strides = array<i32>} : memref<2304xf32, #tpu.memory_space<vmem>>, vector<16xf32>,
    %get3A_984 = vector.shape_cast %get3A_983 : vector<16xf32> to vector<16xf32>
    %get3A_985 = arith.constant 912 : index
    %get3A_986 = tpu.vector_load %arg8[%get3A_985] {strides = array<i32>} : memref<2304xf32, #tpu.memory_space<vmem>>, vector<16xf32>,
    %get3A_987 = vector.shape_cast %get3A_986 : vector<16xf32> to vector<16xf32>
    %mul3A_988 = arith.mulf %get3A_984, %get3A_987 : vector<16xf32>
    %add3A_989 = arith.addf %add3A_981, %mul3A_988 : vector<16xf32>
    %get3A_990 = arith.constant 1168 : index
    %get3A_991 = tpu.vector_load %arg6[%get3A_990] {strides = array<i32>} : memref<2304xf32, #tpu.memory_space<vmem>>, vector<16xf32>,
    %get3A_992 = vector.shape_cast %get3A_991 : vector<16xf32> to vector<16xf32>
    %get3A_993 = arith.constant 1168 : index
    %get3A_994 = tpu.vector_load %arg8[%get3A_993] {strides = array<i32>} : memref<2304xf32, #tpu.memory_space<vmem>>, vector<16xf32>,
    %get3A_995 = vector.shape_cast %get3A_994 : vector<16xf32> to vector<16xf32>
    %mul3A_996 = arith.mulf %get3A_992, %get3A_995 : vector<16xf32>
    %add3A_997 = arith.addf %add3A_989, %mul3A_996 : vector<16xf32>
    %get3A_998 = arith.constant 1424 : index
    %get3A_999 = tpu.vector_load %arg6[%get3A_998] {strides = array<i32>} : memref<2304xf32, #tpu.memory_space<vmem>>, vector<16xf32>,
    %get3A_1000 = vector.shape_cast %get3A_999 : vector<16xf32> to vector<16xf32>
    %get3A_1001 = arith.constant 1424 : index
    %get3A_1002 = tpu.vector_load %arg8[%get3A_1001] {strides = array<i32>} : memref<2304xf32, #tpu.memory_space<vmem>>, vector<16xf32>,
    %get3A_1003 = vector.shape_cast %get3A_1002 : vector<16xf32> to vector<16xf32>
    %mul3A_1004 = arith.mulf %get3A_1000, %get3A_1003 : vector<16xf32>
    %add3A_1005 = arith.addf %add3A_997, %mul3A_1004 : vector<16xf32>
    %get3A_1006 = arith.constant 1680 : index
    %get3A_1007 = tpu.vector_load %arg6[%get3A_1006] {strides = array<i32>} : memref<2304xf32, #tpu.memory_space<vmem>>, vector<16xf32>,
    %get3A_1008 = vector.shape_cast %get3A_1007 : vector<16xf32> to vector<16xf32>
    %get3A_1009 = arith.constant 1680 : index
    %get3A_1010 = tpu.vector_load %arg8[%get3A_1009] {strides = array<i32>} : memref<2304xf32, #tpu.memory_space<vmem>>, vector<16xf32>,
    %get3A_1011 = vector.shape_cast %get3A_1010 : vector<16xf32> to vector<16xf32>
    %mul3A_1012 = arith.mulf %get3A_1008, %get3A_1011 : vector<16xf32>
    %add3A_1013 = arith.addf %add3A_1005, %mul3A_1012 : vector<16xf32>
    %get3A_1014 = arith.constant 1936 : index
    %get3A_1015 = tpu.vector_load %arg6[%get3A_1014] {strides = array<i32>} : memref<2304xf32, #tpu.memory_space<vmem>>, vector<16xf32>,
    %get3A_1016 = vector.shape_cast %get3A_1015 : vector<16xf32> to vector<16xf32>
    %get3A_1017 = arith.constant 1936 : index
    %get3A_1018 = tpu.vector_load %arg8[%get3A_1017] {strides = array<i32>} : memref<2304xf32, #tpu.memory_space<vmem>>, vector<16xf32>,
    %get3A_1019 = vector.shape_cast %get3A_1018 : vector<16xf32> to vector<16xf32>
    %mul3A_1020 = arith.mulf %get3A_1016, %get3A_1019 : vector<16xf32>
    %add3A_1021 = arith.addf %add3A_1013, %mul3A_1020 : vector<16xf32>
    %get3A_1022 = arith.constant 2192 : index
    %get3A_1023 = tpu.vector_load %arg6[%get3A_1022] {strides = array<i32>} : memref<2304xf32, #tpu.memory_space<vmem>>, vector<16xf32>,
    %get3A_1024 = vector.shape_cast %get3A_1023 : vector<16xf32> to vector<16xf32>
    %get3A_1025 = arith.constant 2192 : index
    %get3A_1026 = tpu.vector_load %arg8[%get3A_1025] {strides = array<i32>} : memref<2304xf32, #tpu.memory_space<vmem>>, vector<16xf32>,
    %get3A_1027 = vector.shape_cast %get3A_1026 : vector<16xf32> to vector<16xf32>
    %mul3A_1028 = arith.mulf %get3A_1024, %get3A_1027 : vector<16xf32>
    %add3A_1029 = arith.addf %add3A_1021, %mul3A_1028 : vector<16xf32>
    %swap3A_1030 = arith.constant 144 : index
    %swap3A_1031 = tpu.vector_load %arg9[%swap3A_1030] {strides = array<i32>} : memref<256xf32, #tpu.memory_space<vmem>>, vector<16xf32>,
    %swap3A_1032 = vector.shape_cast %swap3A_1031 : vector<16xf32> to vector<16xf32>
    %swap3A_1033 = vector.shape_cast %add3A_1029 : vector<16xf32> to vector<16xf32>
    tpu.vector_store %arg9[%swap3A_1030], %swap3A_1033 {strides = array<i32>} : memref<256xf32, #tpu.memory_space<vmem>>, vector<16xf32>,
    %broadcast_in_dim3A_1034 = arith.constant 0.000000e+00 : f32
    %broadcast_in_dim3A_1035 = vector.broadcast %broadcast_in_dim3A_1034 : f32 to vector<16xf32>
    %get3A_1036 = arith.constant 160 : index
    %get3A_1037 = tpu.vector_load %arg6[%get3A_1036] {strides = array<i32>} : memref<2304xf32, #tpu.memory_space<vmem>>, vector<16xf32>,
    %get3A_1038 = vector.shape_cast %get3A_1037 : vector<16xf32> to vector<16xf32>
    %get3A_1039 = arith.constant 160 : index
    %get3A_1040 = tpu.vector_load %arg8[%get3A_1039] {strides = array<i32>} : memref<2304xf32, #tpu.memory_space<vmem>>, vector<16xf32>,
    %get3A_1041 = vector.shape_cast %get3A_1040 : vector<16xf32> to vector<16xf32>
    %mul3A_1042 = arith.mulf %get3A_1038, %get3A_1041 : vector<16xf32>
    %add3A_1043 = arith.addf %broadcast_in_dim3A_1035, %mul3A_1042 : vector<16xf32>
    %get3A_1044 = arith.constant 416 : index
    %get3A_1045 = tpu.vector_load %arg6[%get3A_1044] {strides = array<i32>} : memref<2304xf32, #tpu.memory_space<vmem>>, vector<16xf32>,
    %get3A_1046 = vector.shape_cast %get3A_1045 : vector<16xf32> to vector<16xf32>
    %get3A_1047 = arith.constant 416 : index
    %get3A_1048 = tpu.vector_load %arg8[%get3A_1047] {strides = array<i32>} : memref<2304xf32, #tpu.memory_space<vmem>>, vector<16xf32>,
    %get3A_1049 = vector.shape_cast %get3A_1048 : vector<16xf32> to vector<16xf32>
    %mul3A_1050 = arith.mulf %get3A_1046, %get3A_1049 : vector<16xf32>
    %add3A_1051 = arith.addf %add3A_1043, %mul3A_1050 : vector<16xf32>
    %get3A_1052 = arith.constant 672 : index
    %get3A_1053 = tpu.vector_load %arg6[%get3A_1052] {strides = array<i32>} : memref<2304xf32, #tpu.memory_space<vmem>>, vector<16xf32>,
    %get3A_1054 = vector.shape_cast %get3A_1053 : vector<16xf32> to vector<16xf32>
    %get3A_1055 = arith.constant 672 : index
    %get3A_1056 = tpu.vector_load %arg8[%get3A_1055] {strides = array<i32>} : memref<2304xf32, #tpu.memory_space<vmem>>, vector<16xf32>,
    %get3A_1057 = vector.shape_cast %get3A_1056 : vector<16xf32> to vector<16xf32>
    %mul3A_1058 = arith.mulf %get3A_1054, %get3A_1057 : vector<16xf32>
    %add3A_1059 = arith.addf %add3A_1051, %mul3A_1058 : vector<16xf32>
    %get3A_1060 = arith.constant 928 : index
    %get3A_1061 = tpu.vector_load %arg6[%get3A_1060] {strides = array<i32>} : memref<2304xf32, #tpu.memory_space<vmem>>, vector<16xf32>,
    %get3A_1062 = vector.shape_cast %get3A_1061 : vector<16xf32> to vector<16xf32>
    %get3A_1063 = arith.constant 928 : index
    %get3A_1064 = tpu.vector_load %arg8[%get3A_1063] {strides = array<i32>} : memref<2304xf32, #tpu.memory_space<vmem>>, vector<16xf32>,
    %get3A_1065 = vector.shape_cast %get3A_1064 : vector<16xf32> to vector<16xf32>
    %mul3A_1066 = arith.mulf %get3A_1062, %get3A_1065 : vector<16xf32>
    %add3A_1067 = arith.addf %add3A_1059, %mul3A_1066 : vector<16xf32>
    %get3A_1068 = arith.constant 1184 : index
    %get3A_1069 = tpu.vector_load %arg6[%get3A_1068] {strides = array<i32>} : memref<2304xf32, #tpu.memory_space<vmem>>, vector<16xf32>,
    %get3A_1070 = vector.shape_cast %get3A_1069 : vector<16xf32> to vector<16xf32>
    %get3A_1071 = arith.constant 1184 : index
    %get3A_1072 = tpu.vector_load %arg8[%get3A_1071] {strides = array<i32>} : memref<2304xf32, #tpu.memory_space<vmem>>, vector<16xf32>,
    %get3A_1073 = vector.shape_cast %get3A_1072 : vector<16xf32> to vector<16xf32>
    %mul3A_1074 = arith.mulf %get3A_1070, %get3A_1073 : vector<16xf32>
    %add3A_1075 = arith.addf %add3A_1067, %mul3A_1074 : vector<16xf32>
    %get3A_1076 = arith.constant 1440 : index
    %get3A_1077 = tpu.vector_load %arg6[%get3A_1076] {strides = array<i32>} : memref<2304xf32, #tpu.memory_space<vmem>>, vector<16xf32>,
    %get3A_1078 = vector.shape_cast %get3A_1077 : vector<16xf32> to vector<16xf32>
    %get3A_1079 = arith.constant 1440 : index
    %get3A_1080 = tpu.vector_load %arg8[%get3A_1079] {strides = array<i32>} : memref<2304xf32, #tpu.memory_space<vmem>>, vector<16xf32>,
    %get3A_1081 = vector.shape_cast %get3A_1080 : vector<16xf32> to vector<16xf32>
    %mul3A_1082 = arith.mulf %get3A_1078, %get3A_1081 : vector<16xf32>
    %add3A_1083 = arith.addf %add3A_1075, %mul3A_1082 : vector<16xf32>
    %get3A_1084 = arith.constant 1696 : index
    %get3A_1085 = tpu.vector_load %arg6[%get3A_1084] {strides = array<i32>} : memref<2304xf32, #tpu.memory_space<vmem>>, vector<16xf32>,
    %get3A_1086 = vector.shape_cast %get3A_1085 : vector<16xf32> to vector<16xf32>
    %get3A_1087 = arith.constant 1696 : index
    %get3A_1088 = tpu.vector_load %arg8[%get3A_1087] {strides = array<i32>} : memref<2304xf32, #tpu.memory_space<vmem>>, vector<16xf32>,
    %get3A_1089 = vector.shape_cast %get3A_1088 : vector<16xf32> to vector<16xf32>
    %mul3A_1090 = arith.mulf %get3A_1086, %get3A_1089 : vector<16xf32>
    %add3A_1091 = arith.addf %add3A_1083, %mul3A_1090 : vector<16xf32>
    %get3A_1092 = arith.constant 1952 : index
    %get3A_1093 = tpu.vector_load %arg6[%get3A_1092] {strides = array<i32>} : memref<2304xf32, #tpu.memory_space<vmem>>, vector<16xf32>,
    %get3A_1094 = vector.shape_cast %get3A_1093 : vector<16xf32> to vector<16xf32>
    %get3A_1095 = arith.constant 1952 : index
    %get3A_1096 = tpu.vector_load %arg8[%get3A_1095] {strides = array<i32>} : memref<2304xf32, #tpu.memory_space<vmem>>, vector<16xf32>,
    %get3A_1097 = vector.shape_cast %get3A_1096 : vector<16xf32> to vector<16xf32>
    %mul3A_1098 = arith.mulf %get3A_1094, %get3A_1097 : vector<16xf32>
    %add3A_1099 = arith.addf %add3A_1091, %mul3A_1098 : vector<16xf32>
    %get3A_1100 = arith.constant 2208 : index
    %get3A_1101 = tpu.vector_load %arg6[%get3A_1100] {strides = array<i32>} : memref<2304xf32, #tpu.memory_space<vmem>>, vector<16xf32>,
    %get3A_1102 = vector.shape_cast %get3A_1101 : vector<16xf32> to vector<16xf32>
    %get3A_1103 = arith.constant 2208 : index
    %get3A_1104 = tpu.vector_load %arg8[%get3A_1103] {strides = array<i32>} : memref<2304xf32, #tpu.memory_space<vmem>>, vector<16xf32>,
    %get3A_1105 = vector.shape_cast %get3A_1104 : vector<16xf32> to vector<16xf32>
    %mul3A_1106 = arith.mulf %get3A_1102, %get3A_1105 : vector<16xf32>
    %add3A_1107 = arith.addf %add3A_1099, %mul3A_1106 : vector<16xf32>
    %swap3A_1108 = arith.constant 160 : index
    %swap3A_1109 = tpu.vector_load %arg9[%swap3A_1108] {strides = array<i32>} : memref<256xf32, #tpu.memory_space<vmem>>, vector<16xf32>,
    %swap3A_1110 = vector.shape_cast %swap3A_1109 : vector<16xf32> to vector<16xf32>
    %swap3A_1111 = vector.shape_cast %add3A_1107 : vector<16xf32> to vector<16xf32>
    tpu.vector_store %arg9[%swap3A_1108], %swap3A_1111 {strides = array<i32>} : memref<256xf32, #tpu.memory_space<vmem>>, vector<16xf32>,
    %broadcast_in_dim3A_1112 = arith.constant 0.000000e+00 : f32
    %broadcast_in_dim3A_1113 = vector.broadcast %broadcast_in_dim3A_1112 : f32 to vector<16xf32>
    %get3A_1114 = arith.constant 176 : index
    %get3A_1115 = tpu.vector_load %arg6[%get3A_1114] {strides = array<i32>} : memref<2304xf32, #tpu.memory_space<vmem>>, vector<16xf32>,
    %get3A_1116 = vector.shape_cast %get3A_1115 : vector<16xf32> to vector<16xf32>
    %get3A_1117 = arith.constant 176 : index
    %get3A_1118 = tpu.vector_load %arg8[%get3A_1117] {strides = array<i32>} : memref<2304xf32, #tpu.memory_space<vmem>>, vector<16xf32>,
    %get3A_1119 = vector.shape_cast %get3A_1118 : vector<16xf32> to vector<16xf32>
    %mul3A_1120 = arith.mulf %get3A_1116, %get3A_1119 : vector<16xf32>
    %add3A_1121 = arith.addf %broadcast_in_dim3A_1113, %mul3A_1120 : vector<16xf32>
    %get3A_1122 = arith.constant 432 : index
    %get3A_1123 = tpu.vector_load %arg6[%get3A_1122] {strides = array<i32>} : memref<2304xf32, #tpu.memory_space<vmem>>, vector<16xf32>,
    %get3A_1124 = vector.shape_cast %get3A_1123 : vector<16xf32> to vector<16xf32>
    %get3A_1125 = arith.constant 432 : index
    %get3A_1126 = tpu.vector_load %arg8[%get3A_1125] {strides = array<i32>} : memref<2304xf32, #tpu.memory_space<vmem>>, vector<16xf32>,
    %get3A_1127 = vector.shape_cast %get3A_1126 : vector<16xf32> to vector<16xf32>
    %mul3A_1128 = arith.mulf %get3A_1124, %get3A_1127 : vector<16xf32>
    %add3A_1129 = arith.addf %add3A_1121, %mul3A_1128 : vector<16xf32>
    %get3A_1130 = arith.constant 688 : index
    %get3A_1131 = tpu.vector_load %arg6[%get3A_1130] {strides = array<i32>} : memref<2304xf32, #tpu.memory_space<vmem>>, vector<16xf32>,
    %get3A_1132 = vector.shape_cast %get3A_1131 : vector<16xf32> to vector<16xf32>
    %get3A_1133 = arith.constant 688 : index
    %get3A_1134 = tpu.vector_load %arg8[%get3A_1133] {strides = array<i32>} : memref<2304xf32, #tpu.memory_space<vmem>>, vector<16xf32>,
    %get3A_1135 = vector.shape_cast %get3A_1134 : vector<16xf32> to vector<16xf32>
    %mul3A_1136 = arith.mulf %get3A_1132, %get3A_1135 : vector<16xf32>
    %add3A_1137 = arith.addf %add3A_1129, %mul3A_1136 : vector<16xf32>
    %get3A_1138 = arith.constant 944 : index
    %get3A_1139 = tpu.vector_load %arg6[%get3A_1138] {strides = array<i32>} : memref<2304xf32, #tpu.memory_space<vmem>>, vector<16xf32>,
    %get3A_1140 = vector.shape_cast %get3A_1139 : vector<16xf32> to vector<16xf32>
    %get3A_1141 = arith.constant 944 : index
    %get3A_1142 = tpu.vector_load %arg8[%get3A_1141] {strides = array<i32>} : memref<2304xf32, #tpu.memory_space<vmem>>, vector<16xf32>,
    %get3A_1143 = vector.shape_cast %get3A_1142 : vector<16xf32> to vector<16xf32>
    %mul3A_1144 = arith.mulf %get3A_1140, %get3A_1143 : vector<16xf32>
    %add3A_1145 = arith.addf %add3A_1137, %mul3A_1144 : vector<16xf32>
    %get3A_1146 = arith.constant 1200 : index
    %get3A_1147 = tpu.vector_load %arg6[%get3A_1146] {strides = array<i32>} : memref<2304xf32, #tpu.memory_space<vmem>>, vector<16xf32>,
    %get3A_1148 = vector.shape_cast %get3A_1147 : vector<16xf32> to vector<16xf32>
    %get3A_1149 = arith.constant 1200 : index
    %get3A_1150 = tpu.vector_load %arg8[%get3A_1149] {strides = array<i32>} : memref<2304xf32, #tpu.memory_space<vmem>>, vector<16xf32>,
    %get3A_1151 = vector.shape_cast %get3A_1150 : vector<16xf32> to vector<16xf32>
    %mul3A_1152 = arith.mulf %get3A_1148, %get3A_1151 : vector<16xf32>
    %add3A_1153 = arith.addf %add3A_1145, %mul3A_1152 : vector<16xf32>
    %get3A_1154 = arith.constant 1456 : index
    %get3A_1155 = tpu.vector_load %arg6[%get3A_1154] {strides = array<i32>} : memref<2304xf32, #tpu.memory_space<vmem>>, vector<16xf32>,
    %get3A_1156 = vector.shape_cast %get3A_1155 : vector<16xf32> to vector<16xf32>
    %get3A_1157 = arith.constant 1456 : index
    %get3A_1158 = tpu.vector_load %arg8[%get3A_1157] {strides = array<i32>} : memref<2304xf32, #tpu.memory_space<vmem>>, vector<16xf32>,
    %get3A_1159 = vector.shape_cast %get3A_1158 : vector<16xf32> to vector<16xf32>
    %mul3A_1160 = arith.mulf %get3A_1156, %get3A_1159 : vector<16xf32>
    %add3A_1161 = arith.addf %add3A_1153, %mul3A_1160 : vector<16xf32>
    %get3A_1162 = arith.constant 1712 : index
    %get3A_1163 = tpu.vector_load %arg6[%get3A_1162] {strides = array<i32>} : memref<2304xf32, #tpu.memory_space<vmem>>, vector<16xf32>,
    %get3A_1164 = vector.shape_cast %get3A_1163 : vector<16xf32> to vector<16xf32>
    %get3A_1165 = arith.constant 1712 : index
    %get3A_1166 = tpu.vector_load %arg8[%get3A_1165] {strides = array<i32>} : memref<2304xf32, #tpu.memory_space<vmem>>, vector<16xf32>,
    %get3A_1167 = vector.shape_cast %get3A_1166 : vector<16xf32> to vector<16xf32>
    %mul3A_1168 = arith.mulf %get3A_1164, %get3A_1167 : vector<16xf32>
    %add3A_1169 = arith.addf %add3A_1161, %mul3A_1168 : vector<16xf32>
    %get3A_1170 = arith.constant 1968 : index
    %get3A_1171 = tpu.vector_load %arg6[%get3A_1170] {strides = array<i32>} : memref<2304xf32, #tpu.memory_space<vmem>>, vector<16xf32>,
    %get3A_1172 = vector.shape_cast %get3A_1171 : vector<16xf32> to vector<16xf32>
    %get3A_1173 = arith.constant 1968 : index
    %get3A_1174 = tpu.vector_load %arg8[%get3A_1173] {strides = array<i32>} : memref<2304xf32, #tpu.memory_space<vmem>>, vector<16xf32>,
    %get3A_1175 = vector.shape_cast %get3A_1174 : vector<16xf32> to vector<16xf32>
    %mul3A_1176 = arith.mulf %get3A_1172, %get3A_1175 : vector<16xf32>
    %add3A_1177 = arith.addf %add3A_1169, %mul3A_1176 : vector<16xf32>
    %get3A_1178 = arith.constant 2224 : index
    %get3A_1179 = tpu.vector_load %arg6[%get3A_1178] {strides = array<i32>} : memref<2304xf32, #tpu.memory_space<vmem>>, vector<16xf32>,
    %get3A_1180 = vector.shape_cast %get3A_1179 : vector<16xf32> to vector<16xf32>
    %get3A_1181 = arith.constant 2224 : index
    %get3A_1182 = tpu.vector_load %arg8[%get3A_1181] {strides = array<i32>} : memref<2304xf32, #tpu.memory_space<vmem>>, vector<16xf32>,
    %get3A_1183 = vector.shape_cast %get3A_1182 : vector<16xf32> to vector<16xf32>
    %mul3A_1184 = arith.mulf %get3A_1180, %get3A_1183 : vector<16xf32>
    %add3A_1185 = arith.addf %add3A_1177, %mul3A_1184 : vector<16xf32>
    %swap3A_1186 = arith.constant 176 : index
    %swap3A_1187 = tpu.vector_load %arg9[%swap3A_1186] {strides = array<i32>} : memref<256xf32, #tpu.memory_space<vmem>>, vector<16xf32>,
    %swap3A_1188 = vector.shape_cast %swap3A_1187 : vector<16xf32> to vector<16xf32>
    %swap3A_1189 = vector.shape_cast %add3A_1185 : vector<16xf32> to vector<16xf32>
    tpu.vector_store %arg9[%swap3A_1186], %swap3A_1189 {strides = array<i32>} : memref<256xf32, #tpu.memory_space<vmem>>, vector<16xf32>,
    %broadcast_in_dim3A_1190 = arith.constant 0.000000e+00 : f32
    %broadcast_in_dim3A_1191 = vector.broadcast %broadcast_in_dim3A_1190 : f32 to vector<16xf32>
    %get3A_1192 = arith.constant 192 : index
    %get3A_1193 = tpu.vector_load %arg6[%get3A_1192] {strides = array<i32>} : memref<2304xf32, #tpu.memory_space<vmem>>, vector<16xf32>,
    %get3A_1194 = vector.shape_cast %get3A_1193 : vector<16xf32> to vector<16xf32>
    %get3A_1195 = arith.constant 192 : index
    %get3A_1196 = tpu.vector_load %arg8[%get3A_1195] {strides = array<i32>} : memref<2304xf32, #tpu.memory_space<vmem>>, vector<16xf32>,
    %get3A_1197 = vector.shape_cast %get3A_1196 : vector<16xf32> to vector<16xf32>
    %mul3A_1198 = arith.mulf %get3A_1194, %get3A_1197 : vector<16xf32>
    %add3A_1199 = arith.addf %broadcast_in_dim3A_1191, %mul3A_1198 : vector<16xf32>
    %get3A_1200 = arith.constant 448 : index
    %get3A_1201 = tpu.vector_load %arg6[%get3A_1200] {strides = array<i32>} : memref<2304xf32, #tpu.memory_space<vmem>>, vector<16xf32>,
    %get3A_1202 = vector.shape_cast %get3A_1201 : vector<16xf32> to vector<16xf32>
    %get3A_1203 = arith.constant 448 : index
    %get3A_1204 = tpu.vector_load %arg8[%get3A_1203] {strides = array<i32>} : memref<2304xf32, #tpu.memory_space<vmem>>, vector<16xf32>,
    %get3A_1205 = vector.shape_cast %get3A_1204 : vector<16xf32> to vector<16xf32>
    %mul3A_1206 = arith.mulf %get3A_1202, %get3A_1205 : vector<16xf32>
    %add3A_1207 = arith.addf %add3A_1199, %mul3A_1206 : vector<16xf32>
    %get3A_1208 = arith.constant 704 : index
    %get3A_1209 = tpu.vector_load %arg6[%get3A_1208] {strides = array<i32>} : memref<2304xf32, #tpu.memory_space<vmem>>, vector<16xf32>,
    %get3A_1210 = vector.shape_cast %get3A_1209 : vector<16xf32> to vector<16xf32>
    %get3A_1211 = arith.constant 704 : index
    %get3A_1212 = tpu.vector_load %arg8[%get3A_1211] {strides = array<i32>} : memref<2304xf32, #tpu.memory_space<vmem>>, vector<16xf32>,
    %get3A_1213 = vector.shape_cast %get3A_1212 : vector<16xf32> to vector<16xf32>
    %mul3A_1214 = arith.mulf %get3A_1210, %get3A_1213 : vector<16xf32>
    %add3A_1215 = arith.addf %add3A_1207, %mul3A_1214 : vector<16xf32>
    %get3A_1216 = arith.constant 960 : index
    %get3A_1217 = tpu.vector_load %arg6[%get3A_1216] {strides = array<i32>} : memref<2304xf32, #tpu.memory_space<vmem>>, vector<16xf32>,
    %get3A_1218 = vector.shape_cast %get3A_1217 : vector<16xf32> to vector<16xf32>
    %get3A_1219 = arith.constant 960 : index
    %get3A_1220 = tpu.vector_load %arg8[%get3A_1219] {strides = array<i32>} : memref<2304xf32, #tpu.memory_space<vmem>>, vector<16xf32>,
    %get3A_1221 = vector.shape_cast %get3A_1220 : vector<16xf32> to vector<16xf32>
    %mul3A_1222 = arith.mulf %get3A_1218, %get3A_1221 : vector<16xf32>
    %add3A_1223 = arith.addf %add3A_1215, %mul3A_1222 : vector<16xf32>
    %get3A_1224 = arith.constant 1216 : index
    %get3A_1225 = tpu.vector_load %arg6[%get3A_1224] {strides = array<i32>} : memref<2304xf32, #tpu.memory_space<vmem>>, vector<16xf32>,
    %get3A_1226 = vector.shape_cast %get3A_1225 : vector<16xf32> to vector<16xf32>
    %get3A_1227 = arith.constant 1216 : index
    %get3A_1228 = tpu.vector_load %arg8[%get3A_1227] {strides = array<i32>} : memref<2304xf32, #tpu.memory_space<vmem>>, vector<16xf32>,
    %get3A_1229 = vector.shape_cast %get3A_1228 : vector<16xf32> to vector<16xf32>
    %mul3A_1230 = arith.mulf %get3A_1226, %get3A_1229 : vector<16xf32>
    %add3A_1231 = arith.addf %add3A_1223, %mul3A_1230 : vector<16xf32>
    %get3A_1232 = arith.constant 1472 : index
    %get3A_1233 = tpu.vector_load %arg6[%get3A_1232] {strides = array<i32>} : memref<2304xf32, #tpu.memory_space<vmem>>, vector<16xf32>,
    %get3A_1234 = vector.shape_cast %get3A_1233 : vector<16xf32> to vector<16xf32>
    %get3A_1235 = arith.constant 1472 : index
    %get3A_1236 = tpu.vector_load %arg8[%get3A_1235] {strides = array<i32>} : memref<2304xf32, #tpu.memory_space<vmem>>, vector<16xf32>,
    %get3A_1237 = vector.shape_cast %get3A_1236 : vector<16xf32> to vector<16xf32>
    %mul3A_1238 = arith.mulf %get3A_1234, %get3A_1237 : vector<16xf32>
    %add3A_1239 = arith.addf %add3A_1231, %mul3A_1238 : vector<16xf32>
    %get3A_1240 = arith.constant 1728 : index
    %get3A_1241 = tpu.vector_load %arg6[%get3A_1240] {strides = array<i32>} : memref<2304xf32, #tpu.memory_space<vmem>>, vector<16xf32>,
    %get3A_1242 = vector.shape_cast %get3A_1241 : vector<16xf32> to vector<16xf32>
    %get3A_1243 = arith.constant 1728 : index
    %get3A_1244 = tpu.vector_load %arg8[%get3A_1243] {strides = array<i32>} : memref<2304xf32, #tpu.memory_space<vmem>>, vector<16xf32>,
    %get3A_1245 = vector.shape_cast %get3A_1244 : vector<16xf32> to vector<16xf32>
    %mul3A_1246 = arith.mulf %get3A_1242, %get3A_1245 : vector<16xf32>
    %add3A_1247 = arith.addf %add3A_1239, %mul3A_1246 : vector<16xf32>
    %get3A_1248 = arith.constant 1984 : index
    %get3A_1249 = tpu.vector_load %arg6[%get3A_1248] {strides = array<i32>} : memref<2304xf32, #tpu.memory_space<vmem>>, vector<16xf32>,
    %get3A_1250 = vector.shape_cast %get3A_1249 : vector<16xf32> to vector<16xf32>
    %get3A_1251 = arith.constant 1984 : index
    %get3A_1252 = tpu.vector_load %arg8[%get3A_1251] {strides = array<i32>} : memref<2304xf32, #tpu.memory_space<vmem>>, vector<16xf32>,
    %get3A_1253 = vector.shape_cast %get3A_1252 : vector<16xf32> to vector<16xf32>
    %mul3A_1254 = arith.mulf %get3A_1250, %get3A_1253 : vector<16xf32>
    %add3A_1255 = arith.addf %add3A_1247, %mul3A_1254 : vector<16xf32>
    %get3A_1256 = arith.constant 2240 : index
    %get3A_1257 = tpu.vector_load %arg6[%get3A_1256] {strides = array<i32>} : memref<2304xf32, #tpu.memory_space<vmem>>, vector<16xf32>,
    %get3A_1258 = vector.shape_cast %get3A_1257 : vector<16xf32> to vector<16xf32>
    %get3A_1259 = arith.constant 2240 : index
    %get3A_1260 = tpu.vector_load %arg8[%get3A_1259] {strides = array<i32>} : memref<2304xf32, #tpu.memory_space<vmem>>, vector<16xf32>,
    %get3A_1261 = vector.shape_cast %get3A_1260 : vector<16xf32> to vector<16xf32>
    %mul3A_1262 = arith.mulf %get3A_1258, %get3A_1261 : vector<16xf32>
    %add3A_1263 = arith.addf %add3A_1255, %mul3A_1262 : vector<16xf32>
    %swap3A_1264 = arith.constant 192 : index
    %swap3A_1265 = tpu.vector_load %arg9[%swap3A_1264] {strides = array<i32>} : memref<256xf32, #tpu.memory_space<vmem>>, vector<16xf32>,
    %swap3A_1266 = vector.shape_cast %swap3A_1265 : vector<16xf32> to vector<16xf32>
    %swap3A_1267 = vector.shape_cast %add3A_1263 : vector<16xf32> to vector<16xf32>
    tpu.vector_store %arg9[%swap3A_1264], %swap3A_1267 {strides = array<i32>} : memref<256xf32, #tpu.memory_space<vmem>>, vector<16xf32>,
    %broadcast_in_dim3A_1268 = arith.constant 0.000000e+00 : f32
    %broadcast_in_dim3A_1269 = vector.broadcast %broadcast_in_dim3A_1268 : f32 to vector<16xf32>
    %get3A_1270 = arith.constant 208 : index
    %get3A_1271 = tpu.vector_load %arg6[%get3A_1270] {strides = array<i32>} : memref<2304xf32, #tpu.memory_space<vmem>>, vector<16xf32>,
    %get3A_1272 = vector.shape_cast %get3A_1271 : vector<16xf32> to vector<16xf32>
    %get3A_1273 = arith.constant 208 : index
    %get3A_1274 = tpu.vector_load %arg8[%get3A_1273] {strides = array<i32>} : memref<2304xf32, #tpu.memory_space<vmem>>, vector<16xf32>,
    %get3A_1275 = vector.shape_cast %get3A_1274 : vector<16xf32> to vector<16xf32>
    %mul3A_1276 = arith.mulf %get3A_1272, %get3A_1275 : vector<16xf32>
    %add3A_1277 = arith.addf %broadcast_in_dim3A_1269, %mul3A_1276 : vector<16xf32>
    %get3A_1278 = arith.constant 464 : index
    %get3A_1279 = tpu.vector_load %arg6[%get3A_1278] {strides = array<i32>} : memref<2304xf32, #tpu.memory_space<vmem>>, vector<16xf32>,
    %get3A_1280 = vector.shape_cast %get3A_1279 : vector<16xf32> to vector<16xf32>
    %get3A_1281 = arith.constant 464 : index
    %get3A_1282 = tpu.vector_load %arg8[%get3A_1281] {strides = array<i32>} : memref<2304xf32, #tpu.memory_space<vmem>>, vector<16xf32>,
    %get3A_1283 = vector.shape_cast %get3A_1282 : vector<16xf32> to vector<16xf32>
    %mul3A_1284 = arith.mulf %get3A_1280, %get3A_1283 : vector<16xf32>
    %add3A_1285 = arith.addf %add3A_1277, %mul3A_1284 : vector<16xf32>
    %get3A_1286 = arith.constant 720 : index
    %get3A_1287 = tpu.vector_load %arg6[%get3A_1286] {strides = array<i32>} : memref<2304xf32, #tpu.memory_space<vmem>>, vector<16xf32>,
    %get3A_1288 = vector.shape_cast %get3A_1287 : vector<16xf32> to vector<16xf32>
    %get3A_1289 = arith.constant 720 : index
    %get3A_1290 = tpu.vector_load %arg8[%get3A_1289] {strides = array<i32>} : memref<2304xf32, #tpu.memory_space<vmem>>, vector<16xf32>,
    %get3A_1291 = vector.shape_cast %get3A_1290 : vector<16xf32> to vector<16xf32>
    %mul3A_1292 = arith.mulf %get3A_1288, %get3A_1291 : vector<16xf32>
    %add3A_1293 = arith.addf %add3A_1285, %mul3A_1292 : vector<16xf32>
    %get3A_1294 = arith.constant 976 : index
    %get3A_1295 = tpu.vector_load %arg6[%get3A_1294] {strides = array<i32>} : memref<2304xf32, #tpu.memory_space<vmem>>, vector<16xf32>,
    %get3A_1296 = vector.shape_cast %get3A_1295 : vector<16xf32> to vector<16xf32>
    %get3A_1297 = arith.constant 976 : index
    %get3A_1298 = tpu.vector_load %arg8[%get3A_1297] {strides = array<i32>} : memref<2304xf32, #tpu.memory_space<vmem>>, vector<16xf32>,
    %get3A_1299 = vector.shape_cast %get3A_1298 : vector<16xf32> to vector<16xf32>
    %mul3A_1300 = arith.mulf %get3A_1296, %get3A_1299 : vector<16xf32>
    %add3A_1301 = arith.addf %add3A_1293, %mul3A_1300 : vector<16xf32>
    %get3A_1302 = arith.constant 1232 : index
    %get3A_1303 = tpu.vector_load %arg6[%get3A_1302] {strides = array<i32>} : memref<2304xf32, #tpu.memory_space<vmem>>, vector<16xf32>,
    %get3A_1304 = vector.shape_cast %get3A_1303 : vector<16xf32> to vector<16xf32>
    %get3A_1305 = arith.constant 1232 : index
    %get3A_1306 = tpu.vector_load %arg8[%get3A_1305] {strides = array<i32>} : memref<2304xf32, #tpu.memory_space<vmem>>, vector<16xf32>,
    %get3A_1307 = vector.shape_cast %get3A_1306 : vector<16xf32> to vector<16xf32>
    %mul3A_1308 = arith.mulf %get3A_1304, %get3A_1307 : vector<16xf32>
    %add3A_1309 = arith.addf %add3A_1301, %mul3A_1308 : vector<16xf32>
    %get3A_1310 = arith.constant 1488 : index
    %get3A_1311 = tpu.vector_load %arg6[%get3A_1310] {strides = array<i32>} : memref<2304xf32, #tpu.memory_space<vmem>>, vector<16xf32>,
    %get3A_1312 = vector.shape_cast %get3A_1311 : vector<16xf32> to vector<16xf32>
    %get3A_1313 = arith.constant 1488 : index
    %get3A_1314 = tpu.vector_load %arg8[%get3A_1313] {strides = array<i32>} : memref<2304xf32, #tpu.memory_space<vmem>>, vector<16xf32>,
    %get3A_1315 = vector.shape_cast %get3A_1314 : vector<16xf32> to vector<16xf32>
    %mul3A_1316 = arith.mulf %get3A_1312, %get3A_1315 : vector<16xf32>
    %add3A_1317 = arith.addf %add3A_1309, %mul3A_1316 : vector<16xf32>
    %get3A_1318 = arith.constant 1744 : index
    %get3A_1319 = tpu.vector_load %arg6[%get3A_1318] {strides = array<i32>} : memref<2304xf32, #tpu.memory_space<vmem>>, vector<16xf32>,
    %get3A_1320 = vector.shape_cast %get3A_1319 : vector<16xf32> to vector<16xf32>
    %get3A_1321 = arith.constant 1744 : index
    %get3A_1322 = tpu.vector_load %arg8[%get3A_1321] {strides = array<i32>} : memref<2304xf32, #tpu.memory_space<vmem>>, vector<16xf32>,
    %get3A_1323 = vector.shape_cast %get3A_1322 : vector<16xf32> to vector<16xf32>
    %mul3A_1324 = arith.mulf %get3A_1320, %get3A_1323 : vector<16xf32>
    %add3A_1325 = arith.addf %add3A_1317, %mul3A_1324 : vector<16xf32>
    %get3A_1326 = arith.constant 2000 : index
    %get3A_1327 = tpu.vector_load %arg6[%get3A_1326] {strides = array<i32>} : memref<2304xf32, #tpu.memory_space<vmem>>, vector<16xf32>,
    %get3A_1328 = vector.shape_cast %get3A_1327 : vector<16xf32> to vector<16xf32>
    %get3A_1329 = arith.constant 2000 : index
    %get3A_1330 = tpu.vector_load %arg8[%get3A_1329] {strides = array<i32>} : memref<2304xf32, #tpu.memory_space<vmem>>, vector<16xf32>,
    %get3A_1331 = vector.shape_cast %get3A_1330 : vector<16xf32> to vector<16xf32>
    %mul3A_1332 = arith.mulf %get3A_1328, %get3A_1331 : vector<16xf32>
    %add3A_1333 = arith.addf %add3A_1325, %mul3A_1332 : vector<16xf32>
    %get3A_1334 = arith.constant 2256 : index
    %get3A_1335 = tpu.vector_load %arg6[%get3A_1334] {strides = array<i32>} : memref<2304xf32, #tpu.memory_space<vmem>>, vector<16xf32>,
    %get3A_1336 = vector.shape_cast %get3A_1335 : vector<16xf32> to vector<16xf32>
    %get3A_1337 = arith.constant 2256 : index
    %get3A_1338 = tpu.vector_load %arg8[%get3A_1337] {strides = array<i32>} : memref<2304xf32, #tpu.memory_space<vmem>>, vector<16xf32>,
    %get3A_1339 = vector.shape_cast %get3A_1338 : vector<16xf32> to vector<16xf32>
    %mul3A_1340 = arith.mulf %get3A_1336, %get3A_1339 : vector<16xf32>
    %add3A_1341 = arith.addf %add3A_1333, %mul3A_1340 : vector<16xf32>
    %swap3A_1342 = arith.constant 208 : index
    %swap3A_1343 = tpu.vector_load %arg9[%swap3A_1342] {strides = array<i32>} : memref<256xf32, #tpu.memory_space<vmem>>, vector<16xf32>,
    %swap3A_1344 = vector.shape_cast %swap3A_1343 : vector<16xf32> to vector<16xf32>
    %swap3A_1345 = vector.shape_cast %add3A_1341 : vector<16xf32> to vector<16xf32>
    tpu.vector_store %arg9[%swap3A_1342], %swap3A_1345 {strides = array<i32>} : memref<256xf32, #tpu.memory_space<vmem>>, vector<16xf32>,
    %broadcast_in_dim3A_1346 = arith.constant 0.000000e+00 : f32
    %broadcast_in_dim3A_1347 = vector.broadcast %broadcast_in_dim3A_1346 : f32 to vector<16xf32>
    %get3A_1348 = arith.constant 224 : index
    %get3A_1349 = tpu.vector_load %arg6[%get3A_1348] {strides = array<i32>} : memref<2304xf32, #tpu.memory_space<vmem>>, vector<16xf32>,
    %get3A_1350 = vector.shape_cast %get3A_1349 : vector<16xf32> to vector<16xf32>
    %get3A_1351 = arith.constant 224 : index
    %get3A_1352 = tpu.vector_load %arg8[%get3A_1351] {strides = array<i32>} : memref<2304xf32, #tpu.memory_space<vmem>>, vector<16xf32>,
    %get3A_1353 = vector.shape_cast %get3A_1352 : vector<16xf32> to vector<16xf32>
    %mul3A_1354 = arith.mulf %get3A_1350, %get3A_1353 : vector<16xf32>
    %add3A_1355 = arith.addf %broadcast_in_dim3A_1347, %mul3A_1354 : vector<16xf32>
    %get3A_1356 = arith.constant 480 : index
    %get3A_1357 = tpu.vector_load %arg6[%get3A_1356] {strides = array<i32>} : memref<2304xf32, #tpu.memory_space<vmem>>, vector<16xf32>,
    %get3A_1358 = vector.shape_cast %get3A_1357 : vector<16xf32> to vector<16xf32>
    %get3A_1359 = arith.constant 480 : index
    %get3A_1360 = tpu.vector_load %arg8[%get3A_1359] {strides = array<i32>} : memref<2304xf32, #tpu.memory_space<vmem>>, vector<16xf32>,
    %get3A_1361 = vector.shape_cast %get3A_1360 : vector<16xf32> to vector<16xf32>
    %mul3A_1362 = arith.mulf %get3A_1358, %get3A_1361 : vector<16xf32>
    %add3A_1363 = arith.addf %add3A_1355, %mul3A_1362 : vector<16xf32>
    %get3A_1364 = arith.constant 736 : index
    %get3A_1365 = tpu.vector_load %arg6[%get3A_1364] {strides = array<i32>} : memref<2304xf32, #tpu.memory_space<vmem>>, vector<16xf32>,
    %get3A_1366 = vector.shape_cast %get3A_1365 : vector<16xf32> to vector<16xf32>
    %get3A_1367 = arith.constant 736 : index
    %get3A_1368 = tpu.vector_load %arg8[%get3A_1367] {strides = array<i32>} : memref<2304xf32, #tpu.memory_space<vmem>>, vector<16xf32>,
    %get3A_1369 = vector.shape_cast %get3A_1368 : vector<16xf32> to vector<16xf32>
    %mul3A_1370 = arith.mulf %get3A_1366, %get3A_1369 : vector<16xf32>
    %add3A_1371 = arith.addf %add3A_1363, %mul3A_1370 : vector<16xf32>
    %get3A_1372 = arith.constant 992 : index
    %get3A_1373 = tpu.vector_load %arg6[%get3A_1372] {strides = array<i32>} : memref<2304xf32, #tpu.memory_space<vmem>>, vector<16xf32>,
    %get3A_1374 = vector.shape_cast %get3A_1373 : vector<16xf32> to vector<16xf32>
    %get3A_1375 = arith.constant 992 : index
    %get3A_1376 = tpu.vector_load %arg8[%get3A_1375] {strides = array<i32>} : memref<2304xf32, #tpu.memory_space<vmem>>, vector<16xf32>,
    %get3A_1377 = vector.shape_cast %get3A_1376 : vector<16xf32> to vector<16xf32>
    %mul3A_1378 = arith.mulf %get3A_1374, %get3A_1377 : vector<16xf32>
    %add3A_1379 = arith.addf %add3A_1371, %mul3A_1378 : vector<16xf32>
    %get3A_1380 = arith.constant 1248 : index
    %get3A_1381 = tpu.vector_load %arg6[%get3A_1380] {strides = array<i32>} : memref<2304xf32, #tpu.memory_space<vmem>>, vector<16xf32>,
    %get3A_1382 = vector.shape_cast %get3A_1381 : vector<16xf32> to vector<16xf32>
    %get3A_1383 = arith.constant 1248 : index
    %get3A_1384 = tpu.vector_load %arg8[%get3A_1383] {strides = array<i32>} : memref<2304xf32, #tpu.memory_space<vmem>>, vector<16xf32>,
    %get3A_1385 = vector.shape_cast %get3A_1384 : vector<16xf32> to vector<16xf32>
    %mul3A_1386 = arith.mulf %get3A_1382, %get3A_1385 : vector<16xf32>
    %add3A_1387 = arith.addf %add3A_1379, %mul3A_1386 : vector<16xf32>
    %get3A_1388 = arith.constant 1504 : index
    %get3A_1389 = tpu.vector_load %arg6[%get3A_1388] {strides = array<i32>} : memref<2304xf32, #tpu.memory_space<vmem>>, vector<16xf32>,
    %get3A_1390 = vector.shape_cast %get3A_1389 : vector<16xf32> to vector<16xf32>
    %get3A_1391 = arith.constant 1504 : index
    %get3A_1392 = tpu.vector_load %arg8[%get3A_1391] {strides = array<i32>} : memref<2304xf32, #tpu.memory_space<vmem>>, vector<16xf32>,
    %get3A_1393 = vector.shape_cast %get3A_1392 : vector<16xf32> to vector<16xf32>
    %mul3A_1394 = arith.mulf %get3A_1390, %get3A_1393 : vector<16xf32>
    %add3A_1395 = arith.addf %add3A_1387, %mul3A_1394 : vector<16xf32>
    %get3A_1396 = arith.constant 1760 : index
    %get3A_1397 = tpu.vector_load %arg6[%get3A_1396] {strides = array<i32>} : memref<2304xf32, #tpu.memory_space<vmem>>, vector<16xf32>,
    %get3A_1398 = vector.shape_cast %get3A_1397 : vector<16xf32> to vector<16xf32>
    %get3A_1399 = arith.constant 1760 : index
    %get3A_1400 = tpu.vector_load %arg8[%get3A_1399] {strides = array<i32>} : memref<2304xf32, #tpu.memory_space<vmem>>, vector<16xf32>,
    %get3A_1401 = vector.shape_cast %get3A_1400 : vector<16xf32> to vector<16xf32>
    %mul3A_1402 = arith.mulf %get3A_1398, %get3A_1401 : vector<16xf32>
    %add3A_1403 = arith.addf %add3A_1395, %mul3A_1402 : vector<16xf32>
    %get3A_1404 = arith.constant 2016 : index
    %get3A_1405 = tpu.vector_load %arg6[%get3A_1404] {strides = array<i32>} : memref<2304xf32, #tpu.memory_space<vmem>>, vector<16xf32>,
    %get3A_1406 = vector.shape_cast %get3A_1405 : vector<16xf32> to vector<16xf32>
    %get3A_1407 = arith.constant 2016 : index
    %get3A_1408 = tpu.vector_load %arg8[%get3A_1407] {strides = array<i32>} : memref<2304xf32, #tpu.memory_space<vmem>>, vector<16xf32>,
    %get3A_1409 = vector.shape_cast %get3A_1408 : vector<16xf32> to vector<16xf32>
    %mul3A_1410 = arith.mulf %get3A_1406, %get3A_1409 : vector<16xf32>
    %add3A_1411 = arith.addf %add3A_1403, %mul3A_1410 : vector<16xf32>
    %get3A_1412 = arith.constant 2272 : index
    %get3A_1413 = tpu.vector_load %arg6[%get3A_1412] {strides = array<i32>} : memref<2304xf32, #tpu.memory_space<vmem>>, vector<16xf32>,
    %get3A_1414 = vector.shape_cast %get3A_1413 : vector<16xf32> to vector<16xf32>
    %get3A_1415 = arith.constant 2272 : index
    %get3A_1416 = tpu.vector_load %arg8[%get3A_1415] {strides = array<i32>} : memref<2304xf32, #tpu.memory_space<vmem>>, vector<16xf32>,
    %get3A_1417 = vector.shape_cast %get3A_1416 : vector<16xf32> to vector<16xf32>
    %mul3A_1418 = arith.mulf %get3A_1414, %get3A_1417 : vector<16xf32>
    %add3A_1419 = arith.addf %add3A_1411, %mul3A_1418 : vector<16xf32>
    %swap3A_1420 = arith.constant 224 : index
    %swap3A_1421 = tpu.vector_load %arg9[%swap3A_1420] {strides = array<i32>} : memref<256xf32, #tpu.memory_space<vmem>>, vector<16xf32>,
    %swap3A_1422 = vector.shape_cast %swap3A_1421 : vector<16xf32> to vector<16xf32>
    %swap3A_1423 = vector.shape_cast %add3A_1419 : vector<16xf32> to vector<16xf32>
    tpu.vector_store %arg9[%swap3A_1420], %swap3A_1423 {strides = array<i32>} : memref<256xf32, #tpu.memory_space<vmem>>, vector<16xf32>,
    %broadcast_in_dim3A_1424 = arith.constant 0.000000e+00 : f32
    %broadcast_in_dim3A_1425 = vector.broadcast %broadcast_in_dim3A_1424 : f32 to vector<16xf32>
    %get3A_1426 = arith.constant 240 : index
    %get3A_1427 = tpu.vector_load %arg6[%get3A_1426] {strides = array<i32>} : memref<2304xf32, #tpu.memory_space<vmem>>, vector<16xf32>,
    %get3A_1428 = vector.shape_cast %get3A_1427 : vector<16xf32> to vector<16xf32>
    %get3A_1429 = arith.constant 240 : index
    %get3A_1430 = tpu.vector_load %arg8[%get3A_1429] {strides = array<i32>} : memref<2304xf32, #tpu.memory_space<vmem>>, vector<16xf32>,
    %get3A_1431 = vector.shape_cast %get3A_1430 : vector<16xf32> to vector<16xf32>
    %mul3A_1432 = arith.mulf %get3A_1428, %get3A_1431 : vector<16xf32>
    %add3A_1433 = arith.addf %broadcast_in_dim3A_1425, %mul3A_1432 : vector<16xf32>
    %get3A_1434 = arith.constant 496 : index
    %get3A_1435 = tpu.vector_load %arg6[%get3A_1434] {strides = array<i32>} : memref<2304xf32, #tpu.memory_space<vmem>>, vector<16xf32>,
    %get3A_1436 = vector.shape_cast %get3A_1435 : vector<16xf32> to vector<16xf32>
    %get3A_1437 = arith.constant 496 : index
    %get3A_1438 = tpu.vector_load %arg8[%get3A_1437] {strides = array<i32>} : memref<2304xf32, #tpu.memory_space<vmem>>, vector<16xf32>,
    %get3A_1439 = vector.shape_cast %get3A_1438 : vector<16xf32> to vector<16xf32>
    %mul3A_1440 = arith.mulf %get3A_1436, %get3A_1439 : vector<16xf32>
    %add3A_1441 = arith.addf %add3A_1433, %mul3A_1440 : vector<16xf32>
    %get3A_1442 = arith.constant 752 : index
    %get3A_1443 = tpu.vector_load %arg6[%get3A_1442] {strides = array<i32>} : memref<2304xf32, #tpu.memory_space<vmem>>, vector<16xf32>,
    %get3A_1444 = vector.shape_cast %get3A_1443 : vector<16xf32> to vector<16xf32>
    %get3A_1445 = arith.constant 752 : index
    %get3A_1446 = tpu.vector_load %arg8[%get3A_1445] {strides = array<i32>} : memref<2304xf32, #tpu.memory_space<vmem>>, vector<16xf32>,
    %get3A_1447 = vector.shape_cast %get3A_1446 : vector<16xf32> to vector<16xf32>
    %mul3A_1448 = arith.mulf %get3A_1444, %get3A_1447 : vector<16xf32>
    %add3A_1449 = arith.addf %add3A_1441, %mul3A_1448 : vector<16xf32>
    %get3A_1450 = arith.constant 1008 : index
    %get3A_1451 = tpu.vector_load %arg6[%get3A_1450] {strides = array<i32>} : memref<2304xf32, #tpu.memory_space<vmem>>, vector<16xf32>,
    %get3A_1452 = vector.shape_cast %get3A_1451 : vector<16xf32> to vector<16xf32>
    %get3A_1453 = arith.constant 1008 : index
    %get3A_1454 = tpu.vector_load %arg8[%get3A_1453] {strides = array<i32>} : memref<2304xf32, #tpu.memory_space<vmem>>, vector<16xf32>,
    %get3A_1455 = vector.shape_cast %get3A_1454 : vector<16xf32> to vector<16xf32>
    %mul3A_1456 = arith.mulf %get3A_1452, %get3A_1455 : vector<16xf32>
    %add3A_1457 = arith.addf %add3A_1449, %mul3A_1456 : vector<16xf32>
    %get3A_1458 = arith.constant 1264 : index
    %get3A_1459 = tpu.vector_load %arg6[%get3A_1458] {strides = array<i32>} : memref<2304xf32, #tpu.memory_space<vmem>>, vector<16xf32>,
    %get3A_1460 = vector.shape_cast %get3A_1459 : vector<16xf32> to vector<16xf32>
    %get3A_1461 = arith.constant 1264 : index
    %get3A_1462 = tpu.vector_load %arg8[%get3A_1461] {strides = array<i32>} : memref<2304xf32, #tpu.memory_space<vmem>>, vector<16xf32>,
    %get3A_1463 = vector.shape_cast %get3A_1462 : vector<16xf32> to vector<16xf32>
    %mul3A_1464 = arith.mulf %get3A_1460, %get3A_1463 : vector<16xf32>
    %add3A_1465 = arith.addf %add3A_1457, %mul3A_1464 : vector<16xf32>
    %get3A_1466 = arith.constant 1520 : index
    %get3A_1467 = tpu.vector_load %arg6[%get3A_1466] {strides = array<i32>} : memref<2304xf32, #tpu.memory_space<vmem>>, vector<16xf32>,
    %get3A_1468 = vector.shape_cast %get3A_1467 : vector<16xf32> to vector<16xf32>
    %get3A_1469 = arith.constant 1520 : index
    %get3A_1470 = tpu.vector_load %arg8[%get3A_1469] {strides = array<i32>} : memref<2304xf32, #tpu.memory_space<vmem>>, vector<16xf32>,
    %get3A_1471 = vector.shape_cast %get3A_1470 : vector<16xf32> to vector<16xf32>
    %mul3A_1472 = arith.mulf %get3A_1468, %get3A_1471 : vector<16xf32>
    %add3A_1473 = arith.addf %add3A_1465, %mul3A_1472 : vector<16xf32>
    %get3A_1474 = arith.constant 1776 : index
    %get3A_1475 = tpu.vector_load %arg6[%get3A_1474] {strides = array<i32>} : memref<2304xf32, #tpu.memory_space<vmem>>, vector<16xf32>,
    %get3A_1476 = vector.shape_cast %get3A_1475 : vector<16xf32> to vector<16xf32>
    %get3A_1477 = arith.constant 1776 : index
    %get3A_1478 = tpu.vector_load %arg8[%get3A_1477] {strides = array<i32>} : memref<2304xf32, #tpu.memory_space<vmem>>, vector<16xf32>,
    %get3A_1479 = vector.shape_cast %get3A_1478 : vector<16xf32> to vector<16xf32>
    %mul3A_1480 = arith.mulf %get3A_1476, %get3A_1479 : vector<16xf32>
    %add3A_1481 = arith.addf %add3A_1473, %mul3A_1480 : vector<16xf32>
    %get3A_1482 = arith.constant 2032 : index
    %get3A_1483 = tpu.vector_load %arg6[%get3A_1482] {strides = array<i32>} : memref<2304xf32, #tpu.memory_space<vmem>>, vector<16xf32>,
    %get3A_1484 = vector.shape_cast %get3A_1483 : vector<16xf32> to vector<16xf32>
    %get3A_1485 = arith.constant 2032 : index
    %get3A_1486 = tpu.vector_load %arg8[%get3A_1485] {strides = array<i32>} : memref<2304xf32, #tpu.memory_space<vmem>>, vector<16xf32>,
    %get3A_1487 = vector.shape_cast %get3A_1486 : vector<16xf32> to vector<16xf32>
    %mul3A_1488 = arith.mulf %get3A_1484, %get3A_1487 : vector<16xf32>
    %add3A_1489 = arith.addf %add3A_1481, %mul3A_1488 : vector<16xf32>
    %get3A_1490 = arith.constant 2288 : index
    %get3A_1491 = tpu.vector_load %arg6[%get3A_1490] {strides = array<i32>} : memref<2304xf32, #tpu.memory_space<vmem>>, vector<16xf32>,
    %get3A_1492 = vector.shape_cast %get3A_1491 : vector<16xf32> to vector<16xf32>
    %get3A_1493 = arith.constant 2288 : index
    %get3A_1494 = tpu.vector_load %arg8[%get3A_1493] {strides = array<i32>} : memref<2304xf32, #tpu.memory_space<vmem>>, vector<16xf32>,
    %get3A_1495 = vector.shape_cast %get3A_1494 : vector<16xf32> to vector<16xf32>
    %mul3A_1496 = arith.mulf %get3A_1492, %get3A_1495 : vector<16xf32>
    %add3A_1497 = arith.addf %add3A_1489, %mul3A_1496 : vector<16xf32>
    %swap3A_1498 = arith.constant 240 : index
    %swap3A_1499 = tpu.vector_load %arg9[%swap3A_1498] {strides = array<i32>} : memref<256xf32, #tpu.memory_space<vmem>>, vector<16xf32>,
    %swap3A_1500 = vector.shape_cast %swap3A_1499 : vector<16xf32> to vector<16xf32>
    %swap3A_1501 = vector.shape_cast %add3A_1497 : vector<16xf32> to vector<16xf32>
    tpu.vector_store %arg9[%swap3A_1498], %swap3A_1501 {strides = array<i32>} : memref<256xf32, #tpu.memory_space<vmem>>, vector<16xf32>,
    "tpu.region"() ({
      %run_scoped3A = tpu.sem_alloc : memref<!tpu.dma_semaphore, #tpu.memory_space<semaphore_mem>>
      %dma_start3A_1502 = tpu.memref_slice %arg5[%mul3A_2] : memref<8192xf32, #tpu.memory_space<hbm>> -> memref<256xf32, #tpu.memory_space<hbm>>
      %dma_start3A_1503 = tpu.memref_slice %arg5[%mul3A_2] : memref<8192xf32, #tpu.memory_space<hbm>> -> memref<256xf32, #tpu.memory_space<hbm>>
      tpu.enqueue_dma source(%arg9 : memref<256xf32, #tpu.memory_space<vmem>>) target(%dma_start3A_1503 : memref<256xf32, #tpu.memory_space<hbm>>) target_semaphore(%run_scoped3A : memref<!tpu.dma_semaphore, #tpu.memory_space<semaphore_mem>>)
      %dma_wait3A_1504 = tpu.memref_slice %arg5[%mul3A_2] : memref<8192xf32, #tpu.memory_space<hbm>> -> memref<256xf32, #tpu.memory_space<hbm>>
      %dma_wait3A_1505 = tpu.memref_slice %arg5[%mul3A_2] : memref<8192xf32, #tpu.memory_space<hbm>> -> memref<256xf32, #tpu.memory_space<hbm>>
      tpu.wait_dma2 semaphore(%run_scoped3A : memref<!tpu.dma_semaphore, #tpu.memory_space<semaphore_mem>>) src(%arg9 : memref<256xf32, #tpu.memory_space<vmem>>) dst(%dma_wait3A_1505 : memref<256xf32, #tpu.memory_space<hbm>>)
      tpu.yield
    }) : () -> ()
    return
  }
}

module attributes {stable_mosaic.version = 14 : i64} {
  func.func @_tc_body(%arg0: i32, %arg1: memref<256x8xf32, #tpu.memory_space<vmem>>, %arg2: memref<8x8192xf32, #tpu.memory_space<vmem>>, %arg3: memref<8x4096xf32, #tpu.memory_space<vmem>>, %arg4: memref<8x2048xf32, #tpu.memory_space<vmem>>, %arg5: memref<8x2048xf32, #tpu.memory_space<vmem>>, %arg6: memref<32x8192xf32, #tpu.memory_space<vmem>>, %arg7: memref<32x4096xf32, #tpu.memory_space<vmem>>, %arg8: memref<32x2048xf32, #tpu.memory_space<vmem>>, %arg9: memref<64x96xf32, #tpu.memory_space<vmem>>, %arg10: memref<8x64xf32, #tpu.memory_space<vmem>>, %arg11: memref<256x16xf32, #tpu.memory_space<vmem>>, %arg12: memref<256x16xi32, #tpu.memory_space<vmem>>, %arg13: memref<1x14336xf32, #tpu.memory_space<vmem>>, %arg14: memref<256x1xf32, #tpu.memory_space<vmem>>) attributes {dimension_semantics = [#tpu.dimension_semantics<arbitrary>], iteration_bounds = array<i64: 32>, scalar_prefetch = 0 : i64, scratch_operands = 0 : i64, tpu.core_type = #tpu.core_type<tc>, window_params = [{transform_indices = @transform_0, window_bounds = array<i64: 256, 8>}, {pipeline_mode = #tpu.pipeline_mode<synchronous>, transform_indices = @transform_1, window_bounds = array<i64: 8, 8192>}, {pipeline_mode = #tpu.pipeline_mode<synchronous>, transform_indices = @transform_2, window_bounds = array<i64: 8, 4096>}, {pipeline_mode = #tpu.pipeline_mode<synchronous>, transform_indices = @transform_3, window_bounds = array<i64: 8, 2048>}, {pipeline_mode = #tpu.pipeline_mode<synchronous>, transform_indices = @transform_4, window_bounds = array<i64: 8, 2048>}, {pipeline_mode = #tpu.pipeline_mode<synchronous>, transform_indices = @transform_5, window_bounds = array<i64: 32, 8192>}, {pipeline_mode = #tpu.pipeline_mode<synchronous>, transform_indices = @transform_6, window_bounds = array<i64: 32, 4096>}, {pipeline_mode = #tpu.pipeline_mode<synchronous>, transform_indices = @transform_7, window_bounds = array<i64: 32, 2048>}, {pipeline_mode = #tpu.pipeline_mode<synchronous>, transform_indices = @transform_8, window_bounds = array<i64: 64, 96>}, {pipeline_mode = #tpu.pipeline_mode<synchronous>, transform_indices = @transform_9, window_bounds = array<i64: 8, 64>}, {transform_indices = @transform_10, window_bounds = array<i64: 256, 16>}, {transform_indices = @transform_11, window_bounds = array<i64: 256, 16>}, {pipeline_mode = #tpu.pipeline_mode<synchronous>, transform_indices = @transform_12, window_bounds = array<i64: 1, 14336>}, {transform_indices = @transform_13, window_bounds = array<i64: 256, 1>}]} {
    %get3A = arith.constant 0 : index
    %get3A_0 = arith.constant 0 : index
    %get3A_1 = vector.load %arg1[%get3A, %get3A_0] : memref<256x8xf32, #tpu.memory_space<vmem>>, vector<256x8xf32>
    %mul3A = arith.mulf %get3A_1, %get3A_1 : vector<256x8xf32>
    %reduce_sum3A = arith.constant dense<0.000000e+00> : vector<256xf32>
    %reduce_sum3A_2 = vector.multi_reduction <add>, %mul3A, %reduce_sum3A [1] : vector<256x8xf32> to vector<256xf32>
    %broadcast_in_dim3A = vector.shape_cast %reduce_sum3A_2 : vector<256xf32> to vector<256x1xf32>
    %mul3A_3 = arith.constant -2.000000e+00 : f32
    %mul3A_4 = vector.broadcast %mul3A_3 : f32 to vector<256x8xf32>
    %mul3A_5 = arith.mulf %get3A_1, %mul3A_4 : vector<256x8xf32>
    %get3A_6 = arith.constant 0 : index
    %get3A_7 = arith.constant 0 : index
    %get3A_8 = vector.load %arg10[%get3A_6, %get3A_7] : memref<8x64xf32, #tpu.memory_space<vmem>>, vector<8x64xf32>
    %get3A_9 = arith.constant 0 : index
    %get3A_10 = arith.constant 0 : index
    %get3A_11 = vector.load %arg9[%get3A_9, %get3A_10] : memref<64x96xf32, #tpu.memory_space<vmem>>, vector<64x96xf32>
    %dot_general3A = arith.constant dense<0.000000e+00> : vector<8x96xf32>
    %dot_general3A_12 = tpu.matmul %get3A_8, %get3A_11, %dot_general3A {dimension_numbers = #tpu.dot_dimension_numbers<[1], [0], [0], [1], [0, 0, 1, 1], [], []>, transpose_lhs_hint = false} : vector<8x64xf32>, vector<64x96xf32>, vector<8x96xf32> -> vector<8x96xf32>
    %get3A_13 = arith.constant 0 : index
    %get3A_14 = arith.constant 0 : index
    %get3A_15 = vector.load %arg2[%get3A_13, %get3A_14] : memref<8x8192xf32, #tpu.memory_space<vmem>>, vector<8x8192xf32>
    %mul3A_16 = arith.mulf %get3A_15, %get3A_15 : vector<8x8192xf32>
    %reduce_sum3A_17 = arith.constant dense<0.000000e+00> : vector<8192xf32>
    %reduce_sum3A_18 = vector.multi_reduction <add>, %mul3A_16, %reduce_sum3A_17 [0] : vector<8x8192xf32> to vector<8192xf32>
    %broadcast_in_dim3A_19 = vector.shape_cast %reduce_sum3A_18 : vector<8192xf32> to vector<1x8192xf32>
    %eq3A = arith.constant 0 : i32
    %eq3A_20 = arith.cmpi eq, %arg0, %eq3A : i32
    %convert_element_type3A = arith.extui %eq3A_20 : i1 to i32
    %cond3A = arith.constant 0 : i32
    %cond3A_21 = arith.cmpi ne, %convert_element_type3A, %cond3A : i32
    scf.if %cond3A_21 {
      %slice3A_738 = vector.extract_strided_slice %dot_general3A_12 {offsets = [0, 0], sizes = [8, 32], strides = [1, 1]} : vector<8x96xf32> to vector<8x32xf32>
      %get3A_739 = arith.constant 0 : index
      %get3A_740 = arith.constant 0 : index
      %get3A_741 = vector.load %arg6[%get3A_739, %get3A_740] : memref<32x8192xf32, #tpu.memory_space<vmem>>, vector<32x8192xf32>
      %dot_general3A_742 = arith.constant dense<0.000000e+00> : vector<8x8192xf32>
      %dot_general3A_743 = tpu.matmul %slice3A_738, %get3A_741, %dot_general3A_742 {dimension_numbers = #tpu.dot_dimension_numbers<[1], [0], [0], [1], [0, 0, 1, 1], [], []>, transpose_lhs_hint = false} : vector<8x32xf32>, vector<32x8192xf32>, vector<8x8192xf32> -> vector<8x8192xf32>
      %slice3A_744 = vector.extract_strided_slice %dot_general3A_743 {offsets = [0, 0], sizes = [1, 8192], strides = [1, 1]} : vector<8x8192xf32> to vector<1x8192xf32>
      %swap3A_745 = arith.constant 0 : index
      %swap3A_746 = arith.constant 0 : index
      %swap3A_747 = vector.load %arg13[%swap3A_745, %swap3A_746] : memref<1x14336xf32, #tpu.memory_space<vmem>>, vector<1x8192xf32>
      tpu.vector_store %arg13[%swap3A_745, %swap3A_746], %slice3A_744 {strides = array<i32>} : memref<1x14336xf32, #tpu.memory_space<vmem>>, vector<1x8192xf32>,
    } else {
    }
    %slice3A = vector.extract_strided_slice %broadcast_in_dim3A_19 {offsets = [0, 0], sizes = [1, 2048], strides = [1, 1]} : vector<1x8192xf32> to vector<1x2048xf32>
    %add3A = vector.broadcast %broadcast_in_dim3A : vector<256x1xf32> to vector<256x2048xf32>
    %add3A_22 = vector.broadcast %slice3A : vector<1x2048xf32> to vector<256x2048xf32>
    %add3A_23 = arith.addf %add3A, %add3A_22 : vector<256x2048xf32>
    %slice3A_24 = vector.extract_strided_slice %get3A_15 {offsets = [0, 0], sizes = [8, 2048], strides = [1, 1]} : vector<8x8192xf32> to vector<8x2048xf32>
    %dot_general3A_25 = arith.constant dense<0.000000e+00> : vector<256x2048xf32>
    %dot_general3A_26 = tpu.matmul %mul3A_5, %slice3A_24, %dot_general3A_25 {dimension_numbers = #tpu.dot_dimension_numbers<[1], [0], [0], [1], [0, 0, 1, 1], [], []>, transpose_lhs_hint = false} : vector<256x8xf32>, vector<8x2048xf32>, vector<256x2048xf32> -> vector<256x2048xf32>
    %add3A_27 = arith.addf %add3A_23, %dot_general3A_26 : vector<256x2048xf32>
    %max3A = arith.constant 0.000000e+00 : f32
    %max3A_28 = vector.broadcast %max3A : f32 to vector<256x2048xf32>
    %max3A_29 = arith.maximumf %add3A_27, %max3A_28 : vector<256x2048xf32>
    %iota3A = tpu.iota {dimensions = array<i32: 1>} : vector<256x2048xi32>
    %convert_element_type3A_30 = arith.sitofp %iota3A : vector<256x2048xi32> to vector<256x2048xf32>
    %reduce_min3A = arith.constant dense<0x7F800000> : vector<256xf32>
    %reduce_min3A_31 = vector.multi_reduction <minimumf>, %max3A_29, %reduce_min3A [1] : vector<256x2048xf32> to vector<256xf32>
    %broadcast_in_dim3A_32 = vector.shape_cast %reduce_min3A_31 : vector<256xf32> to vector<256x1xf32>
    %eq3A_33 = vector.broadcast %broadcast_in_dim3A_32 : vector<256x1xf32> to vector<256x2048xf32>
    %eq3A_34 = arith.cmpf oeq, %max3A_29, %eq3A_33 : vector<256x2048xf32>
    %jit3A = arith.constant 1.000000e+09 : f32
    %broadcast_in_dim3A_35 = vector.broadcast %jit3A : f32 to vector<256x2048xf32>
    %select_n3A = arith.select %eq3A_34, %convert_element_type3A_30, %broadcast_in_dim3A_35 : vector<256x2048xi1>, vector<256x2048xf32>
    %reduce_min3A_36 = arith.constant dense<0x7F800000> : vector<256xf32>
    %reduce_min3A_37 = vector.multi_reduction <minimumf>, %select_n3A, %reduce_min3A_36 [1] : vector<256x2048xf32> to vector<256xf32>
    %broadcast_in_dim3A_38 = vector.shape_cast %reduce_min3A_37 : vector<256xf32> to vector<256x1xf32>
    %eq3A_39 = vector.broadcast %broadcast_in_dim3A_38 : vector<256x1xf32> to vector<256x2048xf32>
    %eq3A_40 = arith.cmpf oeq, %select_n3A, %eq3A_39 : vector<256x2048xf32>
    %jit3A_41 = arith.constant 3.000000e+38 : f32
    %broadcast_in_dim3A_42 = vector.broadcast %jit3A_41 : f32 to vector<256x2048xf32>
    %select_n3A_43 = arith.select %eq3A_40, %broadcast_in_dim3A_42, %max3A_29 : vector<256x2048xi1>, vector<256x2048xf32>
    %reduce_min3A_44 = arith.constant dense<0x7F800000> : vector<256xf32>
    %reduce_min3A_45 = vector.multi_reduction <minimumf>, %select_n3A_43, %reduce_min3A_44 [1] : vector<256x2048xf32> to vector<256xf32>
    %broadcast_in_dim3A_46 = vector.shape_cast %reduce_min3A_45 : vector<256xf32> to vector<256x1xf32>
    %eq3A_47 = vector.broadcast %broadcast_in_dim3A_46 : vector<256x1xf32> to vector<256x2048xf32>
    %eq3A_48 = arith.cmpf oeq, %select_n3A_43, %eq3A_47 : vector<256x2048xf32>
    %jit3A_49 = arith.constant 1.000000e+09 : f32
    %broadcast_in_dim3A_50 = vector.broadcast %jit3A_49 : f32 to vector<256x2048xf32>
    %select_n3A_51 = arith.select %eq3A_48, %convert_element_type3A_30, %broadcast_in_dim3A_50 : vector<256x2048xi1>, vector<256x2048xf32>
    %reduce_min3A_52 = arith.constant dense<0x7F800000> : vector<256xf32>
    %reduce_min3A_53 = vector.multi_reduction <minimumf>, %select_n3A_51, %reduce_min3A_52 [1] : vector<256x2048xf32> to vector<256xf32>
    %broadcast_in_dim3A_54 = vector.shape_cast %reduce_min3A_53 : vector<256xf32> to vector<256x1xf32>
    %eq3A_55 = vector.broadcast %broadcast_in_dim3A_54 : vector<256x1xf32> to vector<256x2048xf32>
    %eq3A_56 = arith.cmpf oeq, %select_n3A_51, %eq3A_55 : vector<256x2048xf32>
    %jit3A_57 = arith.constant 3.000000e+38 : f32
    %broadcast_in_dim3A_58 = vector.broadcast %jit3A_57 : f32 to vector<256x2048xf32>
    %select_n3A_59 = arith.select %eq3A_56, %broadcast_in_dim3A_58, %select_n3A_43 : vector<256x2048xi1>, vector<256x2048xf32>
    %reduce_min3A_60 = arith.constant dense<0x7F800000> : vector<256xf32>
    %reduce_min3A_61 = vector.multi_reduction <minimumf>, %select_n3A_59, %reduce_min3A_60 [1] : vector<256x2048xf32> to vector<256xf32>
    %broadcast_in_dim3A_62 = vector.shape_cast %reduce_min3A_61 : vector<256xf32> to vector<256x1xf32>
    %eq3A_63 = vector.broadcast %broadcast_in_dim3A_62 : vector<256x1xf32> to vector<256x2048xf32>
    %eq3A_64 = arith.cmpf oeq, %select_n3A_59, %eq3A_63 : vector<256x2048xf32>
    %jit3A_65 = arith.constant 1.000000e+09 : f32
    %broadcast_in_dim3A_66 = vector.broadcast %jit3A_65 : f32 to vector<256x2048xf32>
    %select_n3A_67 = arith.select %eq3A_64, %convert_element_type3A_30, %broadcast_in_dim3A_66 : vector<256x2048xi1>, vector<256x2048xf32>
    %reduce_min3A_68 = arith.constant dense<0x7F800000> : vector<256xf32>
    %reduce_min3A_69 = vector.multi_reduction <minimumf>, %select_n3A_67, %reduce_min3A_68 [1] : vector<256x2048xf32> to vector<256xf32>
    %broadcast_in_dim3A_70 = vector.shape_cast %reduce_min3A_69 : vector<256xf32> to vector<256x1xf32>
    %add3A_71 = arith.constant 0.000000e+00 : f32
    %add3A_72 = vector.broadcast %add3A_71 : f32 to vector<256x1xf32>
    %add3A_73 = arith.addf %broadcast_in_dim3A_38, %add3A_72 : vector<256x1xf32>
    %add3A_74 = arith.constant 0.000000e+00 : f32
    %add3A_75 = vector.broadcast %add3A_74 : f32 to vector<256x1xf32>
    %add3A_76 = arith.addf %broadcast_in_dim3A_54, %add3A_75 : vector<256x1xf32>
    %add3A_77 = arith.constant 0.000000e+00 : f32
    %add3A_78 = vector.broadcast %add3A_77 : f32 to vector<256x1xf32>
    %add3A_79 = arith.addf %broadcast_in_dim3A_70, %add3A_78 : vector<256x1xf32>
    %slice3A_80 = vector.extract_strided_slice %broadcast_in_dim3A_19 {offsets = [0, 2048], sizes = [1, 2048], strides = [1, 1]} : vector<1x8192xf32> to vector<1x2048xf32>
    %add3A_81 = vector.broadcast %broadcast_in_dim3A : vector<256x1xf32> to vector<256x2048xf32>
    %add3A_82 = vector.broadcast %slice3A_80 : vector<1x2048xf32> to vector<256x2048xf32>
    %add3A_83 = arith.addf %add3A_81, %add3A_82 : vector<256x2048xf32>
    %slice3A_84 = vector.extract_strided_slice %get3A_15 {offsets = [0, 2048], sizes = [8, 2048], strides = [1, 1]} : vector<8x8192xf32> to vector<8x2048xf32>
    %dot_general3A_85 = arith.constant dense<0.000000e+00> : vector<256x2048xf32>
    %dot_general3A_86 = tpu.matmul %mul3A_5, %slice3A_84, %dot_general3A_85 {dimension_numbers = #tpu.dot_dimension_numbers<[1], [0], [0], [1], [0, 0, 1, 1], [], []>, transpose_lhs_hint = false} : vector<256x8xf32>, vector<8x2048xf32>, vector<256x2048xf32> -> vector<256x2048xf32>
    %add3A_87 = arith.addf %add3A_83, %dot_general3A_86 : vector<256x2048xf32>
    %max3A_88 = arith.constant 0.000000e+00 : f32
    %max3A_89 = vector.broadcast %max3A_88 : f32 to vector<256x2048xf32>
    %max3A_90 = arith.maximumf %add3A_87, %max3A_89 : vector<256x2048xf32>
    %iota3A_91 = tpu.iota {dimensions = array<i32: 1>} : vector<256x2048xi32>
    %convert_element_type3A_92 = arith.sitofp %iota3A_91 : vector<256x2048xi32> to vector<256x2048xf32>
    %reduce_min3A_93 = arith.constant dense<0x7F800000> : vector<256xf32>
    %reduce_min3A_94 = vector.multi_reduction <minimumf>, %max3A_90, %reduce_min3A_93 [1] : vector<256x2048xf32> to vector<256xf32>
    %broadcast_in_dim3A_95 = vector.shape_cast %reduce_min3A_94 : vector<256xf32> to vector<256x1xf32>
    %eq3A_96 = vector.broadcast %broadcast_in_dim3A_95 : vector<256x1xf32> to vector<256x2048xf32>
    %eq3A_97 = arith.cmpf oeq, %max3A_90, %eq3A_96 : vector<256x2048xf32>
    %jit3A_98 = arith.constant 1.000000e+09 : f32
    %broadcast_in_dim3A_99 = vector.broadcast %jit3A_98 : f32 to vector<256x2048xf32>
    %select_n3A_100 = arith.select %eq3A_97, %convert_element_type3A_92, %broadcast_in_dim3A_99 : vector<256x2048xi1>, vector<256x2048xf32>
    %reduce_min3A_101 = arith.constant dense<0x7F800000> : vector<256xf32>
    %reduce_min3A_102 = vector.multi_reduction <minimumf>, %select_n3A_100, %reduce_min3A_101 [1] : vector<256x2048xf32> to vector<256xf32>
    %broadcast_in_dim3A_103 = vector.shape_cast %reduce_min3A_102 : vector<256xf32> to vector<256x1xf32>
    %eq3A_104 = vector.broadcast %broadcast_in_dim3A_103 : vector<256x1xf32> to vector<256x2048xf32>
    %eq3A_105 = arith.cmpf oeq, %select_n3A_100, %eq3A_104 : vector<256x2048xf32>
    %jit3A_106 = arith.constant 3.000000e+38 : f32
    %broadcast_in_dim3A_107 = vector.broadcast %jit3A_106 : f32 to vector<256x2048xf32>
    %select_n3A_108 = arith.select %eq3A_105, %broadcast_in_dim3A_107, %max3A_90 : vector<256x2048xi1>, vector<256x2048xf32>
    %reduce_min3A_109 = arith.constant dense<0x7F800000> : vector<256xf32>
    %reduce_min3A_110 = vector.multi_reduction <minimumf>, %select_n3A_108, %reduce_min3A_109 [1] : vector<256x2048xf32> to vector<256xf32>
    %broadcast_in_dim3A_111 = vector.shape_cast %reduce_min3A_110 : vector<256xf32> to vector<256x1xf32>
    %eq3A_112 = vector.broadcast %broadcast_in_dim3A_111 : vector<256x1xf32> to vector<256x2048xf32>
    %eq3A_113 = arith.cmpf oeq, %select_n3A_108, %eq3A_112 : vector<256x2048xf32>
    %jit3A_114 = arith.constant 1.000000e+09 : f32
    %broadcast_in_dim3A_115 = vector.broadcast %jit3A_114 : f32 to vector<256x2048xf32>
    %select_n3A_116 = arith.select %eq3A_113, %convert_element_type3A_92, %broadcast_in_dim3A_115 : vector<256x2048xi1>, vector<256x2048xf32>
    %reduce_min3A_117 = arith.constant dense<0x7F800000> : vector<256xf32>
    %reduce_min3A_118 = vector.multi_reduction <minimumf>, %select_n3A_116, %reduce_min3A_117 [1] : vector<256x2048xf32> to vector<256xf32>
    %broadcast_in_dim3A_119 = vector.shape_cast %reduce_min3A_118 : vector<256xf32> to vector<256x1xf32>
    %eq3A_120 = vector.broadcast %broadcast_in_dim3A_119 : vector<256x1xf32> to vector<256x2048xf32>
    %eq3A_121 = arith.cmpf oeq, %select_n3A_116, %eq3A_120 : vector<256x2048xf32>
    %jit3A_122 = arith.constant 3.000000e+38 : f32
    %broadcast_in_dim3A_123 = vector.broadcast %jit3A_122 : f32 to vector<256x2048xf32>
    %select_n3A_124 = arith.select %eq3A_121, %broadcast_in_dim3A_123, %select_n3A_108 : vector<256x2048xi1>, vector<256x2048xf32>
    %reduce_min3A_125 = arith.constant dense<0x7F800000> : vector<256xf32>
    %reduce_min3A_126 = vector.multi_reduction <minimumf>, %select_n3A_124, %reduce_min3A_125 [1] : vector<256x2048xf32> to vector<256xf32>
    %broadcast_in_dim3A_127 = vector.shape_cast %reduce_min3A_126 : vector<256xf32> to vector<256x1xf32>
    %eq3A_128 = vector.broadcast %broadcast_in_dim3A_127 : vector<256x1xf32> to vector<256x2048xf32>
    %eq3A_129 = arith.cmpf oeq, %select_n3A_124, %eq3A_128 : vector<256x2048xf32>
    %jit3A_130 = arith.constant 1.000000e+09 : f32
    %broadcast_in_dim3A_131 = vector.broadcast %jit3A_130 : f32 to vector<256x2048xf32>
    %select_n3A_132 = arith.select %eq3A_129, %convert_element_type3A_92, %broadcast_in_dim3A_131 : vector<256x2048xi1>, vector<256x2048xf32>
    %reduce_min3A_133 = arith.constant dense<0x7F800000> : vector<256xf32>
    %reduce_min3A_134 = vector.multi_reduction <minimumf>, %select_n3A_132, %reduce_min3A_133 [1] : vector<256x2048xf32> to vector<256xf32>
    %broadcast_in_dim3A_135 = vector.shape_cast %reduce_min3A_134 : vector<256xf32> to vector<256x1xf32>
    %add3A_136 = arith.constant 2.048000e+03 : f32
    %add3A_137 = vector.broadcast %add3A_136 : f32 to vector<256x1xf32>
    %add3A_138 = arith.addf %broadcast_in_dim3A_103, %add3A_137 : vector<256x1xf32>
    %add3A_139 = arith.constant 2.048000e+03 : f32
    %add3A_140 = vector.broadcast %add3A_139 : f32 to vector<256x1xf32>
    %add3A_141 = arith.addf %broadcast_in_dim3A_119, %add3A_140 : vector<256x1xf32>
    %add3A_142 = arith.constant 2.048000e+03 : f32
    %add3A_143 = vector.broadcast %add3A_142 : f32 to vector<256x1xf32>
    %add3A_144 = arith.addf %broadcast_in_dim3A_135, %add3A_143 : vector<256x1xf32>
    %slice3A_145 = vector.extract_strided_slice %broadcast_in_dim3A_19 {offsets = [0, 4096], sizes = [1, 2048], strides = [1, 1]} : vector<1x8192xf32> to vector<1x2048xf32>
    %add3A_146 = vector.broadcast %broadcast_in_dim3A : vector<256x1xf32> to vector<256x2048xf32>
    %add3A_147 = vector.broadcast %slice3A_145 : vector<1x2048xf32> to vector<256x2048xf32>
    %add3A_148 = arith.addf %add3A_146, %add3A_147 : vector<256x2048xf32>
    %slice3A_149 = vector.extract_strided_slice %get3A_15 {offsets = [0, 4096], sizes = [8, 2048], strides = [1, 1]} : vector<8x8192xf32> to vector<8x2048xf32>
    %dot_general3A_150 = arith.constant dense<0.000000e+00> : vector<256x2048xf32>
    %dot_general3A_151 = tpu.matmul %mul3A_5, %slice3A_149, %dot_general3A_150 {dimension_numbers = #tpu.dot_dimension_numbers<[1], [0], [0], [1], [0, 0, 1, 1], [], []>, transpose_lhs_hint = false} : vector<256x8xf32>, vector<8x2048xf32>, vector<256x2048xf32> -> vector<256x2048xf32>
    %add3A_152 = arith.addf %add3A_148, %dot_general3A_151 : vector<256x2048xf32>
    %max3A_153 = arith.constant 0.000000e+00 : f32
    %max3A_154 = vector.broadcast %max3A_153 : f32 to vector<256x2048xf32>
    %max3A_155 = arith.maximumf %add3A_152, %max3A_154 : vector<256x2048xf32>
    %iota3A_156 = tpu.iota {dimensions = array<i32: 1>} : vector<256x2048xi32>
    %convert_element_type3A_157 = arith.sitofp %iota3A_156 : vector<256x2048xi32> to vector<256x2048xf32>
    %reduce_min3A_158 = arith.constant dense<0x7F800000> : vector<256xf32>
    %reduce_min3A_159 = vector.multi_reduction <minimumf>, %max3A_155, %reduce_min3A_158 [1] : vector<256x2048xf32> to vector<256xf32>
    %broadcast_in_dim3A_160 = vector.shape_cast %reduce_min3A_159 : vector<256xf32> to vector<256x1xf32>
    %eq3A_161 = vector.broadcast %broadcast_in_dim3A_160 : vector<256x1xf32> to vector<256x2048xf32>
    %eq3A_162 = arith.cmpf oeq, %max3A_155, %eq3A_161 : vector<256x2048xf32>
    %jit3A_163 = arith.constant 1.000000e+09 : f32
    %broadcast_in_dim3A_164 = vector.broadcast %jit3A_163 : f32 to vector<256x2048xf32>
    %select_n3A_165 = arith.select %eq3A_162, %convert_element_type3A_157, %broadcast_in_dim3A_164 : vector<256x2048xi1>, vector<256x2048xf32>
    %reduce_min3A_166 = arith.constant dense<0x7F800000> : vector<256xf32>
    %reduce_min3A_167 = vector.multi_reduction <minimumf>, %select_n3A_165, %reduce_min3A_166 [1] : vector<256x2048xf32> to vector<256xf32>
    %broadcast_in_dim3A_168 = vector.shape_cast %reduce_min3A_167 : vector<256xf32> to vector<256x1xf32>
    %eq3A_169 = vector.broadcast %broadcast_in_dim3A_168 : vector<256x1xf32> to vector<256x2048xf32>
    %eq3A_170 = arith.cmpf oeq, %select_n3A_165, %eq3A_169 : vector<256x2048xf32>
    %jit3A_171 = arith.constant 3.000000e+38 : f32
    %broadcast_in_dim3A_172 = vector.broadcast %jit3A_171 : f32 to vector<256x2048xf32>
    %select_n3A_173 = arith.select %eq3A_170, %broadcast_in_dim3A_172, %max3A_155 : vector<256x2048xi1>, vector<256x2048xf32>
    %reduce_min3A_174 = arith.constant dense<0x7F800000> : vector<256xf32>
    %reduce_min3A_175 = vector.multi_reduction <minimumf>, %select_n3A_173, %reduce_min3A_174 [1] : vector<256x2048xf32> to vector<256xf32>
    %broadcast_in_dim3A_176 = vector.shape_cast %reduce_min3A_175 : vector<256xf32> to vector<256x1xf32>
    %eq3A_177 = vector.broadcast %broadcast_in_dim3A_176 : vector<256x1xf32> to vector<256x2048xf32>
    %eq3A_178 = arith.cmpf oeq, %select_n3A_173, %eq3A_177 : vector<256x2048xf32>
    %jit3A_179 = arith.constant 1.000000e+09 : f32
    %broadcast_in_dim3A_180 = vector.broadcast %jit3A_179 : f32 to vector<256x2048xf32>
    %select_n3A_181 = arith.select %eq3A_178, %convert_element_type3A_157, %broadcast_in_dim3A_180 : vector<256x2048xi1>, vector<256x2048xf32>
    %reduce_min3A_182 = arith.constant dense<0x7F800000> : vector<256xf32>
    %reduce_min3A_183 = vector.multi_reduction <minimumf>, %select_n3A_181, %reduce_min3A_182 [1] : vector<256x2048xf32> to vector<256xf32>
    %broadcast_in_dim3A_184 = vector.shape_cast %reduce_min3A_183 : vector<256xf32> to vector<256x1xf32>
    %eq3A_185 = vector.broadcast %broadcast_in_dim3A_184 : vector<256x1xf32> to vector<256x2048xf32>
    %eq3A_186 = arith.cmpf oeq, %select_n3A_181, %eq3A_185 : vector<256x2048xf32>
    %jit3A_187 = arith.constant 3.000000e+38 : f32
    %broadcast_in_dim3A_188 = vector.broadcast %jit3A_187 : f32 to vector<256x2048xf32>
    %select_n3A_189 = arith.select %eq3A_186, %broadcast_in_dim3A_188, %select_n3A_173 : vector<256x2048xi1>, vector<256x2048xf32>
    %reduce_min3A_190 = arith.constant dense<0x7F800000> : vector<256xf32>
    %reduce_min3A_191 = vector.multi_reduction <minimumf>, %select_n3A_189, %reduce_min3A_190 [1] : vector<256x2048xf32> to vector<256xf32>
    %broadcast_in_dim3A_192 = vector.shape_cast %reduce_min3A_191 : vector<256xf32> to vector<256x1xf32>
    %eq3A_193 = vector.broadcast %broadcast_in_dim3A_192 : vector<256x1xf32> to vector<256x2048xf32>
    %eq3A_194 = arith.cmpf oeq, %select_n3A_189, %eq3A_193 : vector<256x2048xf32>
    %jit3A_195 = arith.constant 1.000000e+09 : f32
    %broadcast_in_dim3A_196 = vector.broadcast %jit3A_195 : f32 to vector<256x2048xf32>
    %select_n3A_197 = arith.select %eq3A_194, %convert_element_type3A_157, %broadcast_in_dim3A_196 : vector<256x2048xi1>, vector<256x2048xf32>
    %reduce_min3A_198 = arith.constant dense<0x7F800000> : vector<256xf32>
    %reduce_min3A_199 = vector.multi_reduction <minimumf>, %select_n3A_197, %reduce_min3A_198 [1] : vector<256x2048xf32> to vector<256xf32>
    %broadcast_in_dim3A_200 = vector.shape_cast %reduce_min3A_199 : vector<256xf32> to vector<256x1xf32>
    %add3A_201 = arith.constant 4.096000e+03 : f32
    %add3A_202 = vector.broadcast %add3A_201 : f32 to vector<256x1xf32>
    %add3A_203 = arith.addf %broadcast_in_dim3A_168, %add3A_202 : vector<256x1xf32>
    %add3A_204 = arith.constant 4.096000e+03 : f32
    %add3A_205 = vector.broadcast %add3A_204 : f32 to vector<256x1xf32>
    %add3A_206 = arith.addf %broadcast_in_dim3A_184, %add3A_205 : vector<256x1xf32>
    %add3A_207 = arith.constant 4.096000e+03 : f32
    %add3A_208 = vector.broadcast %add3A_207 : f32 to vector<256x1xf32>
    %add3A_209 = arith.addf %broadcast_in_dim3A_200, %add3A_208 : vector<256x1xf32>
    %slice3A_210 = vector.extract_strided_slice %broadcast_in_dim3A_19 {offsets = [0, 6144], sizes = [1, 2048], strides = [1, 1]} : vector<1x8192xf32> to vector<1x2048xf32>
    %add3A_211 = vector.broadcast %broadcast_in_dim3A : vector<256x1xf32> to vector<256x2048xf32>
    %add3A_212 = vector.broadcast %slice3A_210 : vector<1x2048xf32> to vector<256x2048xf32>
    %add3A_213 = arith.addf %add3A_211, %add3A_212 : vector<256x2048xf32>
    %slice3A_214 = vector.extract_strided_slice %get3A_15 {offsets = [0, 6144], sizes = [8, 2048], strides = [1, 1]} : vector<8x8192xf32> to vector<8x2048xf32>
    %dot_general3A_215 = arith.constant dense<0.000000e+00> : vector<256x2048xf32>
    %dot_general3A_216 = tpu.matmul %mul3A_5, %slice3A_214, %dot_general3A_215 {dimension_numbers = #tpu.dot_dimension_numbers<[1], [0], [0], [1], [0, 0, 1, 1], [], []>, transpose_lhs_hint = false} : vector<256x8xf32>, vector<8x2048xf32>, vector<256x2048xf32> -> vector<256x2048xf32>
    %add3A_217 = arith.addf %add3A_213, %dot_general3A_216 : vector<256x2048xf32>
    %max3A_218 = arith.constant 0.000000e+00 : f32
    %max3A_219 = vector.broadcast %max3A_218 : f32 to vector<256x2048xf32>
    %max3A_220 = arith.maximumf %add3A_217, %max3A_219 : vector<256x2048xf32>
    %iota3A_221 = tpu.iota {dimensions = array<i32: 1>} : vector<256x2048xi32>
    %convert_element_type3A_222 = arith.sitofp %iota3A_221 : vector<256x2048xi32> to vector<256x2048xf32>
    %reduce_min3A_223 = arith.constant dense<0x7F800000> : vector<256xf32>
    %reduce_min3A_224 = vector.multi_reduction <minimumf>, %max3A_220, %reduce_min3A_223 [1] : vector<256x2048xf32> to vector<256xf32>
    %broadcast_in_dim3A_225 = vector.shape_cast %reduce_min3A_224 : vector<256xf32> to vector<256x1xf32>
    %eq3A_226 = vector.broadcast %broadcast_in_dim3A_225 : vector<256x1xf32> to vector<256x2048xf32>
    %eq3A_227 = arith.cmpf oeq, %max3A_220, %eq3A_226 : vector<256x2048xf32>
    %jit3A_228 = arith.constant 1.000000e+09 : f32
    %broadcast_in_dim3A_229 = vector.broadcast %jit3A_228 : f32 to vector<256x2048xf32>
    %select_n3A_230 = arith.select %eq3A_227, %convert_element_type3A_222, %broadcast_in_dim3A_229 : vector<256x2048xi1>, vector<256x2048xf32>
    %reduce_min3A_231 = arith.constant dense<0x7F800000> : vector<256xf32>
    %reduce_min3A_232 = vector.multi_reduction <minimumf>, %select_n3A_230, %reduce_min3A_231 [1] : vector<256x2048xf32> to vector<256xf32>
    %broadcast_in_dim3A_233 = vector.shape_cast %reduce_min3A_232 : vector<256xf32> to vector<256x1xf32>
    %eq3A_234 = vector.broadcast %broadcast_in_dim3A_233 : vector<256x1xf32> to vector<256x2048xf32>
    %eq3A_235 = arith.cmpf oeq, %select_n3A_230, %eq3A_234 : vector<256x2048xf32>
    %jit3A_236 = arith.constant 3.000000e+38 : f32
    %broadcast_in_dim3A_237 = vector.broadcast %jit3A_236 : f32 to vector<256x2048xf32>
    %select_n3A_238 = arith.select %eq3A_235, %broadcast_in_dim3A_237, %max3A_220 : vector<256x2048xi1>, vector<256x2048xf32>
    %reduce_min3A_239 = arith.constant dense<0x7F800000> : vector<256xf32>
    %reduce_min3A_240 = vector.multi_reduction <minimumf>, %select_n3A_238, %reduce_min3A_239 [1] : vector<256x2048xf32> to vector<256xf32>
    %broadcast_in_dim3A_241 = vector.shape_cast %reduce_min3A_240 : vector<256xf32> to vector<256x1xf32>
    %eq3A_242 = vector.broadcast %broadcast_in_dim3A_241 : vector<256x1xf32> to vector<256x2048xf32>
    %eq3A_243 = arith.cmpf oeq, %select_n3A_238, %eq3A_242 : vector<256x2048xf32>
    %jit3A_244 = arith.constant 1.000000e+09 : f32
    %broadcast_in_dim3A_245 = vector.broadcast %jit3A_244 : f32 to vector<256x2048xf32>
    %select_n3A_246 = arith.select %eq3A_243, %convert_element_type3A_222, %broadcast_in_dim3A_245 : vector<256x2048xi1>, vector<256x2048xf32>
    %reduce_min3A_247 = arith.constant dense<0x7F800000> : vector<256xf32>
    %reduce_min3A_248 = vector.multi_reduction <minimumf>, %select_n3A_246, %reduce_min3A_247 [1] : vector<256x2048xf32> to vector<256xf32>
    %broadcast_in_dim3A_249 = vector.shape_cast %reduce_min3A_248 : vector<256xf32> to vector<256x1xf32>
    %eq3A_250 = vector.broadcast %broadcast_in_dim3A_249 : vector<256x1xf32> to vector<256x2048xf32>
    %eq3A_251 = arith.cmpf oeq, %select_n3A_246, %eq3A_250 : vector<256x2048xf32>
    %jit3A_252 = arith.constant 3.000000e+38 : f32
    %broadcast_in_dim3A_253 = vector.broadcast %jit3A_252 : f32 to vector<256x2048xf32>
    %select_n3A_254 = arith.select %eq3A_251, %broadcast_in_dim3A_253, %select_n3A_238 : vector<256x2048xi1>, vector<256x2048xf32>
    %reduce_min3A_255 = arith.constant dense<0x7F800000> : vector<256xf32>
    %reduce_min3A_256 = vector.multi_reduction <minimumf>, %select_n3A_254, %reduce_min3A_255 [1] : vector<256x2048xf32> to vector<256xf32>
    %broadcast_in_dim3A_257 = vector.shape_cast %reduce_min3A_256 : vector<256xf32> to vector<256x1xf32>
    %eq3A_258 = vector.broadcast %broadcast_in_dim3A_257 : vector<256x1xf32> to vector<256x2048xf32>
    %eq3A_259 = arith.cmpf oeq, %select_n3A_254, %eq3A_258 : vector<256x2048xf32>
    %jit3A_260 = arith.constant 1.000000e+09 : f32
    %broadcast_in_dim3A_261 = vector.broadcast %jit3A_260 : f32 to vector<256x2048xf32>
    %select_n3A_262 = arith.select %eq3A_259, %convert_element_type3A_222, %broadcast_in_dim3A_261 : vector<256x2048xi1>, vector<256x2048xf32>
    %reduce_min3A_263 = arith.constant dense<0x7F800000> : vector<256xf32>
    %reduce_min3A_264 = vector.multi_reduction <minimumf>, %select_n3A_262, %reduce_min3A_263 [1] : vector<256x2048xf32> to vector<256xf32>
    %broadcast_in_dim3A_265 = vector.shape_cast %reduce_min3A_264 : vector<256xf32> to vector<256x1xf32>
    %add3A_266 = arith.constant 6.144000e+03 : f32
    %add3A_267 = vector.broadcast %add3A_266 : f32 to vector<256x1xf32>
    %add3A_268 = arith.addf %broadcast_in_dim3A_233, %add3A_267 : vector<256x1xf32>
    %add3A_269 = arith.constant 6.144000e+03 : f32
    %add3A_270 = vector.broadcast %add3A_269 : f32 to vector<256x1xf32>
    %add3A_271 = arith.addf %broadcast_in_dim3A_249, %add3A_270 : vector<256x1xf32>
    %add3A_272 = arith.constant 6.144000e+03 : f32
    %add3A_273 = vector.broadcast %add3A_272 : f32 to vector<256x1xf32>
    %add3A_274 = arith.addf %broadcast_in_dim3A_265, %add3A_273 : vector<256x1xf32>
    %concatenate3A = tpu.concatenate %broadcast_in_dim3A_32, %broadcast_in_dim3A_46, %broadcast_in_dim3A_62, %broadcast_in_dim3A_95, %broadcast_in_dim3A_111, %broadcast_in_dim3A_127, %broadcast_in_dim3A_160, %broadcast_in_dim3A_176, %broadcast_in_dim3A_192, %broadcast_in_dim3A_225, %broadcast_in_dim3A_241, %broadcast_in_dim3A_257 in 1 : vector<256x1xf32>, vector<256x1xf32>, vector<256x1xf32>, vector<256x1xf32>, vector<256x1xf32>, vector<256x1xf32>, vector<256x1xf32>, vector<256x1xf32>, vector<256x1xf32>, vector<256x1xf32>, vector<256x1xf32>, vector<256x1xf32> -> vector<256x12xf32>
    %concatenate3A_275 = tpu.concatenate %add3A_73, %add3A_76, %add3A_79, %add3A_138, %add3A_141, %add3A_144, %add3A_203, %add3A_206, %add3A_209, %add3A_268, %add3A_271, %add3A_274 in 1 : vector<256x1xf32>, vector<256x1xf32>, vector<256x1xf32>, vector<256x1xf32>, vector<256x1xf32>, vector<256x1xf32>, vector<256x1xf32>, vector<256x1xf32>, vector<256x1xf32>, vector<256x1xf32>, vector<256x1xf32>, vector<256x1xf32> -> vector<256x12xf32>
    %iota3A_276 = tpu.iota {dimensions = array<i32: 1>} : vector<256x12xi32>
    %convert_element_type3A_277 = arith.sitofp %iota3A_276 : vector<256x12xi32> to vector<256x12xf32>
    %reduce_min3A_278 = arith.constant dense<0x7F800000> : vector<256xf32>
    %reduce_min3A_279 = vector.multi_reduction <minimumf>, %concatenate3A, %reduce_min3A_278 [1] : vector<256x12xf32> to vector<256xf32>
    %broadcast_in_dim3A_280 = vector.shape_cast %reduce_min3A_279 : vector<256xf32> to vector<256x1xf32>
    %eq3A_281 = vector.broadcast %broadcast_in_dim3A_280 : vector<256x1xf32> to vector<256x12xf32>
    %eq3A_282 = arith.cmpf oeq, %concatenate3A, %eq3A_281 : vector<256x12xf32>
    %jit3A_283 = arith.constant 1.000000e+09 : f32
    %broadcast_in_dim3A_284 = vector.broadcast %jit3A_283 : f32 to vector<256x12xf32>
    %select_n3A_285 = arith.select %eq3A_282, %convert_element_type3A_277, %broadcast_in_dim3A_284 : vector<256x12xi1>, vector<256x12xf32>
    %reduce_min3A_286 = arith.constant dense<0x7F800000> : vector<256xf32>
    %reduce_min3A_287 = vector.multi_reduction <minimumf>, %select_n3A_285, %reduce_min3A_286 [1] : vector<256x12xf32> to vector<256xf32>
    %broadcast_in_dim3A_288 = vector.shape_cast %reduce_min3A_287 : vector<256xf32> to vector<256x1xf32>
    %eq3A_289 = vector.broadcast %broadcast_in_dim3A_288 : vector<256x1xf32> to vector<256x12xf32>
    %eq3A_290 = arith.cmpf oeq, %select_n3A_285, %eq3A_289 : vector<256x12xf32>
    %jit3A_291 = arith.constant 0.000000e+00 : f32
    %broadcast_in_dim3A_292 = vector.broadcast %jit3A_291 : f32 to vector<256x12xf32>
    %select_n3A_293 = arith.select %eq3A_290, %concatenate3A_275, %broadcast_in_dim3A_292 : vector<256x12xi1>, vector<256x12xf32>
    %reduce_sum3A_294 = arith.constant dense<0.000000e+00> : vector<256xf32>
    %reduce_sum3A_295 = vector.multi_reduction <add>, %select_n3A_293, %reduce_sum3A_294 [1] : vector<256x12xf32> to vector<256xf32>
    %broadcast_in_dim3A_296 = vector.shape_cast %reduce_sum3A_295 : vector<256xf32> to vector<256x1xf32>
    %jit3A_297 = arith.constant 3.000000e+38 : f32
    %broadcast_in_dim3A_298 = vector.broadcast %jit3A_297 : f32 to vector<256x12xf32>
    %select_n3A_299 = arith.select %eq3A_290, %broadcast_in_dim3A_298, %concatenate3A : vector<256x12xi1>, vector<256x12xf32>
    %reduce_min3A_300 = arith.constant dense<0x7F800000> : vector<256xf32>
    %reduce_min3A_301 = vector.multi_reduction <minimumf>, %select_n3A_299, %reduce_min3A_300 [1] : vector<256x12xf32> to vector<256xf32>
    %broadcast_in_dim3A_302 = vector.shape_cast %reduce_min3A_301 : vector<256xf32> to vector<256x1xf32>
    %eq3A_303 = vector.broadcast %broadcast_in_dim3A_302 : vector<256x1xf32> to vector<256x12xf32>
    %eq3A_304 = arith.cmpf oeq, %select_n3A_299, %eq3A_303 : vector<256x12xf32>
    %jit3A_305 = arith.constant 1.000000e+09 : f32
    %broadcast_in_dim3A_306 = vector.broadcast %jit3A_305 : f32 to vector<256x12xf32>
    %select_n3A_307 = arith.select %eq3A_304, %convert_element_type3A_277, %broadcast_in_dim3A_306 : vector<256x12xi1>, vector<256x12xf32>
    %reduce_min3A_308 = arith.constant dense<0x7F800000> : vector<256xf32>
    %reduce_min3A_309 = vector.multi_reduction <minimumf>, %select_n3A_307, %reduce_min3A_308 [1] : vector<256x12xf32> to vector<256xf32>
    %broadcast_in_dim3A_310 = vector.shape_cast %reduce_min3A_309 : vector<256xf32> to vector<256x1xf32>
    %eq3A_311 = vector.broadcast %broadcast_in_dim3A_310 : vector<256x1xf32> to vector<256x12xf32>
    %eq3A_312 = arith.cmpf oeq, %select_n3A_307, %eq3A_311 : vector<256x12xf32>
    %jit3A_313 = arith.constant 0.000000e+00 : f32
    %broadcast_in_dim3A_314 = vector.broadcast %jit3A_313 : f32 to vector<256x12xf32>
    %select_n3A_315 = arith.select %eq3A_312, %concatenate3A_275, %broadcast_in_dim3A_314 : vector<256x12xi1>, vector<256x12xf32>
    %reduce_sum3A_316 = arith.constant dense<0.000000e+00> : vector<256xf32>
    %reduce_sum3A_317 = vector.multi_reduction <add>, %select_n3A_315, %reduce_sum3A_316 [1] : vector<256x12xf32> to vector<256xf32>
    %broadcast_in_dim3A_318 = vector.shape_cast %reduce_sum3A_317 : vector<256xf32> to vector<256x1xf32>
    %jit3A_319 = arith.constant 3.000000e+38 : f32
    %broadcast_in_dim3A_320 = vector.broadcast %jit3A_319 : f32 to vector<256x12xf32>
    %select_n3A_321 = arith.select %eq3A_312, %broadcast_in_dim3A_320, %select_n3A_299 : vector<256x12xi1>, vector<256x12xf32>
    %reduce_min3A_322 = arith.constant dense<0x7F800000> : vector<256xf32>
    %reduce_min3A_323 = vector.multi_reduction <minimumf>, %select_n3A_321, %reduce_min3A_322 [1] : vector<256x12xf32> to vector<256xf32>
    %broadcast_in_dim3A_324 = vector.shape_cast %reduce_min3A_323 : vector<256xf32> to vector<256x1xf32>
    %eq3A_325 = vector.broadcast %broadcast_in_dim3A_324 : vector<256x1xf32> to vector<256x12xf32>
    %eq3A_326 = arith.cmpf oeq, %select_n3A_321, %eq3A_325 : vector<256x12xf32>
    %jit3A_327 = arith.constant 1.000000e+09 : f32
    %broadcast_in_dim3A_328 = vector.broadcast %jit3A_327 : f32 to vector<256x12xf32>
    %select_n3A_329 = arith.select %eq3A_326, %convert_element_type3A_277, %broadcast_in_dim3A_328 : vector<256x12xi1>, vector<256x12xf32>
    %reduce_min3A_330 = arith.constant dense<0x7F800000> : vector<256xf32>
    %reduce_min3A_331 = vector.multi_reduction <minimumf>, %select_n3A_329, %reduce_min3A_330 [1] : vector<256x12xf32> to vector<256xf32>
    %broadcast_in_dim3A_332 = vector.shape_cast %reduce_min3A_331 : vector<256xf32> to vector<256x1xf32>
    %eq3A_333 = vector.broadcast %broadcast_in_dim3A_332 : vector<256x1xf32> to vector<256x12xf32>
    %eq3A_334 = arith.cmpf oeq, %select_n3A_329, %eq3A_333 : vector<256x12xf32>
    %jit3A_335 = arith.constant 0.000000e+00 : f32
    %broadcast_in_dim3A_336 = vector.broadcast %jit3A_335 : f32 to vector<256x12xf32>
    %select_n3A_337 = arith.select %eq3A_334, %concatenate3A_275, %broadcast_in_dim3A_336 : vector<256x12xi1>, vector<256x12xf32>
    %reduce_sum3A_338 = arith.constant dense<0.000000e+00> : vector<256xf32>
    %reduce_sum3A_339 = vector.multi_reduction <add>, %select_n3A_337, %reduce_sum3A_338 [1] : vector<256x12xf32> to vector<256xf32>
    %broadcast_in_dim3A_340 = vector.shape_cast %reduce_sum3A_339 : vector<256xf32> to vector<256x1xf32>
    %sqrt3A = math.sqrt %broadcast_in_dim3A_280 : vector<256x1xf32>
    %sqrt3A_341 = math.sqrt %broadcast_in_dim3A_302 : vector<256x1xf32>
    %sqrt3A_342 = math.sqrt %broadcast_in_dim3A_324 : vector<256x1xf32>
    %add3A_343 = arith.constant 9.99999993E-9 : f32
    %add3A_344 = vector.broadcast %add3A_343 : f32 to vector<256x1xf32>
    %add3A_345 = arith.addf %sqrt3A, %add3A_344 : vector<256x1xf32>
    %div3A = arith.constant 1.000000e+00 : f32
    %div3A_346 = vector.broadcast %div3A : f32 to vector<256x1xf32>
    %div3A_347 = arith.divf %div3A_346, %add3A_345 : vector<256x1xf32>
    %add3A_348 = arith.constant 9.99999993E-9 : f32
    %add3A_349 = vector.broadcast %add3A_348 : f32 to vector<256x1xf32>
    %add3A_350 = arith.addf %sqrt3A_341, %add3A_349 : vector<256x1xf32>
    %div3A_351 = arith.constant 1.000000e+00 : f32
    %div3A_352 = vector.broadcast %div3A_351 : f32 to vector<256x1xf32>
    %div3A_353 = arith.divf %div3A_352, %add3A_350 : vector<256x1xf32>
    %add3A_354 = arith.constant 9.99999993E-9 : f32
    %add3A_355 = vector.broadcast %add3A_354 : f32 to vector<256x1xf32>
    %add3A_356 = arith.addf %sqrt3A_342, %add3A_355 : vector<256x1xf32>
    %div3A_357 = arith.constant 1.000000e+00 : f32
    %div3A_358 = vector.broadcast %div3A_357 : f32 to vector<256x1xf32>
    %div3A_359 = arith.divf %div3A_358, %add3A_356 : vector<256x1xf32>
    %add3A_360 = arith.addf %div3A_347, %div3A_353 : vector<256x1xf32>
    %add3A_361 = arith.addf %add3A_360, %div3A_359 : vector<256x1xf32>
    %div3A_362 = arith.divf %div3A_347, %add3A_361 : vector<256x1xf32>
    %div3A_363 = arith.divf %div3A_353, %add3A_361 : vector<256x1xf32>
    %div3A_364 = arith.divf %div3A_359, %add3A_361 : vector<256x1xf32>
    %get3A_365 = arith.constant 0 : index
    %get3A_366 = arith.constant 0 : index
    %get3A_367 = vector.load %arg3[%get3A_365, %get3A_366] : memref<8x4096xf32, #tpu.memory_space<vmem>>, vector<8x4096xf32>
    %mul3A_368 = arith.mulf %get3A_367, %get3A_367 : vector<8x4096xf32>
    %reduce_sum3A_369 = arith.constant dense<0.000000e+00> : vector<4096xf32>
    %reduce_sum3A_370 = vector.multi_reduction <add>, %mul3A_368, %reduce_sum3A_369 [0] : vector<8x4096xf32> to vector<4096xf32>
    %broadcast_in_dim3A_371 = vector.shape_cast %reduce_sum3A_370 : vector<4096xf32> to vector<1x4096xf32>
    %eq3A_372 = arith.constant 0 : i32
    %eq3A_373 = arith.cmpi eq, %arg0, %eq3A_372 : i32
    %convert_element_type3A_374 = arith.extui %eq3A_373 : i1 to i32
    %cond3A_375 = arith.constant 0 : i32
    %cond3A_376 = arith.cmpi ne, %convert_element_type3A_374, %cond3A_375 : i32
    scf.if %cond3A_376 {
      %slice3A_738 = vector.extract_strided_slice %dot_general3A_12 {offsets = [0, 32], sizes = [8, 32], strides = [1, 1]} : vector<8x96xf32> to vector<8x32xf32>
      %get3A_739 = arith.constant 0 : index
      %get3A_740 = arith.constant 0 : index
      %get3A_741 = vector.load %arg7[%get3A_739, %get3A_740] : memref<32x4096xf32, #tpu.memory_space<vmem>>, vector<32x4096xf32>
      %dot_general3A_742 = arith.constant dense<0.000000e+00> : vector<8x4096xf32>
      %dot_general3A_743 = tpu.matmul %slice3A_738, %get3A_741, %dot_general3A_742 {dimension_numbers = #tpu.dot_dimension_numbers<[1], [0], [0], [1], [0, 0, 1, 1], [], []>, transpose_lhs_hint = false} : vector<8x32xf32>, vector<32x4096xf32>, vector<8x4096xf32> -> vector<8x4096xf32>
      %slice3A_744 = vector.extract_strided_slice %dot_general3A_743 {offsets = [0, 0], sizes = [1, 4096], strides = [1, 1]} : vector<8x4096xf32> to vector<1x4096xf32>
      %swap3A_745 = arith.constant 0 : index
      %swap3A_746 = arith.constant 8192 : index
      %swap3A_747 = vector.load %arg13[%swap3A_745, %swap3A_746] : memref<1x14336xf32, #tpu.memory_space<vmem>>, vector<1x4096xf32>
      tpu.vector_store %arg13[%swap3A_745, %swap3A_746], %slice3A_744 {strides = array<i32>} : memref<1x14336xf32, #tpu.memory_space<vmem>>, vector<1x4096xf32>,
    } else {
    }
    %slice3A_377 = vector.extract_strided_slice %broadcast_in_dim3A_371 {offsets = [0, 0], sizes = [1, 2048], strides = [1, 1]} : vector<1x4096xf32> to vector<1x2048xf32>
    %add3A_378 = vector.broadcast %broadcast_in_dim3A : vector<256x1xf32> to vector<256x2048xf32>
    %add3A_379 = vector.broadcast %slice3A_377 : vector<1x2048xf32> to vector<256x2048xf32>
    %add3A_380 = arith.addf %add3A_378, %add3A_379 : vector<256x2048xf32>
    %slice3A_381 = vector.extract_strided_slice %get3A_367 {offsets = [0, 0], sizes = [8, 2048], strides = [1, 1]} : vector<8x4096xf32> to vector<8x2048xf32>
    %dot_general3A_382 = arith.constant dense<0.000000e+00> : vector<256x2048xf32>
    %dot_general3A_383 = tpu.matmul %mul3A_5, %slice3A_381, %dot_general3A_382 {dimension_numbers = #tpu.dot_dimension_numbers<[1], [0], [0], [1], [0, 0, 1, 1], [], []>, transpose_lhs_hint = false} : vector<256x8xf32>, vector<8x2048xf32>, vector<256x2048xf32> -> vector<256x2048xf32>
    %add3A_384 = arith.addf %add3A_380, %dot_general3A_383 : vector<256x2048xf32>
    %max3A_385 = arith.constant 0.000000e+00 : f32
    %max3A_386 = vector.broadcast %max3A_385 : f32 to vector<256x2048xf32>
    %max3A_387 = arith.maximumf %add3A_384, %max3A_386 : vector<256x2048xf32>
    %iota3A_388 = tpu.iota {dimensions = array<i32: 1>} : vector<256x2048xi32>
    %convert_element_type3A_389 = arith.sitofp %iota3A_388 : vector<256x2048xi32> to vector<256x2048xf32>
    %reduce_min3A_390 = arith.constant dense<0x7F800000> : vector<256xf32>
    %reduce_min3A_391 = vector.multi_reduction <minimumf>, %max3A_387, %reduce_min3A_390 [1] : vector<256x2048xf32> to vector<256xf32>
    %broadcast_in_dim3A_392 = vector.shape_cast %reduce_min3A_391 : vector<256xf32> to vector<256x1xf32>
    %eq3A_393 = vector.broadcast %broadcast_in_dim3A_392 : vector<256x1xf32> to vector<256x2048xf32>
    %eq3A_394 = arith.cmpf oeq, %max3A_387, %eq3A_393 : vector<256x2048xf32>
    %jit3A_395 = arith.constant 1.000000e+09 : f32
    %broadcast_in_dim3A_396 = vector.broadcast %jit3A_395 : f32 to vector<256x2048xf32>
    %select_n3A_397 = arith.select %eq3A_394, %convert_element_type3A_389, %broadcast_in_dim3A_396 : vector<256x2048xi1>, vector<256x2048xf32>
    %reduce_min3A_398 = arith.constant dense<0x7F800000> : vector<256xf32>
    %reduce_min3A_399 = vector.multi_reduction <minimumf>, %select_n3A_397, %reduce_min3A_398 [1] : vector<256x2048xf32> to vector<256xf32>
    %broadcast_in_dim3A_400 = vector.shape_cast %reduce_min3A_399 : vector<256xf32> to vector<256x1xf32>
    %eq3A_401 = vector.broadcast %broadcast_in_dim3A_400 : vector<256x1xf32> to vector<256x2048xf32>
    %eq3A_402 = arith.cmpf oeq, %select_n3A_397, %eq3A_401 : vector<256x2048xf32>
    %jit3A_403 = arith.constant 3.000000e+38 : f32
    %broadcast_in_dim3A_404 = vector.broadcast %jit3A_403 : f32 to vector<256x2048xf32>
    %select_n3A_405 = arith.select %eq3A_402, %broadcast_in_dim3A_404, %max3A_387 : vector<256x2048xi1>, vector<256x2048xf32>
    %reduce_min3A_406 = arith.constant dense<0x7F800000> : vector<256xf32>
    %reduce_min3A_407 = vector.multi_reduction <minimumf>, %select_n3A_405, %reduce_min3A_406 [1] : vector<256x2048xf32> to vector<256xf32>
    %broadcast_in_dim3A_408 = vector.shape_cast %reduce_min3A_407 : vector<256xf32> to vector<256x1xf32>
    %eq3A_409 = vector.broadcast %broadcast_in_dim3A_408 : vector<256x1xf32> to vector<256x2048xf32>
    %eq3A_410 = arith.cmpf oeq, %select_n3A_405, %eq3A_409 : vector<256x2048xf32>
    %jit3A_411 = arith.constant 1.000000e+09 : f32
    %broadcast_in_dim3A_412 = vector.broadcast %jit3A_411 : f32 to vector<256x2048xf32>
    %select_n3A_413 = arith.select %eq3A_410, %convert_element_type3A_389, %broadcast_in_dim3A_412 : vector<256x2048xi1>, vector<256x2048xf32>
    %reduce_min3A_414 = arith.constant dense<0x7F800000> : vector<256xf32>
    %reduce_min3A_415 = vector.multi_reduction <minimumf>, %select_n3A_413, %reduce_min3A_414 [1] : vector<256x2048xf32> to vector<256xf32>
    %broadcast_in_dim3A_416 = vector.shape_cast %reduce_min3A_415 : vector<256xf32> to vector<256x1xf32>
    %eq3A_417 = vector.broadcast %broadcast_in_dim3A_416 : vector<256x1xf32> to vector<256x2048xf32>
    %eq3A_418 = arith.cmpf oeq, %select_n3A_413, %eq3A_417 : vector<256x2048xf32>
    %jit3A_419 = arith.constant 3.000000e+38 : f32
    %broadcast_in_dim3A_420 = vector.broadcast %jit3A_419 : f32 to vector<256x2048xf32>
    %select_n3A_421 = arith.select %eq3A_418, %broadcast_in_dim3A_420, %select_n3A_405 : vector<256x2048xi1>, vector<256x2048xf32>
    %reduce_min3A_422 = arith.constant dense<0x7F800000> : vector<256xf32>
    %reduce_min3A_423 = vector.multi_reduction <minimumf>, %select_n3A_421, %reduce_min3A_422 [1] : vector<256x2048xf32> to vector<256xf32>
    %broadcast_in_dim3A_424 = vector.shape_cast %reduce_min3A_423 : vector<256xf32> to vector<256x1xf32>
    %eq3A_425 = vector.broadcast %broadcast_in_dim3A_424 : vector<256x1xf32> to vector<256x2048xf32>
    %eq3A_426 = arith.cmpf oeq, %select_n3A_421, %eq3A_425 : vector<256x2048xf32>
    %jit3A_427 = arith.constant 1.000000e+09 : f32
    %broadcast_in_dim3A_428 = vector.broadcast %jit3A_427 : f32 to vector<256x2048xf32>
    %select_n3A_429 = arith.select %eq3A_426, %convert_element_type3A_389, %broadcast_in_dim3A_428 : vector<256x2048xi1>, vector<256x2048xf32>
    %reduce_min3A_430 = arith.constant dense<0x7F800000> : vector<256xf32>
    %reduce_min3A_431 = vector.multi_reduction <minimumf>, %select_n3A_429, %reduce_min3A_430 [1] : vector<256x2048xf32> to vector<256xf32>
    %broadcast_in_dim3A_432 = vector.shape_cast %reduce_min3A_431 : vector<256xf32> to vector<256x1xf32>
    %add3A_433 = arith.constant 8.192000e+03 : f32
    %add3A_434 = vector.broadcast %add3A_433 : f32 to vector<256x1xf32>
    %add3A_435 = arith.addf %broadcast_in_dim3A_400, %add3A_434 : vector<256x1xf32>
    %add3A_436 = arith.constant 8.192000e+03 : f32
    %add3A_437 = vector.broadcast %add3A_436 : f32 to vector<256x1xf32>
    %add3A_438 = arith.addf %broadcast_in_dim3A_416, %add3A_437 : vector<256x1xf32>
    %add3A_439 = arith.constant 8.192000e+03 : f32
    %add3A_440 = vector.broadcast %add3A_439 : f32 to vector<256x1xf32>
    %add3A_441 = arith.addf %broadcast_in_dim3A_432, %add3A_440 : vector<256x1xf32>
    %slice3A_442 = vector.extract_strided_slice %broadcast_in_dim3A_371 {offsets = [0, 2048], sizes = [1, 2048], strides = [1, 1]} : vector<1x4096xf32> to vector<1x2048xf32>
    %add3A_443 = vector.broadcast %broadcast_in_dim3A : vector<256x1xf32> to vector<256x2048xf32>
    %add3A_444 = vector.broadcast %slice3A_442 : vector<1x2048xf32> to vector<256x2048xf32>
    %add3A_445 = arith.addf %add3A_443, %add3A_444 : vector<256x2048xf32>
    %slice3A_446 = vector.extract_strided_slice %get3A_367 {offsets = [0, 2048], sizes = [8, 2048], strides = [1, 1]} : vector<8x4096xf32> to vector<8x2048xf32>
    %dot_general3A_447 = arith.constant dense<0.000000e+00> : vector<256x2048xf32>
    %dot_general3A_448 = tpu.matmul %mul3A_5, %slice3A_446, %dot_general3A_447 {dimension_numbers = #tpu.dot_dimension_numbers<[1], [0], [0], [1], [0, 0, 1, 1], [], []>, transpose_lhs_hint = false} : vector<256x8xf32>, vector<8x2048xf32>, vector<256x2048xf32> -> vector<256x2048xf32>
    %add3A_449 = arith.addf %add3A_445, %dot_general3A_448 : vector<256x2048xf32>
    %max3A_450 = arith.constant 0.000000e+00 : f32
    %max3A_451 = vector.broadcast %max3A_450 : f32 to vector<256x2048xf32>
    %max3A_452 = arith.maximumf %add3A_449, %max3A_451 : vector<256x2048xf32>
    %iota3A_453 = tpu.iota {dimensions = array<i32: 1>} : vector<256x2048xi32>
    %convert_element_type3A_454 = arith.sitofp %iota3A_453 : vector<256x2048xi32> to vector<256x2048xf32>
    %reduce_min3A_455 = arith.constant dense<0x7F800000> : vector<256xf32>
    %reduce_min3A_456 = vector.multi_reduction <minimumf>, %max3A_452, %reduce_min3A_455 [1] : vector<256x2048xf32> to vector<256xf32>
    %broadcast_in_dim3A_457 = vector.shape_cast %reduce_min3A_456 : vector<256xf32> to vector<256x1xf32>
    %eq3A_458 = vector.broadcast %broadcast_in_dim3A_457 : vector<256x1xf32> to vector<256x2048xf32>
    %eq3A_459 = arith.cmpf oeq, %max3A_452, %eq3A_458 : vector<256x2048xf32>
    %jit3A_460 = arith.constant 1.000000e+09 : f32
    %broadcast_in_dim3A_461 = vector.broadcast %jit3A_460 : f32 to vector<256x2048xf32>
    %select_n3A_462 = arith.select %eq3A_459, %convert_element_type3A_454, %broadcast_in_dim3A_461 : vector<256x2048xi1>, vector<256x2048xf32>
    %reduce_min3A_463 = arith.constant dense<0x7F800000> : vector<256xf32>
    %reduce_min3A_464 = vector.multi_reduction <minimumf>, %select_n3A_462, %reduce_min3A_463 [1] : vector<256x2048xf32> to vector<256xf32>
    %broadcast_in_dim3A_465 = vector.shape_cast %reduce_min3A_464 : vector<256xf32> to vector<256x1xf32>
    %eq3A_466 = vector.broadcast %broadcast_in_dim3A_465 : vector<256x1xf32> to vector<256x2048xf32>
    %eq3A_467 = arith.cmpf oeq, %select_n3A_462, %eq3A_466 : vector<256x2048xf32>
    %jit3A_468 = arith.constant 3.000000e+38 : f32
    %broadcast_in_dim3A_469 = vector.broadcast %jit3A_468 : f32 to vector<256x2048xf32>
    %select_n3A_470 = arith.select %eq3A_467, %broadcast_in_dim3A_469, %max3A_452 : vector<256x2048xi1>, vector<256x2048xf32>
    %reduce_min3A_471 = arith.constant dense<0x7F800000> : vector<256xf32>
    %reduce_min3A_472 = vector.multi_reduction <minimumf>, %select_n3A_470, %reduce_min3A_471 [1] : vector<256x2048xf32> to vector<256xf32>
    %broadcast_in_dim3A_473 = vector.shape_cast %reduce_min3A_472 : vector<256xf32> to vector<256x1xf32>
    %eq3A_474 = vector.broadcast %broadcast_in_dim3A_473 : vector<256x1xf32> to vector<256x2048xf32>
    %eq3A_475 = arith.cmpf oeq, %select_n3A_470, %eq3A_474 : vector<256x2048xf32>
    %jit3A_476 = arith.constant 1.000000e+09 : f32
    %broadcast_in_dim3A_477 = vector.broadcast %jit3A_476 : f32 to vector<256x2048xf32>
    %select_n3A_478 = arith.select %eq3A_475, %convert_element_type3A_454, %broadcast_in_dim3A_477 : vector<256x2048xi1>, vector<256x2048xf32>
    %reduce_min3A_479 = arith.constant dense<0x7F800000> : vector<256xf32>
    %reduce_min3A_480 = vector.multi_reduction <minimumf>, %select_n3A_478, %reduce_min3A_479 [1] : vector<256x2048xf32> to vector<256xf32>
    %broadcast_in_dim3A_481 = vector.shape_cast %reduce_min3A_480 : vector<256xf32> to vector<256x1xf32>
    %eq3A_482 = vector.broadcast %broadcast_in_dim3A_481 : vector<256x1xf32> to vector<256x2048xf32>
    %eq3A_483 = arith.cmpf oeq, %select_n3A_478, %eq3A_482 : vector<256x2048xf32>
    %jit3A_484 = arith.constant 3.000000e+38 : f32
    %broadcast_in_dim3A_485 = vector.broadcast %jit3A_484 : f32 to vector<256x2048xf32>
    %select_n3A_486 = arith.select %eq3A_483, %broadcast_in_dim3A_485, %select_n3A_470 : vector<256x2048xi1>, vector<256x2048xf32>
    %reduce_min3A_487 = arith.constant dense<0x7F800000> : vector<256xf32>
    %reduce_min3A_488 = vector.multi_reduction <minimumf>, %select_n3A_486, %reduce_min3A_487 [1] : vector<256x2048xf32> to vector<256xf32>
    %broadcast_in_dim3A_489 = vector.shape_cast %reduce_min3A_488 : vector<256xf32> to vector<256x1xf32>
    %eq3A_490 = vector.broadcast %broadcast_in_dim3A_489 : vector<256x1xf32> to vector<256x2048xf32>
    %eq3A_491 = arith.cmpf oeq, %select_n3A_486, %eq3A_490 : vector<256x2048xf32>
    %jit3A_492 = arith.constant 1.000000e+09 : f32
    %broadcast_in_dim3A_493 = vector.broadcast %jit3A_492 : f32 to vector<256x2048xf32>
    %select_n3A_494 = arith.select %eq3A_491, %convert_element_type3A_454, %broadcast_in_dim3A_493 : vector<256x2048xi1>, vector<256x2048xf32>
    %reduce_min3A_495 = arith.constant dense<0x7F800000> : vector<256xf32>
    %reduce_min3A_496 = vector.multi_reduction <minimumf>, %select_n3A_494, %reduce_min3A_495 [1] : vector<256x2048xf32> to vector<256xf32>
    %broadcast_in_dim3A_497 = vector.shape_cast %reduce_min3A_496 : vector<256xf32> to vector<256x1xf32>
    %add3A_498 = arith.constant 1.024000e+04 : f32
    %add3A_499 = vector.broadcast %add3A_498 : f32 to vector<256x1xf32>
    %add3A_500 = arith.addf %broadcast_in_dim3A_465, %add3A_499 : vector<256x1xf32>
    %add3A_501 = arith.constant 1.024000e+04 : f32
    %add3A_502 = vector.broadcast %add3A_501 : f32 to vector<256x1xf32>
    %add3A_503 = arith.addf %broadcast_in_dim3A_481, %add3A_502 : vector<256x1xf32>
    %add3A_504 = arith.constant 1.024000e+04 : f32
    %add3A_505 = vector.broadcast %add3A_504 : f32 to vector<256x1xf32>
    %add3A_506 = arith.addf %broadcast_in_dim3A_497, %add3A_505 : vector<256x1xf32>
    %concatenate3A_507 = tpu.concatenate %broadcast_in_dim3A_392, %broadcast_in_dim3A_408, %broadcast_in_dim3A_424, %broadcast_in_dim3A_457, %broadcast_in_dim3A_473, %broadcast_in_dim3A_489 in 1 : vector<256x1xf32>, vector<256x1xf32>, vector<256x1xf32>, vector<256x1xf32>, vector<256x1xf32>, vector<256x1xf32> -> vector<256x6xf32>
    %concatenate3A_508 = tpu.concatenate %add3A_435, %add3A_438, %add3A_441, %add3A_500, %add3A_503, %add3A_506 in 1 : vector<256x1xf32>, vector<256x1xf32>, vector<256x1xf32>, vector<256x1xf32>, vector<256x1xf32>, vector<256x1xf32> -> vector<256x6xf32>
    %iota3A_509 = tpu.iota {dimensions = array<i32: 1>} : vector<256x6xi32>
    %convert_element_type3A_510 = arith.sitofp %iota3A_509 : vector<256x6xi32> to vector<256x6xf32>
    %reduce_min3A_511 = arith.constant dense<0x7F800000> : vector<256xf32>
    %reduce_min3A_512 = vector.multi_reduction <minimumf>, %concatenate3A_507, %reduce_min3A_511 [1] : vector<256x6xf32> to vector<256xf32>
    %broadcast_in_dim3A_513 = vector.shape_cast %reduce_min3A_512 : vector<256xf32> to vector<256x1xf32>
    %eq3A_514 = vector.broadcast %broadcast_in_dim3A_513 : vector<256x1xf32> to vector<256x6xf32>
    %eq3A_515 = arith.cmpf oeq, %concatenate3A_507, %eq3A_514 : vector<256x6xf32>
    %jit3A_516 = arith.constant 1.000000e+09 : f32
    %broadcast_in_dim3A_517 = vector.broadcast %jit3A_516 : f32 to vector<256x6xf32>
    %select_n3A_518 = arith.select %eq3A_515, %convert_element_type3A_510, %broadcast_in_dim3A_517 : vector<256x6xi1>, vector<256x6xf32>
    %reduce_min3A_519 = arith.constant dense<0x7F800000> : vector<256xf32>
    %reduce_min3A_520 = vector.multi_reduction <minimumf>, %select_n3A_518, %reduce_min3A_519 [1] : vector<256x6xf32> to vector<256xf32>
    %broadcast_in_dim3A_521 = vector.shape_cast %reduce_min3A_520 : vector<256xf32> to vector<256x1xf32>
    %eq3A_522 = vector.broadcast %broadcast_in_dim3A_521 : vector<256x1xf32> to vector<256x6xf32>
    %eq3A_523 = arith.cmpf oeq, %select_n3A_518, %eq3A_522 : vector<256x6xf32>
    %jit3A_524 = arith.constant 0.000000e+00 : f32
    %broadcast_in_dim3A_525 = vector.broadcast %jit3A_524 : f32 to vector<256x6xf32>
    %select_n3A_526 = arith.select %eq3A_523, %concatenate3A_508, %broadcast_in_dim3A_525 : vector<256x6xi1>, vector<256x6xf32>
    %reduce_sum3A_527 = arith.constant dense<0.000000e+00> : vector<256xf32>
    %reduce_sum3A_528 = vector.multi_reduction <add>, %select_n3A_526, %reduce_sum3A_527 [1] : vector<256x6xf32> to vector<256xf32>
    %broadcast_in_dim3A_529 = vector.shape_cast %reduce_sum3A_528 : vector<256xf32> to vector<256x1xf32>
    %jit3A_530 = arith.constant 3.000000e+38 : f32
    %broadcast_in_dim3A_531 = vector.broadcast %jit3A_530 : f32 to vector<256x6xf32>
    %select_n3A_532 = arith.select %eq3A_523, %broadcast_in_dim3A_531, %concatenate3A_507 : vector<256x6xi1>, vector<256x6xf32>
    %reduce_min3A_533 = arith.constant dense<0x7F800000> : vector<256xf32>
    %reduce_min3A_534 = vector.multi_reduction <minimumf>, %select_n3A_532, %reduce_min3A_533 [1] : vector<256x6xf32> to vector<256xf32>
    %broadcast_in_dim3A_535 = vector.shape_cast %reduce_min3A_534 : vector<256xf32> to vector<256x1xf32>
    %eq3A_536 = vector.broadcast %broadcast_in_dim3A_535 : vector<256x1xf32> to vector<256x6xf32>
    %eq3A_537 = arith.cmpf oeq, %select_n3A_532, %eq3A_536 : vector<256x6xf32>
    %jit3A_538 = arith.constant 1.000000e+09 : f32
    %broadcast_in_dim3A_539 = vector.broadcast %jit3A_538 : f32 to vector<256x6xf32>
    %select_n3A_540 = arith.select %eq3A_537, %convert_element_type3A_510, %broadcast_in_dim3A_539 : vector<256x6xi1>, vector<256x6xf32>
    %reduce_min3A_541 = arith.constant dense<0x7F800000> : vector<256xf32>
    %reduce_min3A_542 = vector.multi_reduction <minimumf>, %select_n3A_540, %reduce_min3A_541 [1] : vector<256x6xf32> to vector<256xf32>
    %broadcast_in_dim3A_543 = vector.shape_cast %reduce_min3A_542 : vector<256xf32> to vector<256x1xf32>
    %eq3A_544 = vector.broadcast %broadcast_in_dim3A_543 : vector<256x1xf32> to vector<256x6xf32>
    %eq3A_545 = arith.cmpf oeq, %select_n3A_540, %eq3A_544 : vector<256x6xf32>
    %jit3A_546 = arith.constant 0.000000e+00 : f32
    %broadcast_in_dim3A_547 = vector.broadcast %jit3A_546 : f32 to vector<256x6xf32>
    %select_n3A_548 = arith.select %eq3A_545, %concatenate3A_508, %broadcast_in_dim3A_547 : vector<256x6xi1>, vector<256x6xf32>
    %reduce_sum3A_549 = arith.constant dense<0.000000e+00> : vector<256xf32>
    %reduce_sum3A_550 = vector.multi_reduction <add>, %select_n3A_548, %reduce_sum3A_549 [1] : vector<256x6xf32> to vector<256xf32>
    %broadcast_in_dim3A_551 = vector.shape_cast %reduce_sum3A_550 : vector<256xf32> to vector<256x1xf32>
    %jit3A_552 = arith.constant 3.000000e+38 : f32
    %broadcast_in_dim3A_553 = vector.broadcast %jit3A_552 : f32 to vector<256x6xf32>
    %select_n3A_554 = arith.select %eq3A_545, %broadcast_in_dim3A_553, %select_n3A_532 : vector<256x6xi1>, vector<256x6xf32>
    %reduce_min3A_555 = arith.constant dense<0x7F800000> : vector<256xf32>
    %reduce_min3A_556 = vector.multi_reduction <minimumf>, %select_n3A_554, %reduce_min3A_555 [1] : vector<256x6xf32> to vector<256xf32>
    %broadcast_in_dim3A_557 = vector.shape_cast %reduce_min3A_556 : vector<256xf32> to vector<256x1xf32>
    %eq3A_558 = vector.broadcast %broadcast_in_dim3A_557 : vector<256x1xf32> to vector<256x6xf32>
    %eq3A_559 = arith.cmpf oeq, %select_n3A_554, %eq3A_558 : vector<256x6xf32>
    %jit3A_560 = arith.constant 1.000000e+09 : f32
    %broadcast_in_dim3A_561 = vector.broadcast %jit3A_560 : f32 to vector<256x6xf32>
    %select_n3A_562 = arith.select %eq3A_559, %convert_element_type3A_510, %broadcast_in_dim3A_561 : vector<256x6xi1>, vector<256x6xf32>
    %reduce_min3A_563 = arith.constant dense<0x7F800000> : vector<256xf32>
    %reduce_min3A_564 = vector.multi_reduction <minimumf>, %select_n3A_562, %reduce_min3A_563 [1] : vector<256x6xf32> to vector<256xf32>
    %broadcast_in_dim3A_565 = vector.shape_cast %reduce_min3A_564 : vector<256xf32> to vector<256x1xf32>
    %eq3A_566 = vector.broadcast %broadcast_in_dim3A_565 : vector<256x1xf32> to vector<256x6xf32>
    %eq3A_567 = arith.cmpf oeq, %select_n3A_562, %eq3A_566 : vector<256x6xf32>
    %jit3A_568 = arith.constant 0.000000e+00 : f32
    %broadcast_in_dim3A_569 = vector.broadcast %jit3A_568 : f32 to vector<256x6xf32>
    %select_n3A_570 = arith.select %eq3A_567, %concatenate3A_508, %broadcast_in_dim3A_569 : vector<256x6xi1>, vector<256x6xf32>
    %reduce_sum3A_571 = arith.constant dense<0.000000e+00> : vector<256xf32>
    %reduce_sum3A_572 = vector.multi_reduction <add>, %select_n3A_570, %reduce_sum3A_571 [1] : vector<256x6xf32> to vector<256xf32>
    %broadcast_in_dim3A_573 = vector.shape_cast %reduce_sum3A_572 : vector<256xf32> to vector<256x1xf32>
    %sqrt3A_574 = math.sqrt %broadcast_in_dim3A_513 : vector<256x1xf32>
    %sqrt3A_575 = math.sqrt %broadcast_in_dim3A_535 : vector<256x1xf32>
    %sqrt3A_576 = math.sqrt %broadcast_in_dim3A_557 : vector<256x1xf32>
    %add3A_577 = arith.constant 9.99999993E-9 : f32
    %add3A_578 = vector.broadcast %add3A_577 : f32 to vector<256x1xf32>
    %add3A_579 = arith.addf %sqrt3A_574, %add3A_578 : vector<256x1xf32>
    %div3A_580 = arith.constant 1.000000e+00 : f32
    %div3A_581 = vector.broadcast %div3A_580 : f32 to vector<256x1xf32>
    %div3A_582 = arith.divf %div3A_581, %add3A_579 : vector<256x1xf32>
    %add3A_583 = arith.constant 9.99999993E-9 : f32
    %add3A_584 = vector.broadcast %add3A_583 : f32 to vector<256x1xf32>
    %add3A_585 = arith.addf %sqrt3A_575, %add3A_584 : vector<256x1xf32>
    %div3A_586 = arith.constant 1.000000e+00 : f32
    %div3A_587 = vector.broadcast %div3A_586 : f32 to vector<256x1xf32>
    %div3A_588 = arith.divf %div3A_587, %add3A_585 : vector<256x1xf32>
    %add3A_589 = arith.constant 9.99999993E-9 : f32
    %add3A_590 = vector.broadcast %add3A_589 : f32 to vector<256x1xf32>
    %add3A_591 = arith.addf %sqrt3A_576, %add3A_590 : vector<256x1xf32>
    %div3A_592 = arith.constant 1.000000e+00 : f32
    %div3A_593 = vector.broadcast %div3A_592 : f32 to vector<256x1xf32>
    %div3A_594 = arith.divf %div3A_593, %add3A_591 : vector<256x1xf32>
    %add3A_595 = arith.addf %div3A_582, %div3A_588 : vector<256x1xf32>
    %add3A_596 = arith.addf %add3A_595, %div3A_594 : vector<256x1xf32>
    %div3A_597 = arith.divf %div3A_582, %add3A_596 : vector<256x1xf32>
    %div3A_598 = arith.divf %div3A_588, %add3A_596 : vector<256x1xf32>
    %div3A_599 = arith.divf %div3A_594, %add3A_596 : vector<256x1xf32>
    %get3A_600 = arith.constant 0 : index
    %get3A_601 = arith.constant 0 : index
    %get3A_602 = vector.load %arg4[%get3A_600, %get3A_601] : memref<8x2048xf32, #tpu.memory_space<vmem>>, vector<8x2048xf32>
    %mul3A_603 = arith.mulf %get3A_602, %get3A_602 : vector<8x2048xf32>
    %reduce_sum3A_604 = arith.constant dense<0.000000e+00> : vector<2048xf32>
    %reduce_sum3A_605 = vector.multi_reduction <add>, %mul3A_603, %reduce_sum3A_604 [0] : vector<8x2048xf32> to vector<2048xf32>
    %broadcast_in_dim3A_606 = vector.shape_cast %reduce_sum3A_605 : vector<2048xf32> to vector<1x2048xf32>
    %eq3A_607 = arith.constant 0 : i32
    %eq3A_608 = arith.cmpi eq, %arg0, %eq3A_607 : i32
    %convert_element_type3A_609 = arith.extui %eq3A_608 : i1 to i32
    %cond3A_610 = arith.constant 0 : i32
    %cond3A_611 = arith.cmpi ne, %convert_element_type3A_609, %cond3A_610 : i32
    scf.if %cond3A_611 {
      %slice3A_738 = vector.extract_strided_slice %dot_general3A_12 {offsets = [0, 64], sizes = [8, 32], strides = [1, 1]} : vector<8x96xf32> to vector<8x32xf32>
      %get3A_739 = arith.constant 0 : index
      %get3A_740 = arith.constant 0 : index
      %get3A_741 = vector.load %arg8[%get3A_739, %get3A_740] : memref<32x2048xf32, #tpu.memory_space<vmem>>, vector<32x2048xf32>
      %dot_general3A_742 = arith.constant dense<0.000000e+00> : vector<8x2048xf32>
      %dot_general3A_743 = tpu.matmul %slice3A_738, %get3A_741, %dot_general3A_742 {dimension_numbers = #tpu.dot_dimension_numbers<[1], [0], [0], [1], [0, 0, 1, 1], [], []>, transpose_lhs_hint = false} : vector<8x32xf32>, vector<32x2048xf32>, vector<8x2048xf32> -> vector<8x2048xf32>
      %slice3A_744 = vector.extract_strided_slice %dot_general3A_743 {offsets = [0, 0], sizes = [1, 2048], strides = [1, 1]} : vector<8x2048xf32> to vector<1x2048xf32>
      %swap3A_745 = arith.constant 0 : index
      %swap3A_746 = arith.constant 12288 : index
      %swap3A_747 = vector.load %arg13[%swap3A_745, %swap3A_746] : memref<1x14336xf32, #tpu.memory_space<vmem>>, vector<1x2048xf32>
      tpu.vector_store %arg13[%swap3A_745, %swap3A_746], %slice3A_744 {strides = array<i32>} : memref<1x14336xf32, #tpu.memory_space<vmem>>, vector<1x2048xf32>,
    } else {
    }
    %add3A_612 = vector.broadcast %broadcast_in_dim3A : vector<256x1xf32> to vector<256x2048xf32>
    %add3A_613 = vector.broadcast %broadcast_in_dim3A_606 : vector<1x2048xf32> to vector<256x2048xf32>
    %add3A_614 = arith.addf %add3A_612, %add3A_613 : vector<256x2048xf32>
    %dot_general3A_615 = arith.constant dense<0.000000e+00> : vector<256x2048xf32>
    %dot_general3A_616 = tpu.matmul %mul3A_5, %get3A_602, %dot_general3A_615 {dimension_numbers = #tpu.dot_dimension_numbers<[1], [0], [0], [1], [0, 0, 1, 1], [], []>, transpose_lhs_hint = false} : vector<256x8xf32>, vector<8x2048xf32>, vector<256x2048xf32> -> vector<256x2048xf32>
    %add3A_617 = arith.addf %add3A_614, %dot_general3A_616 : vector<256x2048xf32>
    %max3A_618 = arith.constant 0.000000e+00 : f32
    %max3A_619 = vector.broadcast %max3A_618 : f32 to vector<256x2048xf32>
    %max3A_620 = arith.maximumf %add3A_617, %max3A_619 : vector<256x2048xf32>
    %iota3A_621 = tpu.iota {dimensions = array<i32: 1>} : vector<256x2048xi32>
    %convert_element_type3A_622 = arith.sitofp %iota3A_621 : vector<256x2048xi32> to vector<256x2048xf32>
    %reduce_min3A_623 = arith.constant dense<0x7F800000> : vector<256xf32>
    %reduce_min3A_624 = vector.multi_reduction <minimumf>, %max3A_620, %reduce_min3A_623 [1] : vector<256x2048xf32> to vector<256xf32>
    %broadcast_in_dim3A_625 = vector.shape_cast %reduce_min3A_624 : vector<256xf32> to vector<256x1xf32>
    %eq3A_626 = vector.broadcast %broadcast_in_dim3A_625 : vector<256x1xf32> to vector<256x2048xf32>
    %eq3A_627 = arith.cmpf oeq, %max3A_620, %eq3A_626 : vector<256x2048xf32>
    %jit3A_628 = arith.constant 1.000000e+09 : f32
    %broadcast_in_dim3A_629 = vector.broadcast %jit3A_628 : f32 to vector<256x2048xf32>
    %select_n3A_630 = arith.select %eq3A_627, %convert_element_type3A_622, %broadcast_in_dim3A_629 : vector<256x2048xi1>, vector<256x2048xf32>
    %reduce_min3A_631 = arith.constant dense<0x7F800000> : vector<256xf32>
    %reduce_min3A_632 = vector.multi_reduction <minimumf>, %select_n3A_630, %reduce_min3A_631 [1] : vector<256x2048xf32> to vector<256xf32>
    %broadcast_in_dim3A_633 = vector.shape_cast %reduce_min3A_632 : vector<256xf32> to vector<256x1xf32>
    %eq3A_634 = vector.broadcast %broadcast_in_dim3A_633 : vector<256x1xf32> to vector<256x2048xf32>
    %eq3A_635 = arith.cmpf oeq, %select_n3A_630, %eq3A_634 : vector<256x2048xf32>
    %jit3A_636 = arith.constant 3.000000e+38 : f32
    %broadcast_in_dim3A_637 = vector.broadcast %jit3A_636 : f32 to vector<256x2048xf32>
    %select_n3A_638 = arith.select %eq3A_635, %broadcast_in_dim3A_637, %max3A_620 : vector<256x2048xi1>, vector<256x2048xf32>
    %reduce_min3A_639 = arith.constant dense<0x7F800000> : vector<256xf32>
    %reduce_min3A_640 = vector.multi_reduction <minimumf>, %select_n3A_638, %reduce_min3A_639 [1] : vector<256x2048xf32> to vector<256xf32>
    %broadcast_in_dim3A_641 = vector.shape_cast %reduce_min3A_640 : vector<256xf32> to vector<256x1xf32>
    %eq3A_642 = vector.broadcast %broadcast_in_dim3A_641 : vector<256x1xf32> to vector<256x2048xf32>
    %eq3A_643 = arith.cmpf oeq, %select_n3A_638, %eq3A_642 : vector<256x2048xf32>
    %jit3A_644 = arith.constant 1.000000e+09 : f32
    %broadcast_in_dim3A_645 = vector.broadcast %jit3A_644 : f32 to vector<256x2048xf32>
    %select_n3A_646 = arith.select %eq3A_643, %convert_element_type3A_622, %broadcast_in_dim3A_645 : vector<256x2048xi1>, vector<256x2048xf32>
    %reduce_min3A_647 = arith.constant dense<0x7F800000> : vector<256xf32>
    %reduce_min3A_648 = vector.multi_reduction <minimumf>, %select_n3A_646, %reduce_min3A_647 [1] : vector<256x2048xf32> to vector<256xf32>
    %broadcast_in_dim3A_649 = vector.shape_cast %reduce_min3A_648 : vector<256xf32> to vector<256x1xf32>
    %eq3A_650 = vector.broadcast %broadcast_in_dim3A_649 : vector<256x1xf32> to vector<256x2048xf32>
    %eq3A_651 = arith.cmpf oeq, %select_n3A_646, %eq3A_650 : vector<256x2048xf32>
    %jit3A_652 = arith.constant 3.000000e+38 : f32
    %broadcast_in_dim3A_653 = vector.broadcast %jit3A_652 : f32 to vector<256x2048xf32>
    %select_n3A_654 = arith.select %eq3A_651, %broadcast_in_dim3A_653, %select_n3A_638 : vector<256x2048xi1>, vector<256x2048xf32>
    %reduce_min3A_655 = arith.constant dense<0x7F800000> : vector<256xf32>
    %reduce_min3A_656 = vector.multi_reduction <minimumf>, %select_n3A_654, %reduce_min3A_655 [1] : vector<256x2048xf32> to vector<256xf32>
    %broadcast_in_dim3A_657 = vector.shape_cast %reduce_min3A_656 : vector<256xf32> to vector<256x1xf32>
    %eq3A_658 = vector.broadcast %broadcast_in_dim3A_657 : vector<256x1xf32> to vector<256x2048xf32>
    %eq3A_659 = arith.cmpf oeq, %select_n3A_654, %eq3A_658 : vector<256x2048xf32>
    %jit3A_660 = arith.constant 1.000000e+09 : f32
    %broadcast_in_dim3A_661 = vector.broadcast %jit3A_660 : f32 to vector<256x2048xf32>
    %select_n3A_662 = arith.select %eq3A_659, %convert_element_type3A_622, %broadcast_in_dim3A_661 : vector<256x2048xi1>, vector<256x2048xf32>
    %reduce_min3A_663 = arith.constant dense<0x7F800000> : vector<256xf32>
    %reduce_min3A_664 = vector.multi_reduction <minimumf>, %select_n3A_662, %reduce_min3A_663 [1] : vector<256x2048xf32> to vector<256xf32>
    %broadcast_in_dim3A_665 = vector.shape_cast %reduce_min3A_664 : vector<256xf32> to vector<256x1xf32>
    %add3A_666 = arith.constant 1.228800e+04 : f32
    %add3A_667 = vector.broadcast %add3A_666 : f32 to vector<256x1xf32>
    %add3A_668 = arith.addf %broadcast_in_dim3A_633, %add3A_667 : vector<256x1xf32>
    %add3A_669 = arith.constant 1.228800e+04 : f32
    %add3A_670 = vector.broadcast %add3A_669 : f32 to vector<256x1xf32>
    %add3A_671 = arith.addf %broadcast_in_dim3A_649, %add3A_670 : vector<256x1xf32>
    %add3A_672 = arith.constant 1.228800e+04 : f32
    %add3A_673 = vector.broadcast %add3A_672 : f32 to vector<256x1xf32>
    %add3A_674 = arith.addf %broadcast_in_dim3A_665, %add3A_673 : vector<256x1xf32>
    %sqrt3A_675 = math.sqrt %broadcast_in_dim3A_625 : vector<256x1xf32>
    %sqrt3A_676 = math.sqrt %broadcast_in_dim3A_641 : vector<256x1xf32>
    %sqrt3A_677 = math.sqrt %broadcast_in_dim3A_657 : vector<256x1xf32>
    %add3A_678 = arith.constant 9.99999993E-9 : f32
    %add3A_679 = vector.broadcast %add3A_678 : f32 to vector<256x1xf32>
    %add3A_680 = arith.addf %sqrt3A_675, %add3A_679 : vector<256x1xf32>
    %div3A_681 = arith.constant 1.000000e+00 : f32
    %div3A_682 = vector.broadcast %div3A_681 : f32 to vector<256x1xf32>
    %div3A_683 = arith.divf %div3A_682, %add3A_680 : vector<256x1xf32>
    %add3A_684 = arith.constant 9.99999993E-9 : f32
    %add3A_685 = vector.broadcast %add3A_684 : f32 to vector<256x1xf32>
    %add3A_686 = arith.addf %sqrt3A_676, %add3A_685 : vector<256x1xf32>
    %div3A_687 = arith.constant 1.000000e+00 : f32
    %div3A_688 = vector.broadcast %div3A_687 : f32 to vector<256x1xf32>
    %div3A_689 = arith.divf %div3A_688, %add3A_686 : vector<256x1xf32>
    %add3A_690 = arith.constant 9.99999993E-9 : f32
    %add3A_691 = vector.broadcast %add3A_690 : f32 to vector<256x1xf32>
    %add3A_692 = arith.addf %sqrt3A_677, %add3A_691 : vector<256x1xf32>
    %div3A_693 = arith.constant 1.000000e+00 : f32
    %div3A_694 = vector.broadcast %div3A_693 : f32 to vector<256x1xf32>
    %div3A_695 = arith.divf %div3A_694, %add3A_692 : vector<256x1xf32>
    %add3A_696 = arith.addf %div3A_683, %div3A_689 : vector<256x1xf32>
    %add3A_697 = arith.addf %add3A_696, %div3A_695 : vector<256x1xf32>
    %div3A_698 = arith.divf %div3A_683, %add3A_697 : vector<256x1xf32>
    %div3A_699 = arith.divf %div3A_689, %add3A_697 : vector<256x1xf32>
    %div3A_700 = arith.divf %div3A_695, %add3A_697 : vector<256x1xf32>
    %broadcast_in_dim3A_701 = arith.constant 0.000000e+00 : f32
    %broadcast_in_dim3A_702 = vector.broadcast %broadcast_in_dim3A_701 : f32 to vector<256x7xf32>
    %concatenate3A_703 = tpu.concatenate %div3A_362, %div3A_363, %div3A_364, %div3A_597, %div3A_598, %div3A_599, %div3A_698, %div3A_699, %div3A_700, %broadcast_in_dim3A_702 in 1 : vector<256x1xf32>, vector<256x1xf32>, vector<256x1xf32>, vector<256x1xf32>, vector<256x1xf32>, vector<256x1xf32>, vector<256x1xf32>, vector<256x1xf32>, vector<256x1xf32>, vector<256x7xf32> -> vector<256x16xf32>
    %swap3A = arith.constant 0 : index
    %swap3A_704 = arith.constant 0 : index
    %swap3A_705 = vector.load %arg11[%swap3A, %swap3A_704] : memref<256x16xf32, #tpu.memory_space<vmem>>, vector<256x16xf32>
    tpu.vector_store %arg11[%swap3A, %swap3A_704], %concatenate3A_703 {strides = array<i32>} : memref<256x16xf32, #tpu.memory_space<vmem>>, vector<256x16xf32>,
    %concatenate3A_706 = tpu.concatenate %broadcast_in_dim3A_296, %broadcast_in_dim3A_318, %broadcast_in_dim3A_340, %broadcast_in_dim3A_529, %broadcast_in_dim3A_551, %broadcast_in_dim3A_573, %add3A_668, %add3A_671, %add3A_674, %broadcast_in_dim3A_702 in 1 : vector<256x1xf32>, vector<256x1xf32>, vector<256x1xf32>, vector<256x1xf32>, vector<256x1xf32>, vector<256x1xf32>, vector<256x1xf32>, vector<256x1xf32>, vector<256x1xf32>, vector<256x7xf32> -> vector<256x16xf32>
    %convert_element_type3A_707 = arith.fptosi %concatenate3A_706 : vector<256x16xf32> to vector<256x16xi32>
    %swap3A_708 = arith.constant 0 : index
    %swap3A_709 = arith.constant 0 : index
    %swap3A_710 = vector.load %arg12[%swap3A_708, %swap3A_709] : memref<256x16xi32, #tpu.memory_space<vmem>>, vector<256x16xi32>
    tpu.vector_store %arg12[%swap3A_708, %swap3A_709], %convert_element_type3A_707 {strides = array<i32>} : memref<256x16xi32, #tpu.memory_space<vmem>>, vector<256x16xi32>,
    %get3A_711 = arith.constant 0 : index
    %get3A_712 = arith.constant 0 : index
    %get3A_713 = vector.load %arg5[%get3A_711, %get3A_712] : memref<8x2048xf32, #tpu.memory_space<vmem>>, vector<8x2048xf32>
    %mul3A_714 = arith.mulf %get3A_713, %get3A_713 : vector<8x2048xf32>
    %reduce_sum3A_715 = arith.constant dense<0.000000e+00> : vector<2048xf32>
    %reduce_sum3A_716 = vector.multi_reduction <add>, %mul3A_714, %reduce_sum3A_715 [0] : vector<8x2048xf32> to vector<2048xf32>
    %broadcast_in_dim3A_717 = vector.shape_cast %reduce_sum3A_716 : vector<2048xf32> to vector<1x2048xf32>
    %add3A_718 = vector.broadcast %broadcast_in_dim3A : vector<256x1xf32> to vector<256x2048xf32>
    %add3A_719 = vector.broadcast %broadcast_in_dim3A_717 : vector<1x2048xf32> to vector<256x2048xf32>
    %add3A_720 = arith.addf %add3A_718, %add3A_719 : vector<256x2048xf32>
    %dot_general3A_721 = arith.constant dense<0.000000e+00> : vector<256x2048xf32>
    %dot_general3A_722 = tpu.matmul %mul3A_5, %get3A_713, %dot_general3A_721 {dimension_numbers = #tpu.dot_dimension_numbers<[1], [0], [0], [1], [0, 0, 1, 1], [], []>, transpose_lhs_hint = false} : vector<256x8xf32>, vector<8x2048xf32>, vector<256x2048xf32> -> vector<256x2048xf32>
    %add3A_723 = arith.addf %add3A_720, %dot_general3A_722 : vector<256x2048xf32>
    %max3A_724 = arith.constant 0.000000e+00 : f32
    %max3A_725 = vector.broadcast %max3A_724 : f32 to vector<256x2048xf32>
    %max3A_726 = arith.maximumf %add3A_723, %max3A_725 : vector<256x2048xf32>
    %reduce_min3A_727 = arith.constant dense<0x7F800000> : vector<256xf32>
    %reduce_min3A_728 = vector.multi_reduction <minimumf>, %max3A_726, %reduce_min3A_727 [1] : vector<256x2048xf32> to vector<256xf32>
    %broadcast_in_dim3A_729 = vector.shape_cast %reduce_min3A_728 : vector<256xf32> to vector<256x1xf32>
    %sqrt3A_730 = math.sqrt %broadcast_in_dim3A_729 : vector<256x1xf32>
    %lt3A = arith.constant 5.000000e-01 : f32
    %lt3A_731 = vector.broadcast %lt3A : f32 to vector<256x1xf32>
    %lt3A_732 = arith.cmpf olt, %sqrt3A_730, %lt3A_731 : vector<256x1xf32>
    %convert_element_type3A_733 = arith.extui %lt3A_732 : vector<256x1xi1> to vector<256x1xi32>
    %convert_element_type3A_734 = arith.sitofp %convert_element_type3A_733 : vector<256x1xi32> to vector<256x1xf32>
    %swap3A_735 = arith.constant 0 : index
    %swap3A_736 = arith.constant 0 : index
    %swap3A_737 = vector.load %arg14[%swap3A_735, %swap3A_736] : memref<256x1xf32, #tpu.memory_space<vmem>>, vector<256x1xf32>
    tpu.vector_store %arg14[%swap3A_735, %swap3A_736], %convert_element_type3A_734 {strides = array<i32>} : memref<256x1xf32, #tpu.memory_space<vmem>>, vector<256x1xf32>,
    return
  }
  func.func @transform_0(%arg0: i32) -> (i32, i32) {
    %c0_i32 = arith.constant 0 : i32
    %c0_i32_0 = arith.constant 0 : i32
    return %arg0, %c0_i32 : i32, i32
  }
  func.func @transform_1(%arg0: i32) -> (i32, i32) {
    %c0_i32 = arith.constant 0 : i32
    %c0_i32_0 = arith.constant 0 : i32
    %c0_i32_1 = arith.constant 0 : i32
    return %c0_i32, %c0_i32_0 : i32, i32
  }
  func.func @transform_2(%arg0: i32) -> (i32, i32) {
    %c0_i32 = arith.constant 0 : i32
    %c0_i32_0 = arith.constant 0 : i32
    %c0_i32_1 = arith.constant 0 : i32
    return %c0_i32, %c0_i32_0 : i32, i32
  }
  func.func @transform_3(%arg0: i32) -> (i32, i32) {
    %c0_i32 = arith.constant 0 : i32
    %c0_i32_0 = arith.constant 0 : i32
    %c0_i32_1 = arith.constant 0 : i32
    return %c0_i32, %c0_i32_0 : i32, i32
  }
  func.func @transform_4(%arg0: i32) -> (i32, i32) {
    %c0_i32 = arith.constant 0 : i32
    %c0_i32_0 = arith.constant 0 : i32
    %c0_i32_1 = arith.constant 0 : i32
    return %c0_i32, %c0_i32_0 : i32, i32
  }
  func.func @transform_5(%arg0: i32) -> (i32, i32) {
    %c0_i32 = arith.constant 0 : i32
    %c0_i32_0 = arith.constant 0 : i32
    %c0_i32_1 = arith.constant 0 : i32
    return %c0_i32, %c0_i32_0 : i32, i32
  }
  func.func @transform_6(%arg0: i32) -> (i32, i32) {
    %c0_i32 = arith.constant 0 : i32
    %c0_i32_0 = arith.constant 0 : i32
    %c0_i32_1 = arith.constant 0 : i32
    return %c0_i32, %c0_i32_0 : i32, i32
  }
  func.func @transform_7(%arg0: i32) -> (i32, i32) {
    %c0_i32 = arith.constant 0 : i32
    %c0_i32_0 = arith.constant 0 : i32
    %c0_i32_1 = arith.constant 0 : i32
    return %c0_i32, %c0_i32_0 : i32, i32
  }
  func.func @transform_8(%arg0: i32) -> (i32, i32) {
    %c0_i32 = arith.constant 0 : i32
    %c0_i32_0 = arith.constant 0 : i32
    %c0_i32_1 = arith.constant 0 : i32
    return %c0_i32, %c0_i32_0 : i32, i32
  }
  func.func @transform_9(%arg0: i32) -> (i32, i32) {
    %c0_i32 = arith.constant 0 : i32
    %c0_i32_0 = arith.constant 0 : i32
    %c0_i32_1 = arith.constant 0 : i32
    return %c0_i32, %c0_i32_0 : i32, i32
  }
  func.func @transform_10(%arg0: i32) -> (i32, i32) {
    %c0_i32 = arith.constant 0 : i32
    %c0_i32_0 = arith.constant 0 : i32
    return %arg0, %c0_i32 : i32, i32
  }
  func.func @transform_11(%arg0: i32) -> (i32, i32) {
    %c0_i32 = arith.constant 0 : i32
    %c0_i32_0 = arith.constant 0 : i32
    return %arg0, %c0_i32 : i32, i32
  }
  func.func @transform_12(%arg0: i32) -> (i32, i32) {
    %c0_i32 = arith.constant 0 : i32
    %c0_i32_0 = arith.constant 0 : i32
    %c0_i32_1 = arith.constant 0 : i32
    return %c0_i32, %c0_i32_0 : i32, i32
  }
  func.func @transform_13(%arg0: i32) -> (i32, i32) {
    %c0_i32 = arith.constant 0 : i32
    %c0_i32_0 = arith.constant 0 : i32
    return %arg0, %c0_i32 : i32, i32
  }
}

</mosaic_0001>

<sc_bundles>
// kernel: kernel.4.cloned.1.call-start
scs
__scs_entry_jumppad:
0x0: {  	(pc) =	sbr.rel $0x88, $3  }
0x1: {  	(tag) =	ssettag $0x0;
	lr =	simm.s32 $0x1  }
0x2: {  	[smem:$0x3F97] =	sst lr;
	_ =	strace $0xD0000000  }
0x3: {  	_ = 	snop  }
0x4: {  	_ = 	snop  }
0x5: {  	_ = 	snop  }
0x6: {  	_ = 	snop  }
0x7: {  	_ = 	snop  }
__scs_overlays_trampoline_lowered:
0x8: {  	[smem:$0x3FA6] =	sst s0  }
0x9: {  	[smem:$0x3FA7] =	sst s1  }
0xa: {  	[smem:$0x3FA8] =	sst s2  }
0xb: {  	[smem:$0x3FA9] =	sst s3  }
0xc: {  	[smem:$0x3FAA] =	sst s4  }
0xd: {  	[smem:$0x3FAB] =	sst s5  }
0xe: {  	[smem:$0x3FAC] =	sst s6  }
0xf: {  	[smem:$0x3FAD] =	sst s7  }
0x10: {  	[smem:$0x3FAE] =	sst s8  }
0x11: {  	[smem:$0x3FAF] =	sst s9;
	s0 =	simm.s32 @!p0 $0x0  }
0x12: {  	s1 =	sld [smem:$0x3F95];
	s0 =	simm.s32 @p0 $0x1  }
0x13: {  	[smem:$0x3FB0] =	sst s0;
	s0 =	simm.s32 @!p1 $0x0  }
0x14: {  	s2 =	sld [smem:$0x3F94];
	s0 =	simm.s32 @p1 $0x1  }
0x15: {  	[smem:$0x3FB1] =	sst s0;
	s0 =	simm.s32 @!p2 $0x0  }
0x16: {  	s3 =	sld [smem:$0x3FDB];
	s0 =	simm.s32 @p2 $0x1  }
0x17: {  	s4 =	simm.s32 $0x1BF5;
	[smem:$0x3FB3] =	sst s0  }
0x18: {  	s0 =	sld [smem:$0x3F96];
	_ =	swait.ge [sflag:s4], $0x0  }
0x19: {  	s7 =	sld [smem:$0x3F97]  }
0x1a: {  	s8 =	sadd.s32 $0xFFFFE003, lr  }
0x1b: {  	s9 =	sadd.s32 $0xFFFFFEF7, lr;
	s5 =	simm.s32 $0xFFFFFFFF;
	p2 =	slt.u32 s8, $0xFFFFF086  }
0x1c: {  	p1 =	slt.u32 s9, $0xF7A;
	s5 =	simm.s32 @!p2 $0x0  }
0x1d: {  	s5 =	simm.s32 @p1 $0x1;
	p0 =	seq.s32 s7, s2  }
0x1e: {  	s7 =	smul.u32 @!p0 $0xF7A, s2;
	p2 =	seq.s32 @!p0 s5, $0x0  }
0x1f: {  	s9 =	smul.u32 $0xF7A, s1;
	s8 =	simm.s32 @!p0 $0x1BF5;
	p2 =	por !p2, p0  }
0x20: {  	[sflag:s8] =	ssyncset.s32 @!p0 $0xFFFFF086;
	s6 =	sadd.s32 @!p0 s3, s7;
	s7 =	simm.s32 @!p0 $0x108  }
0x21: {  	s3 =	sadd.s32 s3, s9;
	s6 =	sadd.s32 @!p0 $0x88, s6;
	s7 =	simm.s32 @p2 $0x1082  }
0x22: {  	[simem:s7], [sflag:s8] =	dma.local @!p0 [hbm:s6], $0xF7A  }
0x23: {  	s9 =	sor.u32 $0xD0000000, s2;
	s6 =	simm.s32 $0x108;
	_ =	swait.ge @!p0 [sflag:s8], $0x0  }
0x24: {  	s3 =	sadd.s32 $0x88, s3;
	s6 =	simm.s32 @!p1 $0x1082;
	[sflag:s4] =	ssyncset.s32 $0xFFFFF086  }
0x25: {  	[simem:s6], [sflag:s4] =	dma.local [hbm:s3], $0xF7A  }
0x26: {  	[smem:$0x3F97] =	sst s1;
	(tag) =	ssettag s2;
	_ =	strace s9  }
0x27: {  	s1 =	sld [smem:$0x3FA7]  }
0x28: {  	s2 =	sld [smem:$0x3FA8]  }
0x29: {  	s4 =	sld [smem:$0x3FAA]  }
0x2a: {  	p0 =	seq.s32 s5, $0x0;
	s5 =	sld [smem:$0x3FAB]  }
0x2b: {  	s6 =	sld [smem:$0x3FAC]  }
0x2c: {  	s7 =	sld [smem:$0x3FAD]  }
0x2d: {  	s3 =	simm.s32 $0x108;
	s8 =	sld [smem:$0x3FAE]  }
0x2e: {  	s3 =	simm.s32 @!p0 $0x1082;
	s9 =	sld [smem:$0x3FAF]  }
0x2f: {  	lr =	sadd.s32 s0, s3;
	s0 =	sld [smem:$0x3FA6]  }
0x30: {  	s3 =	sld [smem:$0x3FA9]  }
0x31: {  	[smem:$0x3FB2] =	sst s10  }
0x32: {  	s10 =	sld [smem:$0x3FB0];
	_ =	sdelay $0x3  }
0x33: {  	p0 =	seq.s32 s10, $0x1;
	s10 =	sld [smem:$0x3FB2];
	_ =	sdelay $0x3  }
0x34: {  	[smem:$0x3FB2] =	sst s10  }
0x35: {  	s10 =	sld [smem:$0x3FB1];
	_ =	sdelay $0x3  }
0x36: {  	p1 =	seq.s32 s10, $0x1;
	s10 =	sld [smem:$0x3FB2];
	_ =	sdelay $0x3  }
0x37: {  	[smem:$0x3FB2] =	sst s10  }
0x38: {  	s10 =	sld [smem:$0x3FB3]  }
0x39: {  	_ = 	snop;
	(pc) =	sbr.ind lr, $3  }
0x3a: {  	_ = 	snop  }
0x3b: {  	_ = 	snop  }
0x3c: {  	p2 =	seq.s32 s10, $0x1;
	s10 =	sld [smem:$0x3FB2]  }
0x3d: {  	_ =	shalt  }
0x3e: {  	_ =	shalt  }
0x3f: {  	_ =	shalt  }
0x40: {  	_ =	shalt  }
0x41: {  	_ =	shalt  }
0x42: {  	_ =	shalt  }
0x43: {  	_ =	shalt  }
0x44: {  	_ =	shalt  }
0x45: {  	_ =	shalt  }
0x46: {  	_ =	shalt  }
0x47: {  	_ =	shalt  }
0x48: {  	_ =	shalt  }
0x49: {  	_ =	shalt  }
0x4a: {  	_ =	shalt  }
0x4b: {  	_ =	shalt  }
0x4c: {  	_ =	shalt  }
0x4d: {  	_ =	shalt  }
0x4e: {  	_ =	shalt  }
0x4f: {  	_ =	shalt  }
0x50: {  	_ =	shalt  }
0x51: {  	_ =	shalt  }
0x52: {  	_ =	shalt  }
0x53: {  	_ =	shalt  }
0x54: {  	_ =	shalt  }
0x55: {  	_ =	shalt  }
0x56: {  	_ =	shalt  }
0x57: {  	_ =	shalt  }
0x58: {  	_ =	shalt  }
0x59: {  	_ =	shalt  }
0x5a: {  	_ =	shalt  }
0x5b: {  	_ =	shalt  }
0x5c: {  	_ =	shalt  }
0x5d: {  	_ =	shalt  }
0x5e: {  	_ =	shalt  }
0x5f: {  	_ =	shalt  }
0x60: {  	_ =	shalt  }
0x61: {  	_ =	shalt  }
0x62: {  	_ =	shalt  }
0x63: {  	_ =	shalt  }
0x64: {  	_ =	shalt  }
0x65: {  	_ =	shalt  }
0x66: {  	_ =	shalt  }
0x67: {  	_ =	shalt  }
0x68: {  	_ =	shalt  }
0x69: {  	_ =	shalt  }
0x6a: {  	_ =	shalt  }
0x6b: {  	_ =	shalt  }
0x6c: {  	_ =	shalt  }
0x6d: {  	_ =	shalt  }
0x6e: {  	_ =	shalt  }
0x6f: {  	_ =	shalt  }
0x70: {  	_ =	shalt  }
0x71: {  	_ =	shalt  }
0x72: {  	_ =	shalt  }
0x73: {  	_ =	shalt  }
0x74: {  	_ =	shalt  }
0x75: {  	_ =	shalt  }
0x76: {  	_ =	shalt  }
0x77: {  	_ =	shalt  }
0x78: {  	_ =	shalt  }
0x79: {  	_ =	shalt  }
0x7a: {  	_ =	shalt  }
0x7b: {  	_ =	shalt  }
0x7c: {  	_ =	shalt  }
0x7d: {  	_ =	shalt  }
0x7e: {  	_ =	shalt  }
0x7f: {  	_ =	shalt  }
0x80: {  	_ =	shalt  }
0x81: {  	_ =	shalt  }
0x82: {  	_ =	shalt  }
0x83: {  	_ =	shalt  }
0x84: {  	_ =	shalt  }
0x85: {  	_ =	shalt  }
0x86: {  	_ =	shalt  }
0x87: {  	_ =	shalt  }
.Lfunc_end0:
.L_simem_size_0:
called_computation_lowered:
.L_overlay_start_0:
0x88: {  	s2 =	sld [smem:$0x3FD9]  }
0x89: {  	s3 =	sld [smem:$0x3FFE];
	_ =	sdelay $0x1  }
0x8a: {  	s1 =	srdreg.scid  }
0x8b: {  	s0 =	sand.u32 $0x1, s1  }
0x8c: {  	s14 =	sshll.u32 s0, $0xA;
	s2 =	sadd.s32 s3, s2  }
0x8d: {  	s2 =	sadd.s32 s2, s14  }
0x8e: {  	[smem:$0x3FBE] =	sst s2  }
0x8f: {  	_ = 	snop  }
0x90: {  	s2 =	sld [smem:$0x3FD0];
	_ =	sdelay $0x2  }
0x91: {  	s15 =	simm.s32 $0xA;
	s4 =	simm.s32 $0x10  }
0x92: {  	[smem:s4], [sflag:s15] =	dma.local [hbm:s2], $0x1  }
0x93: {  	_ =	swait.eq [sflag:s15], $0x1  }
0x94: {  	[sflag:s15] =	ssyncset.done $0x0  }
0x95: {  	[sflag:s15] =	ssyncadd.s32 $0xFFFFFFFF  }
0x96: {  	s16 =	sld [smem:$0x10];
	(tm) =	ssettm $0x1  }
0x97: {  	s17 =	sld [smem:$0x3FFB];
	_ =	sdelay $0x3  }
0x98: {  	_ =	strace s17  }
0x99: {  	s3 =	sld [smem:$0x3FFC];
	_ =	sdelay $0x3  }
0x9a: {  	_ =	strace s3  }
0x9b: {  	s3 =	sld [smem:$0x3FFD];
	_ =	sdelay $0x3  }
0x9c: {  	_ =	strace s3  }
0x9d: {  	_ =	strace $0x8FFFFFFF  }
0x9e: {  	s18 =	sld [smem:$0x3FDB];
	_ =	sdelay $0x1  }
0x9f: {  	s19 =	simm.s32 $_scs_section_size  }
0xa0: {  	s5 =	simm.s32 $_size__tile_overlayer_lowered;
	s6 =	simm.s32 $_tile_overlayer_lowered  }
0xa1: {  	s22 =	simm.s32 $0x1BFF;
	s21 =	sshll.u32 s6, $0x1;
	s3 =	sadd.s32 s19, s18  }
0xa2: {  	s7 =	simm.s32 $0x0;
	s20 =	sshll.u32 s5, $0x1;
	s5 =	sadd.s32 s21, s3  }
0xa3: {  	[timem:s7], [sflag:s22] =	dma.local [hbm:s5], s20  }
0xa4: {  	_ =	swait.ge [sflag:s22], s20  }
0xa5: {  	s4 =	ssub.s32 $0x0, s20;
	[sflag:s22] =	ssyncset.done $0x0  }
0xa6: {  	[sflag:s22] =	ssyncadd.s32 s4;
	_ =	sdelay $0x1  }
0xa7: {  	s23 =	simm.s32 $0x1B8B  }
0xa8: {  	_ =	swait.ge [sflag:s23], $0x1  }
0xa9: {  	[sflag:s23] =	ssyncset.done $0x0  }
0xaa: {  	s25 =	simm.s32 $0x1B8E;
	s24 =	sld [smem:$0x3FFE];
	[sflag:s23] =	ssyncadd.s32 $0xFFFFFFFF  }
0xab: {  	s26 =	simm.s32 $execute0_lowered;
	[smem:$0x3FD2] =	sst s25  }
0xac: {  	s5 =	sshll.u32 s26, $0x1;
	_ =	strace $0x80000046;
	[dreg:$0x1] =	wrdreg $0xFFFFFFFF  }
0xad: {  	s28 =	simm.s32 $_size_execute0_lowered;
	s3 =	sadd.s32 s3, s5;
	[dreg:$0x0] =	wrdreg $0x0  }
0xae: {  	s5 =	sshll.u32 s28, $0x1;
	[dreg:$0x2] =	wrdreg s3  }
0xaf: {  	[dreg:$0x3] =	wrdreg s5  }
0xb0: {  	[dreg:$0x4] =	wrdreg $0xC0  }
0xb1: {  	_ =	task [dreg:s7], $0x5FFFF  }
0xb2: {  	[dreg:$0x1] =	wrdreg $0xFFFFFFFF  }
0xb3: {  	[dreg:$0x0] =	wrdreg $0x60  }
0xb4: {  	[dreg:$0x2] =	wrdreg s24  }
0xb5: {  	[dreg:$0x3] =	wrdreg s16  }
0xb6: {  	[dreg:$0x4] =	wrdreg $0x9  }
0xb7: {  	_ =	task.clear_ibuf [dreg:s7], $0x5FFFF;
	_ =	strace $0x90000046  }
0xb8: {  	s29 =	simm.s32 $0x9;
	_ =	strace $0x80000048  }
0xb9: {  	_ =	swait.ge [sflag:s29], $0x1  }
0xba: {  	[sflag:s29] =	ssyncadd.s32 $0xFFFFFFFF  }
0xbb: {  	_ =	strace $0x90000048  }
0xbc: {  	_ =	sfence  }
0xbd: {  	s30 =	sld [smem:$0x0];
	_ =	sdelay $0x2  }
0xbe: {  	s31 =	sshll.u32 s1, $0xD;
	s1 =	sshrl.u32 s1, $0x2  }
0xbf: {  	s3 =	sand.u32 $0x4000, s31;
	s1 =	sadd.s32 s1, s30  }
0xc0: {  	s0 =	sor.u32 s3, s0;
	s1 =	sshll.u32 s1, $0x11  }
0xc1: {  	s0 =	sor.u32 s1, s0  }
0xc2: {  	s0 =	sadd.s32 $0x8F2B, s0  }
0xc3: {  	[sflag:s0] =	ssyncadd.remote.s32 $0x1  }
0xc4: {  	_ =	sfence.sel $0xFFFF  }
0xc5: {  	[dreg:$0x0] =	wrdreg $0xFFFFFFFF;
	(pc) =	sbr.abs _section_cstart, $3  }
0xc6: {  	[dreg:$0x1] =	wrdreg $0xFFFFFFFF  }
0xc7: {  	_ =	task.clear_ibuf [dreg:s7], $0x2FFFF;
	_ =	strace $0x9FFFFFFF  }
0xc8: {  	(tm) =	ssettm $0x7FFFFFFF  }
0xc9: {  	_ =	shalt  }
tec
execute0_lowered:
.L_overlay_start_1:
0x0: {  	(tag) =	ssettag $0x1  }
0x1: {  	s0 =	rddreg [dreg:$0x0]  }
0x2: {  	s9 =	rddreg [dreg:$0x1]  }
0x3: {  	s2 =	simm.s32 $0x0;
	s3 =	srdreg.scid;
	s1 =	stileid.u32  }
0x4: {  	s28 =	simm.s32 $0x1100;
	s29 =	simm.s32 $0x1;
	s30 =	simm.s32 $0x1200  }
0x5: {  	s31 =	simm.s32 $0x1B00;
	[smem:$0x7FF] =	sst s2;
	s3 =	sand.u32 $0x1, s3  }
0x6: {  	s4 =	sshll.u32 s1, $0x6;
	s7 =	sadd.s32 $0xE00, s0;
	s6 =	sadd.s32 $0x600, s0  }
0x7: {  	s0 =	sadd.s32 $0x3200, s0;
	_ =	strace $0x80000047;
	s5 =	sshll.u32 s3, $0x5  }
0x8: {  	[dreg:$0x3] =	wrdreg s6;
	s3 =	ssub.s32 $0x2, s3;
	s10 =	sor.u32 s5, s4  }
0x9: {  	s22 =	sshrl.u32 s3, $0x1;
	s4 =	sadd.s32 s7, s10;
	s6 =	sadd.s32 s0, s10  }
0xa: {  	s5 =	sor.u32 $0x400, s10;
	s12 =	sor.u32 $0x800, s10;
	s15 =	sor.u32 $0xC00, s10  }
0xb: {  	s18 =	sor.u32 $0x1000, s10;
	s21 =	sor.u32 $0x1400, s10;
	[dreg:$0x4] =	wrdreg s4  }
0xc: {  	s25 =	sor.u32 $0x1800, s10;
	[dreg:$0x5] =	wrdreg s6;
	s8 =	sadd.s32 s7, s5  }
0xd: {  	s26 =	sor.u32 $0x1C00, s10;
	s11 =	sadd.s32 s0, s5;
	[dreg:$0x6] =	wrdreg s8  }
0xe: {  	s9 =	sadd.s32 s9, s10;
	s13 =	sadd.s32 s7, s12;
	[dreg:$0x7] =	wrdreg s11  }
0xf: {  	s14 =	sadd.s32 s0, s12;
	s16 =	sadd.s32 s7, s15;
	[dreg:$0x8] =	wrdreg s13  }
0x10: {  	s17 =	sadd.s32 s0, s15;
	s19 =	sadd.s32 s7, s18;
	[dreg:$0x9] =	wrdreg s14  }
0x11: {  	s20 =	sadd.s32 s0, s18;
	s23 =	sadd.s32 s7, s21;
	[dreg:$0xa] =	wrdreg s16  }
0x12: {  	s24 =	sadd.s32 s0, s21;
	s4 =	sadd.s32 s0, s25;
	[dreg:$0xb] =	wrdreg s17  }
0x13: {  	s5 =	sadd.s32 s7, s26;
	s6 =	sadd.s32 s0, s26;
	[dreg:$0xc] =	wrdreg s19  }
0x14: {  	s15 =	simm.s32 $0xB00;
	s18 =	simm.s32 $0x400;
	[dreg:$0xd] =	wrdreg s20  }
0x15: {  	s21 =	simm.s32 $0xE00;
	s26 =	simm.s32 $0x800;
	[dreg:$0xe] =	wrdreg s23  }
0x16: {  	s11 =	ssub.s32 s3, s22;
	[dreg:$0xf] =	wrdreg s24;
	s3 =	sadd.s32 s7, s25  }
0x17: {  	s8 =	sor.u32 $0x2000, s10;
	s14 =	simm.s32 $0x200;
	s16 =	simm.s32 $0x300  }
0x18: {  	s17 =	simm.s32 $0xC00;
	s19 =	simm.s32 $0xD00;
	s20 =	simm.s32 $0x500  }
0x19: {  	s22 =	simm.s32 $0x600;
	s23 =	simm.s32 $0xF00;
	s24 =	simm.s32 $0x700  }
0x1a: {  	s25 =	simm.s32 $0x1000;
	s7 =	sadd.s32 s7, s8;
	s8 =	sadd.s32 s0, s8  }
0x1b: {  	s10 =	smax.u32 s11, $0x1;
	s11 =	simm.s32 $0x900;
	s0 =	simm.s32 $0x2  }
.LBB2_1:
0x1c: {  	s1 =	rddreg [dreg:$0x4]  }
0x1d: {  	[tilespmem:s2], [sflag:$0x1] =	stream.linear.gather [hbm4b:s1+s2], $0x100, $0x38;
	[tilespmem:$0x1C00] =	vst v63  }
0x1e: {  	s12 =	rddreg [dreg:$0x5]  }
0x1f: {  	[tilespmem:s11], [sflag:$0x1] =	stream.linear.gather [hbm4b:s12+s2], $0x100, $0x38;
	[tilespmem:$0x1C00] =	vst v63  }
0x20: {  	s13 =	simm.s32 $0x100;
	s1 =	rddreg [dreg:$0x6]  }
0x21: {  	[tilespmem:s13], [sflag:$0x1] =	stream.linear.gather [hbm4b:s1+s2], $0x100, $0x38;
	[tilespmem:$0x1C00] =	vst v63  }
0x22: {  	s12 =	rddreg [dreg:$0x7];
	s13 =	simm.s32 $0xA00  }
0x23: {  	[tilespmem:s13], [sflag:$0x1] =	stream.linear.gather [hbm4b:s12+s2], $0x100, $0x38;
	[tilespmem:$0x1C00] =	vst v63  }
0x24: {  	s1 =	rddreg [dreg:$0x8]  }
0x25: {  	[tilespmem:s14], [sflag:$0x1] =	stream.linear.gather [hbm4b:s1+s2], $0x100, $0x38;
	[tilespmem:$0x1C00] =	vst v63  }
0x26: {  	s13 =	rddreg [dreg:$0x9]  }
0x27: {  	[tilespmem:s15], [sflag:$0x1] =	stream.linear.gather [hbm4b:s13+s2], $0x100, $0x38;
	[tilespmem:$0x1C00] =	vst v63  }
0x28: {  	s1 =	rddreg [dreg:$0xa]  }
0x29: {  	[tilespmem:s16], [sflag:$0x1] =	stream.linear.gather [hbm4b:s1+s2], $0x100, $0x38;
	[tilespmem:$0x1C00] =	vst v63  }
0x2a: {  	s13 =	rddreg [dreg:$0xb]  }
0x2b: {  	[tilespmem:s17], [sflag:$0x1] =	stream.linear.gather [hbm4b:s13+s2], $0x100, $0x38;
	[tilespmem:$0x1C00] =	vst v63  }
0x2c: {  	s1 =	rddreg [dreg:$0xc]  }
0x2d: {  	[tilespmem:s18], [sflag:$0x1] =	stream.linear.gather [hbm4b:s1+s2], $0x100, $0x38;
	[tilespmem:$0x1C00] =	vst v63  }
0x2e: {  	s13 =	rddreg [dreg:$0xd]  }
0x2f: {  	[tilespmem:s19], [sflag:$0x1] =	stream.linear.gather [hbm4b:s13+s2], $0x100, $0x38;
	[tilespmem:$0x1C00] =	vst v63  }
0x30: {  	s1 =	rddreg [dreg:$0xe]  }
0x31: {  	[tilespmem:s20], [sflag:$0x1] =	stream.linear.gather [hbm4b:s1+s2], $0x100, $0x38;
	[tilespmem:$0x1C00] =	vst v63  }
0x32: {  	s13 =	rddreg [dreg:$0xf]  }
0x33: {  	[tilespmem:s21], [sflag:$0x1] =	stream.linear.gather [hbm4b:s13+s2], $0x100, $0x38;
	[tilespmem:$0x1C00] =	vst v63  }
0x34: {  	_ = 	snop  }
0x35: {  	[tilespmem:s22], [sflag:$0x1] =	stream.linear.gather [hbm4b:s3+s2], $0x100, $0x38;
	[tilespmem:$0x1C00] =	vst v63  }
0x36: {  	_ = 	snop  }
0x37: {  	[tilespmem:s23], [sflag:$0x1] =	stream.linear.gather [hbm4b:s4+s2], $0x100, $0x38;
	[tilespmem:$0x1C00] =	vst v63  }
0x38: {  	_ = 	snop  }
0x39: {  	[tilespmem:s24], [sflag:$0x1] =	stream.linear.gather [hbm4b:s5+s2], $0x100, $0x38;
	[tilespmem:$0x1C00] =	vst v63  }
0x3a: {  	_ = 	snop  }
0x3b: {  	[tilespmem:s25], [sflag:$0x1] =	stream.linear.gather [hbm4b:s6+s2], $0x100, $0x38;
	[tilespmem:$0x1C00] =	vst v63  }
0x3c: {  	_ = 	snop  }
0x3d: {  	[tilespmem:s26], [sflag:$0x1] =	stream.linear.gather [hbm4b:s7+s2], $0x100, $0x38;
	[tilespmem:$0x1C00] =	vst v63  }
0x3e: {  	_ = 	snop  }
0x3f: {  	[tilespmem:s28], [sflag:$0x1] =	stream.linear.gather [hbm4b:s8+s2], $0x100, $0x38;
	[tilespmem:$0x1C00] =	vst v63  }
0x40: {  	_ =	swait.ge [sflag:s29], $0x100  }
0x41: {  	[sflag:s29] =	ssyncset.done $0x0  }
0x42: {  	[sflag:s29] =	ssyncadd.s32 $0xFFFFFF00  }
0x43: {  	_ =	swait.ge [sflag:s29], $0x100  }
0x44: {  	[sflag:s29] =	ssyncset.done $0x0  }
0x45: {  	[sflag:s29] =	ssyncadd.s32 $0xFFFFFF00  }
0x46: {  	_ =	swait.ge [sflag:s29], $0x100  }
0x47: {  	[sflag:s29] =	ssyncset.done $0x0  }
0x48: {  	[sflag:s29] =	ssyncadd.s32 $0xFFFFFF00  }
0x49: {  	_ =	swait.ge [sflag:s29], $0x100  }
0x4a: {  	[sflag:s29] =	ssyncset.done $0x0  }
0x4b: {  	[sflag:s29] =	ssyncadd.s32 $0xFFFFFF00  }
0x4c: {  	_ =	swait.ge [sflag:s29], $0x100  }
0x4d: {  	[sflag:s29] =	ssyncset.done $0x0  }
0x4e: {  	[sflag:s29] =	ssyncadd.s32 $0xFFFFFF00  }
0x4f: {  	_ =	swait.ge [sflag:s29], $0x100  }
0x50: {  	[sflag:s29] =	ssyncset.done $0x0  }
0x51: {  	[sflag:s29] =	ssyncadd.s32 $0xFFFFFF00  }
0x52: {  	_ =	swait.ge [sflag:s29], $0x100  }
0x53: {  	[sflag:s29] =	ssyncset.done $0x0  }
0x54: {  	[sflag:s29] =	ssyncadd.s32 $0xFFFFFF00  }
0x55: {  	_ =	swait.ge [sflag:s29], $0x100  }
0x56: {  	[sflag:s29] =	ssyncset.done $0x0  }
0x57: {  	[sflag:s29] =	ssyncadd.s32 $0xFFFFFF00  }
0x58: {  	_ =	swait.ge [sflag:s29], $0x100  }
0x59: {  	[sflag:s29] =	ssyncset.done $0x0  }
0x5a: {  	[sflag:s29] =	ssyncadd.s32 $0xFFFFFF00  }
0x5b: {  	_ =	swait.ge [sflag:s29], $0x100  }
0x5c: {  	[sflag:s29] =	ssyncset.done $0x0  }
0x5d: {  	[sflag:s29] =	ssyncadd.s32 $0xFFFFFF00  }
0x5e: {  	_ =	swait.ge [sflag:s29], $0x100  }
0x5f: {  	[sflag:s29] =	ssyncset.done $0x0  }
0x60: {  	[sflag:s29] =	ssyncadd.s32 $0xFFFFFF00  }
0x61: {  	_ =	swait.ge [sflag:s29], $0x100  }
0x62: {  	[sflag:s29] =	ssyncset.done $0x0  }
0x63: {  	[sflag:s29] =	ssyncadd.s32 $0xFFFFFF00  }
0x64: {  	_ =	swait.ge [sflag:s29], $0x100  }
0x65: {  	[sflag:s29] =	ssyncset.done $0x0  }
0x66: {  	[sflag:s29] =	ssyncadd.s32 $0xFFFFFF00  }
0x67: {  	_ =	swait.ge [sflag:s29], $0x100  }
0x68: {  	[sflag:s29] =	ssyncset.done $0x0  }
0x69: {  	[sflag:s29] =	ssyncadd.s32 $0xFFFFFF00  }
0x6a: {  	_ =	swait.ge [sflag:s29], $0x100  }
0x6b: {  	[sflag:s29] =	ssyncset.done $0x0  }
0x6c: {  	[sflag:s29] =	ssyncadd.s32 $0xFFFFFF00  }
0x6d: {  	_ =	swait.ge [sflag:s29], $0x100  }
0x6e: {  	[sflag:s29] =	ssyncset.done $0x0  }
0x6f: {  	[sflag:s29] =	ssyncadd.s32 $0xFFFFFF00  }
0x70: {  	_ =	swait.ge [sflag:s29], $0x100  }
0x71: {  	[sflag:s29] =	ssyncset.done $0x0  }
0x72: {  	[sflag:s29] =	ssyncadd.s32 $0xFFFFFF00  }
0x73: {  	_ =	swait.ge [sflag:s29], $0x100  }
0x74: {  	[sflag:s29] =	ssyncset.done $0x0  }
0x75: {  	s13 =	rddreg [dreg:$0x3];
	[sflag:s29] =	ssyncadd.s32 $0xFFFFFF00  }
0x76: {  	[tilespmem:s30], [sflag:$0x1] =	stream.indirect.gather [hbm4b:s13+s11], $0x1, s11, s11, $0xb8;
	[tilespmem:$0x1C00] =	vst v63  }
0x77: {  	_ =	swait.ge [sflag:s29], $0x900  }
0x78: {  	[sflag:s29] =	ssyncset.done $0x0  }
0x79: {  	[sflag:s29] =	ssyncadd.s32 $0xFFFFF700  }
0x7a: {  	v9 =	vld [tilespmem:$0x0]  }
0x7b: {  	v8 =	vld [tilespmem:$0x1200]  }
0x7c: {  	v12 =	vld [tilespmem:$0x100]  }
0x7d: {  	v10 =	vld [tilespmem:$0x1300]  }
0x7e: {  	v21 =	vld [tilespmem:$0x200]  }
0x7f: {  	v16 =	vld [tilespmem:$0x1400]  }
0x80: {  	v24 =	vld [tilespmem:$0x300]  }
0x81: {  	v22 =	vld [tilespmem:$0x1500]  }
0x82: {  	v39 =	vld [tilespmem:$0x400]  }
0x83: {  	v50 =	vld [tilespmem:$0x1600]  }
0x84: {  	v37 =	vld [tilespmem:$0x500]  }
0x85: {  	v51 =	vld [tilespmem:$0x1700]  }
0x86: {  	v53 =	vld [tilespmem:$0x600]  }
0x87: {  	v59 =	vld [tilespmem:$0x1800]  }
0x88: {  	v0 =	vld [tilespmem:$0x700]  }
0x89: {  	v56 =	vld [tilespmem:$0x1900]  }
0x8a: {  	v57 =	vld [tilespmem:$0x800]  }
0x8b: {  	v58 =	vld [tilespmem:$0x1A00]  }
0x8c: {  	v4 =	vld [tilespmem:$0x10]  }
0x8d: {  	v2 =	vld [tilespmem:$0x1210]  }
0x8e: {  	v7 =	vld [tilespmem:$0x110]  }
0x8f: {  	v6 =	vld [tilespmem:$0x1310]  }
0x90: {  	v19 =	vld [tilespmem:$0x210]  }
0x91: {  	v17 =	vld [tilespmem:$0x1410]  }
0x92: {  	v30 =	vld [tilespmem:$0x310]  }
0x93: {  	v27 =	vld [tilespmem:$0x1510]  }
0x94: {  	v40 =	vld [tilespmem:$0x410]  }
0x95: {  	v34 =	vld [tilespmem:$0x1610]  }
0x96: {  	v55 =	vld [tilespmem:$0x510]  }
0x97: {  	v60 =	vld [tilespmem:$0x610]  }
0x98: {  	v62 =	vld [tilespmem:$0x1810]  }
0x99: {  	v61 =	vld [tilespmem:$0x710]  }
0x9a: {  	v63 =	vld [tilespmem:$0x1910]  }
0x9b: {  	v5 =	vld [tilespmem:$0x810]  }
0x9c: {  	v11 =	vld [tilespmem:$0x1A10]  }
0x9d: {  	v1 =	vld [tilespmem:$0x20]  }
0x9e: {  	v3 =	vld [tilespmem:$0x1320]  }
0x9f: {  	v20 =	vld [tilespmem:$0x220]  }
0xa0: {  	v18 =	vld [tilespmem:$0x1420]  }
0xa1: {  	v31 =	vld [tilespmem:$0x320]  }
0xa2: {  	v28 =	vld [tilespmem:$0x1520]  }
0xa3: {  	v45 =	vld [tilespmem:$0x420]  }
0xa4: {  	v38 =	vld [tilespmem:$0x1620]  }
0xa5: {  	v54 =	vld [tilespmem:$0x1720]  }
0xa6: {  	v13 =	vld [tilespmem:$0x1820]  }
0xa7: {  	v14 =	vld [tilespmem:$0x720]  }
0xa8: {  	v15 =	vld [tilespmem:$0x1920]  }
0xa9: {  	v23 =	vld [tilespmem:$0x820];
	[tilespmem:$0x1F6F0] =	vst v0  }
0xaa: {  	v25 =	vld [tilespmem:$0x1A20];
	[tilespmem:$0x1F700] =	vst v56  }
0xab: {  	v36 =	vld [tilespmem:$0x230];
	[tilespmem:$0x1F720] =	vst v57  }
0xac: {  	v33 =	vld [tilespmem:$0x1430];
	[tilespmem:$0x1F730] =	vst v58  }
0xad: {  	v49 =	vld [tilespmem:$0x330];
	[tilespmem:$0x1F710] =	vst v60  }
0xae: {  	v47 =	vld [tilespmem:$0x1530];
	[tilespmem:$0x1F740] =	vst v61  }
0xaf: {  	v26 =	vld [tilespmem:$0x1630];
	[tilespmem:$0x1F750] =	vst v63  }
0xb0: {  	v29 =	vld [tilespmem:$0x530];
	[tilespmem:$0x1F780] =	vst v5  }
0xb1: {  	v32 =	vld [tilespmem:$0x1730];
	[tilespmem:$0x1F790] =	vst v11  }
0xb2: {  	v35 =	vld [tilespmem:$0x630];
	[tilespmem:$0x1F770] =	vst v13  }
0xb3: {  	v41 =	vld [tilespmem:$0x1830];
	[tilespmem:$0x1F7C0] =	vst v14  }
0xb4: {  	v42 =	vld [tilespmem:$0x730];
	[tilespmem:$0x1F7D0] =	vst v15  }
0xb5: {  	v43 =	vld [tilespmem:$0x1930];
	[tilespmem:$0x1F820] =	vst v23  }
0xb6: {  	v44 =	vld [tilespmem:$0x830];
	[tilespmem:$0x1F830] =	vst v25  }
0xb7: {  	v46 =	vld [tilespmem:$0x1A30];
	[tilespmem:$0x1F7B0] =	vst v26  }
0xb8: {  	v56 =	vld [tilespmem:$0x1710];
	[tilespmem:$0x1F7E0] =	vst v29  }
0xb9: {  	v0 =	vld [tilespmem:$0x1220];
	[tilespmem:$0x1F7F0] =	vst v32  }
0xba: {  	v5 =	vld [tilespmem:$0x120];
	[tilespmem:$0x1F800] =	vst v35  }
0xbb: {  	v11 =	vld [tilespmem:$0x620];
	[tilespmem:$0x1F810] =	vst v41  }
0xbc: {  	v14 =	vld [tilespmem:$0x430];
	[tilespmem:$0x1F860] =	vst v42  }
0xbd: {  	v60 =	vld [tilespmem:$0x520];
	[tilespmem:$0x1F870] =	vst v43  }
0xbe: {  	v13 =	vld [tilespmem:$0x30];
	[tilespmem:$0x1F900] =	vst v44  }
0xbf: {  	v25 =	vld [tilespmem:$0x130];
	[tilespmem:$0x1F910] =	vst v46  }
0xc0: {  	v23 =	vld [tilespmem:$0x1330];
	[tilespmem:$0x1F760] =	vst v11  }
0xc1: {  	v11 =	vld [tilespmem:$0x1230];
	[tilespmem:$0x1F7A0] =	vst v14  }
0xc2: {  	v15 =	vld [tilespmem:$0x40]  }
0xc3: {  	v63 =	vld [tilespmem:$0x640];
	_ =	sdelay $0x4  }
0xc4: {  	[tilespmem:$0x1F8C0] =	vst v63;
	v63 =	vld [tilespmem:$0x350];
	_ =	sdelay $0x4  }
0xc5: {  	[tilespmem:$0x1F8E0] =	vst v63;
	v63 =	vld [tilespmem:$0x1650];
	_ =	sdelay $0x4  }
0xc6: {  	[tilespmem:$0x1F930] =	vst v63;
	v63 =	vld [tilespmem:$0x650];
	_ =	sdelay $0x4  }
0xc7: {  	[tilespmem:$0x1F9C0] =	vst v63;
	v63 =	vld [tilespmem:$0x1950];
	_ =	sdelay $0x4  }
0xc8: {  	[tilespmem:$0x1FA70] =	vst v63;
	v63 =	vld [tilespmem:$0x260];
	_ =	sdelay $0x4  }
0xc9: {  	[tilespmem:$0x1F960] =	vst v63;
	v63 =	vld [tilespmem:$0x1460];
	_ =	sdelay $0x4  }
0xca: {  	[tilespmem:$0x1F970] =	vst v63;
	v63 =	vld [tilespmem:$0x360];
	_ =	sdelay $0x4  }
0xcb: {  	[tilespmem:$0x1F9A0] =	vst v63;
	v63 =	vld [tilespmem:$0x1560];
	_ =	sdelay $0x4  }
0xcc: {  	[tilespmem:$0x1F9B0] =	vst v63;
	v63 =	vld [tilespmem:$0x460];
	_ =	sdelay $0x4  }
0xcd: {  	[tilespmem:$0x1FA20] =	vst v63;
	v63 =	vld [tilespmem:$0x1660];
	_ =	sdelay $0x4  }
0xce: {  	[tilespmem:$0x1FA30] =	vst v63;
	v63 =	vld [tilespmem:$0x560];
	_ =	sdelay $0x4  }
0xcf: {  	[tilespmem:$0x1FA80] =	vst v63;
	v63 =	vld [tilespmem:$0x1760];
	_ =	sdelay $0x4  }
0xd0: {  	[tilespmem:$0x1FA90] =	vst v63;
	v63 =	vld [tilespmem:$0x660];
	_ =	sdelay $0x4  }
0xd1: {  	[tilespmem:$0x1FAE0] =	vst v63;
	v63 =	vld [tilespmem:$0x1860];
	_ =	sdelay $0x4  }
0xd2: {  	[tilespmem:$0x1FAF0] =	vst v63;
	v63 =	vld [tilespmem:$0x760];
	_ =	sdelay $0x4  }
0xd3: {  	[tilespmem:$0x1FB80] =	vst v63;
	v63 =	vld [tilespmem:$0x1960];
	_ =	sdelay $0x4  }
0xd4: {  	[tilespmem:$0x1FB90] =	vst v63;
	v63 =	vld [tilespmem:$0x860];
	_ =	sdelay $0x4  }
0xd5: {  	[tilespmem:$0x1FC40] =	vst v63;
	v63 =	vld [tilespmem:$0x1A60];
	_ =	sdelay $0x4  }
0xd6: {  	[tilespmem:$0x1FC50] =	vst v63;
	v63 =	vld [tilespmem:$0x70];
	_ =	sdelay $0x4  }
0xd7: {  	[tilespmem:$0x1F9E0] =	vst v63;
	v63 =	vld [tilespmem:$0x1270];
	_ =	sdelay $0x4  }
0xd8: {  	[tilespmem:$0x1F9F0] =	vst v63;
	v63 =	vld [tilespmem:$0x170];
	_ =	sdelay $0x4  }
0xd9: {  	[tilespmem:$0x1FA40] =	vst v63;
	v63 =	vld [tilespmem:$0x1370];
	_ =	sdelay $0x4  }
0xda: {  	[tilespmem:$0x1FA50] =	vst v63;
	v63 =	vld [tilespmem:$0x270];
	_ =	sdelay $0x4  }
0xdb: {  	[tilespmem:$0x1FAA0] =	vst v63;
	v63 =	vld [tilespmem:$0x1470];
	_ =	sdelay $0x4  }
0xdc: {  	[tilespmem:$0x1FAB0] =	vst v63;
	v63 =	vld [tilespmem:$0x370];
	_ =	sdelay $0x4  }
0xdd: {  	[tilespmem:$0x1FB00] =	vst v63;
	v63 =	vld [tilespmem:$0x1570];
	_ =	sdelay $0x4  }
0xde: {  	[tilespmem:$0x1FB10] =	vst v63;
	v63 =	vld [tilespmem:$0x470];
	_ =	sdelay $0x4  }
0xdf: {  	[tilespmem:$0x1FB60] =	vst v63;
	v63 =	vld [tilespmem:$0x1670];
	_ =	sdelay $0x4  }
0xe0: {  	[tilespmem:$0x1FB70] =	vst v63;
	v63 =	vld [tilespmem:$0x570];
	_ =	sdelay $0x4  }
0xe1: {  	[tilespmem:$0x1FBC0] =	vst v63;
	v63 =	vld [tilespmem:$0x1770];
	_ =	sdelay $0x4  }
0xe2: {  	[tilespmem:$0x1FBD0] =	vst v63;
	v63 =	vld [tilespmem:$0x670];
	_ =	sdelay $0x4  }
0xe3: {  	[tilespmem:$0x1FC00] =	vst v63;
	v63 =	vld [tilespmem:$0x1870];
	_ =	sdelay $0x4  }
0xe4: {  	[tilespmem:$0x1FC10] =	vst v63;
	v63 =	vld [tilespmem:$0x770];
	_ =	sdelay $0x4  }
0xe5: {  	[tilespmem:$0x1FCA0] =	vst v63;
	v63 =	vld [tilespmem:$0x1970];
	_ =	sdelay $0x4  }
0xe6: {  	[tilespmem:$0x1FCB0] =	vst v63;
	v63 =	vld [tilespmem:$0x870];
	_ =	sdelay $0x4  }
0xe7: {  	[tilespmem:$0x1FD60] =	vst v63;
	v63 =	vld [tilespmem:$0x1A70];
	_ =	sdelay $0x4  }
0xe8: {  	[tilespmem:$0x1FD70] =	vst v63;
	v63 =	vld [tilespmem:$0x80];
	_ =	sdelay $0x4  }
0xe9: {  	[tilespmem:$0x1FAC0] =	vst v63;
	v63 =	vld [tilespmem:$0x1280];
	_ =	sdelay $0x4  }
0xea: {  	[tilespmem:$0x1FAD0] =	vst v63;
	v63 =	vld [tilespmem:$0x180];
	_ =	sdelay $0x4  }
0xeb: {  	[tilespmem:$0x1FB40] =	vst v63;
	v63 =	vld [tilespmem:$0x1380];
	_ =	sdelay $0x4  }
0xec: {  	[tilespmem:$0x1FB50] =	vst v63;
	v63 =	vld [tilespmem:$0x280];
	_ =	sdelay $0x4  }
0xed: {  	[tilespmem:$0x1FBA0] =	vst v63;
	v63 =	vld [tilespmem:$0x1480];
	_ =	sdelay $0x4  }
0xee: {  	[tilespmem:$0x1FBB0] =	vst v63;
	v63 =	vld [tilespmem:$0x380];
	_ =	sdelay $0x4  }
0xef: {  	[tilespmem:$0x1FBE0] =	vst v63;
	v63 =	vld [tilespmem:$0x1580];
	_ =	sdelay $0x4  }
0xf0: {  	[tilespmem:$0x1FBF0] =	vst v63;
	v63 =	vld [tilespmem:$0x480];
	_ =	sdelay $0x4  }
0xf1: {  	[tilespmem:$0x1FC60] =	vst v63;
	v63 =	vld [tilespmem:$0x1680];
	_ =	sdelay $0x4  }
0xf2: {  	[tilespmem:$0x1FC70] =	vst v63;
	v63 =	vld [tilespmem:$0x580];
	_ =	sdelay $0x4  }
0xf3: {  	[tilespmem:$0x1FCC0] =	vst v63;
	v63 =	vld [tilespmem:$0x1780];
	_ =	sdelay $0x4  }
0xf4: {  	[tilespmem:$0x1FCD0] =	vst v63;
	v63 =	vld [tilespmem:$0x680];
	_ =	sdelay $0x4  }
0xf5: {  	[tilespmem:$0x1FD20] =	vst v63;
	v63 =	vld [tilespmem:$0x1880];
	_ =	sdelay $0x4  }
0xf6: {  	[tilespmem:$0x1FD30] =	vst v63;
	v63 =	vld [tilespmem:$0x780];
	_ =	sdelay $0x4  }
0xf7: {  	[tilespmem:$0x1FDA0] =	vst v63;
	v63 =	vld [tilespmem:$0x1980];
	_ =	sdelay $0x4  }
0xf8: {  	[tilespmem:$0x1FDB0] =	vst v63;
	v63 =	vld [tilespmem:$0x880];
	_ =	sdelay $0x4  }
0xf9: {  	[tilespmem:$0x1FE40] =	vst v63;
	v63 =	vld [tilespmem:$0x1A80];
	_ =	sdelay $0x4  }
0xfa: {  	[tilespmem:$0x1FE50] =	vst v63;
	v63 =	vld [tilespmem:$0x90];
	_ =	sdelay $0x4  }
0xfb: {  	[tilespmem:$0x1FC20] =	vst v63;
	v63 =	vld [tilespmem:$0x1290];
	_ =	sdelay $0x4  }
0xfc: {  	[tilespmem:$0x1FC30] =	vst v63;
	v63 =	vld [tilespmem:$0x190];
	_ =	sdelay $0x4  }
0xfd: {  	[tilespmem:$0x1FC80] =	vst v63;
	v63 =	vld [tilespmem:$0x1390];
	_ =	sdelay $0x4  }
0xfe: {  	[tilespmem:$0x1FC90] =	vst v63;
	v63 =	vld [tilespmem:$0x290];
	_ =	sdelay $0x4  }
0xff: {  	[tilespmem:$0x1FCE0] =	vst v63;
	v63 =	vld [tilespmem:$0x1490];
	_ =	sdelay $0x4  }
0x100: {  	[tilespmem:$0x1FCF0] =	vst v63;
	v63 =	vld [tilespmem:$0x390];
	_ =	sdelay $0x4  }
0x101: {  	[tilespmem:$0x1FD40] =	vst v63;
	v63 =	vld [tilespmem:$0x1590];
	_ =	sdelay $0x4  }
0x102: {  	[tilespmem:$0x1FD50] =	vst v63;
	v63 =	vld [tilespmem:$0x490];
	_ =	sdelay $0x4  }
0x103: {  	[tilespmem:$0x1FDC0] =	vst v63;
	v63 =	vld [tilespmem:$0x1690];
	_ =	sdelay $0x4  }
0x104: {  	[tilespmem:$0x1FDD0] =	vst v63;
	v63 =	vld [tilespmem:$0x590];
	_ =	sdelay $0x4  }
0x105: {  	[tilespmem:$0x1FE20] =	vst v63;
	v63 =	vld [tilespmem:$0x1790];
	_ =	sdelay $0x1  }
0x106: {  	v14 =	vld [tilespmem:$0x1240]  }
0x107: {  	v29 =	vld [tilespmem:$0x140]  }
0x108: {  	v26 =	vld [tilespmem:$0x1340]  }
0x109: {  	[tilespmem:$0x1FE30] =	vst v63;
	v63 =	vld [tilespmem:$0x690]  }
0x10a: {  	v43 =	vld [tilespmem:$0x240]  }
0x10b: {  	v41 =	vld [tilespmem:$0x1440]  }
0x10c: {  	v61 =	vld [tilespmem:$0x340]  }
0x10d: {  	v58 =	vld [tilespmem:$0x1540]  }
0x10e: {  	[tilespmem:$0x1FE90] =	vst v63;
	v63 =	vld [tilespmem:$0x1890]  }
0x10f: {  	v32 =	vld [tilespmem:$0x440]  }
0x110: {  	v48 =	vld [tilespmem:$0x1640]  }
0x111: {  	v52 =	vld [tilespmem:$0x540]  }
0x112: {  	v57 =	vld [tilespmem:$0x1740]  }
0x113: {  	[tilespmem:$0x1FEA0] =	vst v63;
	v63 =	vld [tilespmem:$0x790]  }
0x114: {  	v42 =	vld [tilespmem:$0x1840]  }
0x115: {  	v44 =	vld [tilespmem:$0x740]  }
0x116: {  	v46 =	vld [tilespmem:$0x1940]  }
0x117: {  	v35 =	vld [tilespmem:$0x50]  }
0x118: {  	[tilespmem:$0x1FED0] =	vst v63;
	v63 =	vld [tilespmem:$0x1990]  }
0x119: {  	v8 =	vmul.f32 v8, v9;
	v9 =	vmul.f32 v10, v12;
	v12 =	vld [tilespmem:$0x6A0]  }
0x11a: {  	v24 =	vmul.f32 v22, v24;
	v22 =	vmul.f32 v51, v37;
	v51 =	vld [tilespmem:$0x1B0]  }
0x11b: {  	v37 =	vld [tilespmem:$0x2B0]  }
0x11c: {  	v53 =	vmul.f32 v59, v53;
	v59 =	vld [tilespmem:$0x3B0]  }
0x11d: {  	[tilespmem:$0x1FEE0] =	vst v63;
	v63 =	vld [tilespmem:$0x890]  }
0x11e: {  	v8 =	vadd.f32 $0.0e+00, v8;
	v10 =	vld [tilespmem:$0x1F6F0]  }
0x11f: {  	v18 =	vmul.f32 v18, v20;
	v20 =	vmul.f32 v56, v55;
	v55 =	vld [tilespmem:$0x16B0]  }
0x120: {  	v8 =	vadd.f32 v9, v8;
	v9 =	vmul.f32 v34, v40;
	v40 =	vmul.f32 v38, v45;
	v45 =	vld [tilespmem:$0x6B0]  }
0x121: {  	v56 =	vld [tilespmem:$0x1F740]  }
0x122: {  	[tilespmem:$0x1FF20] =	vst v63;
	v63 =	vld [tilespmem:$0x1A90]  }
0x123: {  	v38 =	vld [tilespmem:$0x1F7B0]  }
0x124: {  	[tilespmem:$0x1F850] =	vst v48;
	v48 =	vld [tilespmem:$0x840]  }
0x125: {  	[tilespmem:$0x1F880] =	vst v52;
	v52 =	vld [tilespmem:$0x1A40]  }
0x126: {  	[tilespmem:$0x1F840] =	vst v32;
	v32 =	vld [tilespmem:$0x1250]  }
0x127: {  	[tilespmem:$0x1FF30] =	vst v63;
	v63 =	vld [tilespmem:$0xA0]  }
0x128: {  	[tilespmem:$0x1F950] =	vst v46;
	v46 =	vld [tilespmem:$0x1350]  }
0x129: {  	[tilespmem:$0x1F8D0] =	vst v42;
	v42 =	vld [tilespmem:$0x250]  }
0x12a: {  	v0 =	vmul.f32 v0, v1;
	[tilespmem:$0x1F890] =	vst v57;
	v57 =	vld [tilespmem:$0x1450]  }
0x12b: {  	[tilespmem:$0x1F940] =	vst v44;
	v44 =	vld [tilespmem:$0x60]  }
0x12c: {  	v3 =	vmul.f32 v3, v5;
	v0 =	vadd.f32 $0.0e+00, v0;
	[tilespmem:$0x1FD00] =	vst v63;
	v63 =	vld [tilespmem:$0x12A0]  }
0x12d: {  	[tilespmem:$0x1FEF0] =	vst v12;
	v12 =	vmul.f32 v16, v21;
	v16 =	vld [tilespmem:$0x7A0]  }
0x12e: {  	v0 =	vadd.f32 v3, v0;
	v21 =	vld [tilespmem:$0x19A0]  }
0x12f: {  	[tilespmem:$0x1FE80] =	vst v37;
	v37 =	vld [tilespmem:$0x14B0]  }
0x130: {  	v0 =	vadd.f32 v18, v0;
	v18 =	vld [tilespmem:$0x18B0]  }
0x131: {  	[tilespmem:$0x1FD10] =	vst v63;
	v63 =	vld [tilespmem:$0x1A0]  }
0x132: {  	[tilespmem:$0x1FF70] =	vst v45;
	v45 =	vld [tilespmem:$0x1F7D0]  }
0x133: {  	v8 =	vadd.f32 v12, v8;
	v12 =	vld [tilespmem:$0x1AA0]  }
0x134: {  	[tilespmem:$0x1FA00] =	vst v48;
	v48 =	vld [tilespmem:$0x150]  }
0x135: {  	[tilespmem:$0x1FA10] =	vst v52;
	v52 =	vld [tilespmem:$0x1550]  }
0x136: {  	[tilespmem:$0x1FD80] =	vst v63;
	v63 =	vld [tilespmem:$0x13A0]  }
0x137: {  	[tilespmem:$0x1F8B0] =	vst v57;
	v57 =	vld [tilespmem:$0x450]  }
0x138: {  	[tilespmem:$0x1F8A0] =	vst v42;
	v42 =	vld [tilespmem:$0x1260]  }
0x139: {  	[tilespmem:$0x1FF60] =	vst v21;
	v21 =	vmul.f32 v50, v39;
	v50 =	vld [tilespmem:$0xB0]  }
0x13a: {  	v39 =	vld [tilespmem:$0x12B0]  }
0x13b: {  	[tilespmem:$0x1FD90] =	vst v63;
	v63 =	vld [tilespmem:$0x2A0]  }
0x13c: {  	v2 =	vmul.f32 v2, v4;
	[tilespmem:$0x1FF50] =	vst v16;
	v16 =	vadd.f32 v24, v8;
	v24 =	vmul.f32 v17, v19;
	v17 =	vld [tilespmem:$0x1F700]  }
0x13d: {  	v19 =	vld [tilespmem:$0x4B0]  }
0x13e: {  	v6 =	vmul.f32 v6, v7;
	v2 =	vadd.f32 $0.0e+00, v2;
	v8 =	vld [tilespmem:$0x12C0]  }
0x13f: {  	[tilespmem:$0x1FFA0] =	vst v12;
	v12 =	vld [tilespmem:$0x13B0]  }
0x140: {  	v2 =	vadd.f32 v6, v2;
	[tilespmem:$0x1FDE0] =	vst v63;
	v63 =	vld [tilespmem:$0x14A0]  }
0x141: {  	v4 =	vadd.f32 v21, v16;
	v16 =	vld [tilespmem:$0x15B0]  }
0x142: {  	v2 =	vadd.f32 v24, v2;
	v24 =	vld [tilespmem:$0x1F710]  }
0x143: {  	v21 =	vmul.f32 v28, v31;
	v28 =	vld [tilespmem:$0x1F720]  }
0x144: {  	v31 =	vld [tilespmem:$0x1F730]  }
0x145: {  	[tilespmem:$0x1FDF0] =	vst v63;
	v63 =	vld [tilespmem:$0x3A0]  }
0x146: {  	v4 =	vadd.f32 v22, v4;
	v22 =	vld [tilespmem:$0x5B0]  }
0x147: {  	v0 =	vadd.f32 v21, v0;
	v21 =	vmul.f32 v14, v15;
	v14 =	vld [tilespmem:$0x2C0]  }
0x148: {  	[tilespmem:$0x1F8F0] =	vst v52;
	v52 =	vld [tilespmem:$0x550]  }
0x149: {  	[tilespmem:$0x1F920] =	vst v57;
	v57 =	vld [tilespmem:$0x1750]  }
0x14a: {  	[tilespmem:$0x1FE00] =	vst v63;
	v63 =	vld [tilespmem:$0x15A0]  }
0x14b: {  	v5 =	vmul.f32 v17, v10;
	v17 =	vld [tilespmem:$0x7B0]  }
0x14c: {  	v10 =	vld [tilespmem:$0x19C0]  }
0x14d: {  	v39 =	vmul.f32 v39, v50;
	v50 =	vld [tilespmem:$0x13E0]  }
0x14e: {  	v1 =	vadd.f32 v53, v4;
	v53 =	vmul.f32 v23, v25;
	v23 =	vld [tilespmem:$0x1F760]  }
0x14f: {  	[tilespmem:$0x1FE10] =	vst v63;
	v63 =	vld [tilespmem:$0x4A0]  }
0x150: {  	v25 =	vld [tilespmem:$0x1F770]  }
0x151: {  	v0 =	vadd.f32 v40, v0;
	v40 =	vld [tilespmem:$0x1F7C0]  }
0x152: {  	v3 =	vadd.f32 $0.0e+00, v21;
	v21 =	vld [tilespmem:$0x1C0]  }
0x153: {  	v4 =	vmul.f32 v62, v24;
	v62 =	vld [tilespmem:$0x1F750]  }
0x154: {  	[tilespmem:$0x1FE60] =	vst v63;
	v63 =	vld [tilespmem:$0x16A0]  }
0x155: {  	v24 =	vld [tilespmem:$0x19B0]  }
0x156: {  	v34 =	vmul.f32 v31, v28;
	v28 =	vld [tilespmem:$0x1F780]  }
0x157: {  	v31 =	vld [tilespmem:$0x1F790]  }
0x158: {  	v12 =	vmul.f32 v12, v51;
	v51 =	vld [tilespmem:$0x14E0]  }
0x159: {  	v39 =	vadd.f32 $0.0e+00, v39;
	[tilespmem:$0x1FE70] =	vst v63;
	v63 =	vld [tilespmem:$0x5A0]  }
0x15a: {  	[tilespmem:$0x1FF40] =	vst v22;
	v22 =	vld [tilespmem:$0x8B0]  }
0x15b: {  	v12 =	vadd.f32 v12, v39;
	v39 =	vld [tilespmem:$0x15E0]  }
0x15c: {  	[tilespmem:$0x1F980] =	vst v52;
	v52 =	vld [tilespmem:$0x1850]  }
0x15d: {  	v1 =	vadd.f32 v5, v1;
	[tilespmem:$0x1F990] =	vst v57;
	v57 =	vld [tilespmem:$0x750]  }
0x15e: {  	[tilespmem:$0x1FEB0] =	vst v63;
	v63 =	vld [tilespmem:$0x17A0]  }
0x15f: {  	v1 =	vadd.f32 v34, v1;
	v34 =	vmul.f32 v26, v29;
	v26 =	vld [tilespmem:$0x1F820]  }
0x160: {  	v29 =	vld [tilespmem:$0x1F840]  }
0x161: {  	[tilespmem:$0x1FF80] =	vst v17;
	v17 =	vld [tilespmem:$0x3C0]  }
0x162: {  	[tilespmem:$0x1FFB0] =	vst v22;
	v22 =	vld [tilespmem:$0x13C0]  }
0x163: {  	[tilespmem:$0x1FEC0] =	vst v63;
	v63 =	vld [tilespmem:$0x18A0]  }
0x164: {  	[tilespmem:$0x1FA60] =	vst v57;
	v57 =	vld [tilespmem:$0x1A50]  }
0x165: {  	[tilespmem:$0x1F9D0] =	vst v52;
	v52 =	vld [tilespmem:$0x850]  }
0x166: {  	v3 =	vadd.f32 v34, v3;
	v34 =	vld [tilespmem:$0x1F870]  }
0x167: {  	v21 =	vmul.f32 v22, v21;
	v22 =	vld [tilespmem:$0x7E0]  }
0x168: {  	[tilespmem:$0x1FF00] =	vst v63;
	v63 =	vld [tilespmem:$0x8A0]  }
0x169: {  	[tilespmem:$0x1FB30] =	vst v57;
	v57 =	vld [tilespmem:$0x160]  }
0x16a: {  	[tilespmem:$0x1FB20] =	vst v52;
	v52 =	vld [tilespmem:$0x1360]  }
0x16b: {  	v6 =	vld [tilespmem:$0x1FA30]  }
0x16c: {  	v16 =	vmul.f32 v16, v59;
	v59 =	vld [tilespmem:$0x1FED0]  }
0x16d: {  	[tilespmem:$0x1FF90] =	vst v63;
	v63 =	vmul.f32 v27, v30;
	v30 =	vld [tilespmem:$0x17B0]  }
0x16e: {  	v27 =	vmul.f32 v11, v13;
	v13 =	vmul.f32 v54, v60;
	v54 =	vld [tilespmem:$0x1F7F0]  }
0x16f: {  	v60 =	vmul.f32 v58, v61;
	v61 =	vld [tilespmem:$0x1F800]  }
0x170: {  	v11 =	vld [tilespmem:$0x7C0]  }
0x171: {  	v2 =	vadd.f32 v63, v2;
	v63 =	vmul.f32 v62, v56;
	v56 =	vld [tilespmem:$0x1AB0]  }
0x172: {  	v0 =	vadd.f32 v13, v0;
	v13 =	vld [tilespmem:$0xC0]  }
0x173: {  	v62 =	vld [tilespmem:$0x1F810]  }
0x174: {  	v5 =	vadd.f32 $0.0e+00, v27;
	v27 =	vmul.f32 v47, v49;
	v49 =	vmul.f32 v41, v43;
	v41 =	vld [tilespmem:$0x1F8A0]  }
0x175: {  	v43 =	vld [tilespmem:$0x1F8B0]  }
0x176: {  	v47 =	vmul.f32 v45, v40;
	v45 =	vld [tilespmem:$0x1F8C0]  }
0x177: {  	[tilespmem:$0x1FF10] =	vst v19;
	v2 =	vadd.f32 v9, v2;
	v19 =	vadd.f32 v53, v5;
	v53 =	vld [tilespmem:$0x1F7E0]  }
0x178: {  	v5 =	vmul.f32 v25, v23;
	v25 =	vld [tilespmem:$0x14C0]  }
0x179: {  	v3 =	vadd.f32 v49, v3;
	v49 =	vld [tilespmem:$0x1F8F0];
	v2 =	vadd.f32 v20, v2;
	v20 =	vmul.f32 v33, v36  }
0x17a: {  	v36 =	vld [tilespmem:$0x1F7A0]  }
0x17b: {  	[tilespmem:$0x1FFC0] =	vst v1;
	v33 =	vmul.f32 v31, v28;
	v31 =	vld [tilespmem:$0x1F850];
	v1 =	vadd.f32 v20, v19  }
0x17c: {  	v3 =	vadd.f32 v60, v3;
	v60 =	vmul.f32 v52, v57;
	v52 =	vld [tilespmem:$0x8C0];
	v2 =	vadd.f32 v4, v2  }
0x17d: {  	v1 =	vadd.f32 v27, v1;
	v27 =	vld [tilespmem:$0x1F830]  }
0x17e: {  	v2 =	vadd.f32 v63, v2;
	v63 =	vmul.f32 v32, v35;
	v32 =	vmul.f32 v46, v48;
	v46 =	vld [tilespmem:$0x1F8D0]  }
0x17f: {  	v48 =	vld [tilespmem:$0x1F8E0]  }
0x180: {  	v0 =	vadd.f32 v5, v0;
	v5 =	vmul.f32 v38, v36;
	v36 =	vld [tilespmem:$0x1F880]  }
0x181: {  	v38 =	vld [tilespmem:$0x1F890]  }
0x182: {  	[tilespmem:$0x1FFF0] =	vst v52;
	v52 =	vld [tilespmem:$0x1FA60];
	v2 =	vadd.f32 v33, v2  }
0x183: {  	v33 =	vld [tilespmem:$0x1F860]  }
0x184: {  	[tilespmem:$0x1FFD0] =	vst v2;
	v2 =	vmul.f32 v54, v53;
	v53 =	vld [tilespmem:$0x1F900]  }
0x185: {  	v1 =	vadd.f32 v5, v1;
	v54 =	vld [tilespmem:$0x1F910]  }
0x186: {  	v0 =	vadd.f32 v47, v0;
	v47 =	vmul.f32 v46, v45;
	v45 =	vld [tilespmem:$0x1F990]  }
0x187: {  	v5 =	vmul.f32 v31, v29;
	v1 =	vadd.f32 v2, v1;
	v2 =	vmul.f32 v62, v61;
	v61 =	vld [tilespmem:$0x1F920]  }
0x188: {  	v62 =	vld [tilespmem:$0x1F930]  }
0x189: {  	v44 =	vmul.f32 v42, v44;
	v3 =	vadd.f32 v5, v3;
	v5 =	vmul.f32 v38, v36;
	v36 =	vld [tilespmem:$0x1F950]  }
0x18a: {  	v9 =	vadd.f32 $0.0e+00, v63;
	v1 =	vadd.f32 v2, v1;
	v2 =	vmul.f32 v43, v41;
	v41 =	vld [tilespmem:$0x1F970]  }
0x18b: {  	v28 =	vmul.f32 v27, v26;
	v3 =	vadd.f32 v5, v3;
	v5 =	vadd.f32 $0.0e+00, v44;
	v44 =	vld [tilespmem:$0x1F980]  }
0x18c: {  	v35 =	vmul.f32 v34, v33;
	v58 =	vmul.f32 v54, v53;
	v53 =	vld [tilespmem:$0x1F9C0]  }
0x18d: {  	v40 =	vadd.f32 v32, v9;
	v0 =	vadd.f32 v28, v0;
	v54 =	vld [tilespmem:$0x1F9D0]  }
0x18e: {  	v1 =	vadd.f32 v35, v1;
	v35 =	vld [tilespmem:$0x1F940]  }
0x18f: {  	[tilespmem:$0x1FFE0] =	vst v0;
	v0 =	vadd.f32 v2, v40;
	v40 =	vld [tilespmem:$0x1F960]  }
0x190: {  	v9 =	vadd.f32 v47, v3;
	v47 =	vld [tilespmem:$0x1F9A0]  }
0x191: {  	v2 =	vmul.f32 v49, v48;
	v48 =	vld [tilespmem:$0x1F9B0]  }
0x192: {  	v5 =	vadd.f32 v60, v5;
	v60 =	vld [tilespmem:$0x1F9F0]  }
0x193: {  	v63 =	vmul.f32 v62, v61;
	v62 =	vld [tilespmem:$0x1FA00]  }
0x194: {  	v2 =	vadd.f32 v2, v0;
	v15 =	vadd.f32 v58, v1;
	v58 =	vld [tilespmem:$0x1F9E0]  }
0x195: {  	v46 =	vmul.f32 v45, v44;
	v45 =	vld [tilespmem:$0x1FB00]  }
0x196: {  	v43 =	vadd.f32 v63, v2;
	v63 =	vld [tilespmem:$0x1FA10]  }
0x197: {  	v57 =	vmul.f32 v54, v53;
	v54 =	vld [tilespmem:$0x1FA70]  }
0x198: {  	v49 =	vmul.f32 v48, v47;
	v47 =	vld [tilespmem:$0x1FA40]  }
0x199: {  	v42 =	vmul.f32 v41, v40;
	v48 =	vld [tilespmem:$0x1FA50]  }
0x19a: {  	v31 =	vadd.f32 v46, v43;
	v43 =	vld [tilespmem:$0x1FAF0]  }
0x19b: {  	v32 =	vadd.f32 v42, v5;
	v5 =	vld [tilespmem:$0x1FA20]  }
0x19c: {  	v61 =	vmul.f32 v60, v58;
	v58 =	vld [tilespmem:$0x1FA80]  }
0x19d: {  	v60 =	vld [tilespmem:$0x1FA90]  }
0x19e: {  	v4 =	vmul.f32 v63, v62;
	v62 =	vld [tilespmem:$0x1FAA0]  }
0x19f: {  	v38 =	vmul.f32 v36, v35;
	v32 =	vadd.f32 v49, v32;
	v63 =	vld [tilespmem:$0x1FAB0]  }
0x1a0: {  	v36 =	vadd.f32 $0.0e+00, v61;
	v49 =	vmul.f32 v48, v47;
	v7 =	vmul.f32 v6, v5;
	v5 =	vld [tilespmem:$0x1FAC0]  }
0x1a1: {  	v6 =	vld [tilespmem:$0x1FAD0]  }
0x1a2: {  	v9 =	vadd.f32 v38, v9;
	v35 =	vadd.f32 v49, v36;
	v49 =	vld [tilespmem:$0x1FB10]  }
0x1a3: {  	v61 =	vmul.f32 v60, v58;
	v60 =	vld [tilespmem:$0x1FB20]  }
0x1a4: {  	v9 =	vadd.f32 v4, v9;
	v32 =	vadd.f32 v7, v32;
	v4 =	vmul.f32 v63, v62;
	v62 =	vld [tilespmem:$0x1FB40]  }
0x1a5: {  	v63 =	vld [tilespmem:$0x1FB50]  }
0x1a6: {  	v32 =	vadd.f32 v61, v32;
	v61 =	vld [tilespmem:$0x1FB30]  }
0x1a7: {  	v31 =	vadd.f32 v57, v31;
	v7 =	vmul.f32 v6, v5;
	v5 =	vld [tilespmem:$0x1FB60]  }
0x1a8: {  	v57 =	vmul.f32 v54, v52;
	v35 =	vadd.f32 v4, v35;
	v52 =	vmul.f32 v49, v45;
	v6 =	vld [tilespmem:$0x1FB70]  }
0x1a9: {  	v42 =	vld [tilespmem:$0x1FAE0]  }
0x1aa: {  	v35 =	vadd.f32 v52, v35;
	v52 =	vld [tilespmem:$0x1FB80]  }
0x1ab: {  	v4 =	vmul.f32 v63, v62;
	v62 =	vld [tilespmem:$0x1FBA0]  }
0x1ac: {  	v40 =	vmul.f32 v61, v60;
	v60 =	vld [tilespmem:$0x1FB90]  }
0x1ad: {  	v33 =	vadd.f32 $0.0e+00, v7;
	v7 =	vmul.f32 v6, v5;
	v5 =	vld [tilespmem:$0x1FBC0]  }
0x1ae: {  	v6 =	vld [tilespmem:$0x1FBD0]  }
0x1af: {  	v63 =	vld [tilespmem:$0x1FBB0]  }
0x1b0: {  	v31 =	vadd.f32 v57, v31;
	v45 =	vld [tilespmem:$0x1FBE0]  }
0x1b1: {  	v61 =	vmul.f32 v60, v52;
	v60 =	vld [tilespmem:$0x1FBF0]  }
0x1b2: {  	v44 =	vmul.f32 v43, v42;
	v31 =	vadd.f32 v40, v31;
	v40 =	vld [tilespmem:$0x1FC40]  }
0x1b3: {  	v35 =	vadd.f32 v7, v35;
	v7 =	vmul.f32 v6, v5;
	v5 =	vld [tilespmem:$0x1FC20]  }
0x1b4: {  	v32 =	vadd.f32 v44, v32;
	v33 =	vadd.f32 v4, v33;
	v4 =	vmul.f32 v63, v62;
	v6 =	vld [tilespmem:$0x1FC30]  }
0x1b5: {  	v62 =	vld [tilespmem:$0x1FC00]  }
0x1b6: {  	v63 =	vld [tilespmem:$0x1FC10];
	v33 =	vadd.f32 v4, v33;
	v32 =	vadd.f32 v61, v32;
	v61 =	vmul.f32 v60, v45  }
0x1b7: {  	v60 =	vld [tilespmem:$0x1FC60]  }
0x1b8: {  	v33 =	vadd.f32 v61, v33;
	v61 =	vld [tilespmem:$0x1FC70]  }
0x1b9: {  	v35 =	vadd.f32 v7, v35;
	v7 =	vmul.f32 v6, v5;
	v5 =	vld [tilespmem:$0x1FCA0]  }
0x1ba: {  	v6 =	vld [tilespmem:$0x1FCB0]  }
0x1bb: {  	v4 =	vmul.f32 v63, v62;
	v62 =	vld [tilespmem:$0x1FC80]  }
0x1bc: {  	v63 =	vld [tilespmem:$0x1FC90]  }
0x1bd: {  	v45 =	vld [tilespmem:$0x1FC50];
	v38 =	vmul.f32 v61, v60  }
0x1be: {  	v36 =	vld [tilespmem:$0x1FCC0];
	v60 =	vadd.f32 v4, v35  }
0x1bf: {  	v4 =	vadd.f32 $0.0e+00, v7;
	v7 =	vmul.f32 v6, v5;
	v33 =	vadd.f32 v38, v33;
	v38 =	vld [tilespmem:$0x1FCD0]  }
0x1c0: {  	v6 =	vld [tilespmem:$0x1FD20]  }
0x1c1: {  	v60 =	vadd.f32 v7, v60;
	v7 =	vld [tilespmem:$0x1FD30]  }
0x1c2: {  	v45 =	vmul.f32 v45, v40;
	v61 =	vmul.f32 v63, v62;
	v62 =	vld [tilespmem:$0x1FCF0]  }
0x1c3: {  	v5 =	vld [tilespmem:$0x1FD10]  }
0x1c4: {  	v0 =	vmul.f32 v38, v36;
	v36 =	vadd.f32 v45, v32;
	v45 =	vadd.f32 v61, v4;
	v61 =	vld [tilespmem:$0x1FCE0]  }
0x1c5: {  	v4 =	vld [tilespmem:$0x1FD00]  }
0x1c6: {  	v23 =	vld [tilespmem:$0x6C0];
	v63 =	vmul.f32 v7, v6;
	v1 =	vadd.f32 v0, v33  }
0x1c7: {  	v8 =	vmul.f32 v8, v13;
	v13 =	vld [tilespmem:$0x6E0]  }
0x1c8: {  	v2 =	vadd.f32 v63, v1;
	v1 =	vld [tilespmem:$0x1FDA0]  }
0x1c9: {  	v63 =	vld [tilespmem:$0x1FDB0]  }
0x1ca: {  	v61 =	vmul.f32 v62, v61;
	v62 =	vmul.f32 v5, v4;
	v4 =	vld [tilespmem:$0x1FD60]  }
0x1cb: {  	v5 =	vld [tilespmem:$0x1FD70]  }
0x1cc: {  	v6 =	vld [tilespmem:$0x1FD80]  }
0x1cd: {  	v7 =	vld [tilespmem:$0x1FD90]  }
0x1ce: {  	v19 =	vld [tilespmem:$0x4C0]  }
0x1cf: {  	v63 =	vmul.f32 v63, v1;
	v1 =	vld [tilespmem:$0x1FDC0]  }
0x1d0: {  	v3 =	vmul.f32 v5, v4;
	v5 =	vld [tilespmem:$0x1FDD0]  }
0x1d1: {  	v33 =	vld [tilespmem:$0x1FD40]  }
0x1d2: {  	v0 =	vmul.f32 v7, v6;
	v45 =	vadd.f32 v61, v45;
	v61 =	vld [tilespmem:$0x1FD50];
	v62 =	vadd.f32 $0.0e+00, v62  }
0x1d3: {  	v20 =	vld [tilespmem:$0x5C0]  }
0x1d4: {  	v62 =	vadd.f32 v0, v62;
	v0 =	vld [tilespmem:$0x1FDE0]  }
0x1d5: {  	v8 =	vadd.f32 $0.0e+00, v8;
	v1 =	vmul.f32 v5, v1;
	v5 =	vld [tilespmem:$0x1FDF0]  }
0x1d6: {  	v14 =	vmul.f32 v25, v14;
	v25 =	vld [tilespmem:$0x1FF80]  }
0x1d7: {  	v8 =	vadd.f32 v21, v8;
	v21 =	vld [tilespmem:$0x8E0];
	v61 =	vmul.f32 v61, v33  }
0x1d8: {  	v29 =	vld [tilespmem:$0x18C0]  }
0x1d9: {  	v26 =	vld [tilespmem:$0x15C0];
	v61 =	vadd.f32 v61, v45  }
0x1da: {  	v27 =	vld [tilespmem:$0x16C0];
	v0 =	vmul.f32 v5, v0  }
0x1db: {  	v1 =	vadd.f32 v1, v61;
	v61 =	vld [tilespmem:$0x1FE00]  }
0x1dc: {  	v0 =	vadd.f32 v0, v62;
	v62 =	vld [tilespmem:$0x1FE10]  }
0x1dd: {  	v28 =	vld [tilespmem:$0x17C0]  }
0x1de: {  	v34 =	vld [tilespmem:$0x1AC0]  }
0x1df: {  	v53 =	vld [tilespmem:$0x12D0]  }
0x1e0: {  	v2 =	vadd.f32 v63, v2;
	v63 =	vld [tilespmem:$0x1FE20]  }
0x1e1: {  	v7 =	vadd.f32 v3, v60;
	v60 =	vmul.f32 v62, v61;
	v62 =	vld [tilespmem:$0x1FE30]  }
0x1e2: {  	v41 =	vld [tilespmem:$0x18D0]  }
0x1e3: {  	v46 =	vld [tilespmem:$0xD0]  }
0x1e4: {  	v54 =	vld [tilespmem:$0x13D0]  }
0x1e5: {  	v47 =	vld [tilespmem:$0x1D0]  }
0x1e6: {  	v48 =	vld [tilespmem:$0x2D0];
	v62 =	vmul.f32 v62, v63  }
0x1e7: {  	v57 =	vld [tilespmem:$0x14D0]  }
0x1e8: {  	v1 =	vadd.f32 v62, v1;
	v62 =	vld [tilespmem:$0x1FE80]  }
0x1e9: {  	v58 =	vld [tilespmem:$0x15D0]  }
0x1ea: {  	v6 =	vld [tilespmem:$0x1FE90]  }
0x1eb: {  	v3 =	vld [tilespmem:$0x1FE40]  }
0x1ec: {  	v63 =	vld [tilespmem:$0x1FE50]  }
0x1ed: {  	v37 =	vmul.f32 v37, v62;
	v62 =	vld [tilespmem:$0x1FEA0]  }
0x1ee: {  	v42 =	vld [tilespmem:$0x5D0]  }
0x1ef: {  	v43 =	vld [tilespmem:$0x17D0]  }
0x1f0: {  	v0 =	vadd.f32 v60, v0;
	v60 =	vld [tilespmem:$0x1FE70]  }
0x1f1: {  	v63 =	vmul.f32 v63, v3;
	v3 =	vld [tilespmem:$0x1FE60]  }
0x1f2: {  	v49 =	vld [tilespmem:$0x3D0];
	v62 =	vmul.f32 v62, v6  }
0x1f3: {  	v44 =	vld [tilespmem:$0x4D0]  }
0x1f4: {  	v1 =	vadd.f32 v62, v1;
	v62 =	vld [tilespmem:$0x1FEE0]  }
0x1f5: {  	v52 =	vld [tilespmem:$0x16D0]  }
0x1f6: {  	v2 =	vadd.f32 v63, v2;
	v63 =	vld [tilespmem:$0x1FF00];
	v60 =	vmul.f32 v60, v3  }
0x1f7: {  	v6 =	vld [tilespmem:$0x1FEB0]  }
0x1f8: {  	v0 =	vadd.f32 v60, v0;
	v60 =	vld [tilespmem:$0x1FEC0]  }
0x1f9: {  	v59 =	vmul.f32 v62, v59;
	v62 =	vld [tilespmem:$0x1FEF0]  }
0x1fa: {  	v40 =	vld [tilespmem:$0x6D0]  }
0x1fb: {  	v35 =	vld [tilespmem:$0x7D0]  }
0x1fc: {  	v38 =	vld [tilespmem:$0x19D0]  }
0x1fd: {  	v32 =	vld [tilespmem:$0x8D0]  }
0x1fe: {  	v60 =	vmul.f32 v60, v6;
	v62 =	vmul.f32 v63, v62;
	v63 =	vld [tilespmem:$0x1FF10]  }
0x1ff: {  	v4 =	vld [tilespmem:$0xE0]  }
0x200: {  	v45 =	vld [tilespmem:$0x12E0];
	v0 =	vadd.f32 v60, v0  }
0x201: {  	v12 =	vadd.f32 v37, v12;
	v1 =	vadd.f32 v59, v1;
	v59 =	vld [tilespmem:$0x1FF20]  }
0x202: {  	v0 =	vadd.f32 v62, v0;
	v62 =	vld [tilespmem:$0x1FF40]  }
0x203: {  	v12 =	vadd.f32 v16, v12;
	v16 =	vmul.f32 v55, v63;
	v63 =	vld [tilespmem:$0x1FF30]  }
0x204: {  	v33 =	vld [tilespmem:$0x1AD0]  }
0x205: {  	v5 =	vld [tilespmem:$0x1E0]  }
0x206: {  	v4 =	vmul.f32 v45, v4;
	v45 =	vld [tilespmem:$0x7F0]  }
0x207: {  	v12 =	vadd.f32 v16, v12;
	v16 =	vmul.f32 v30, v62;
	v62 =	vld [tilespmem:$0x1FF50]  }
0x208: {  	v59 =	vmul.f32 v63, v59;
	v63 =	vld [tilespmem:$0x1FF60]  }
0x209: {  	v3 =	vld [tilespmem:$0x3E0]  }
0x20a: {  	v5 =	vmul.f32 v50, v5;
	v50 =	vmul.f32 v52, v44;
	v52 =	vld [tilespmem:$0x4F0]  }
0x20b: {  	v61 =	vld [tilespmem:$0x2E0]  }
0x20c: {  	v37 =	vld [tilespmem:$0x16E0]  }
0x20d: {  	v62 =	vmul.f32 v63, v62;
	v63 =	vld [tilespmem:$0x1FF70]  }
0x20e: {  	v3 =	vmul.f32 v39, v3;
	v39 =	vld [tilespmem:$0x1FFE0]  }
0x20f: {  	v6 =	vld [tilespmem:$0x4E0]  }
0x210: {  	v60 =	vld [tilespmem:$0x5E0]  }
0x211: {  	v0 =	vadd.f32 v62, v0;
	v62 =	vld [tilespmem:$0x1FF90]  }
0x212: {  	v8 =	vadd.f32 v14, v8;
	v12 =	vadd.f32 v16, v12;
	v16 =	vmul.f32 v18, v63;
	v63 =	vld [tilespmem:$0x1FFA0]  }
0x213: {  	v55 =	vld [tilespmem:$0x17E0];
	v1 =	vadd.f32 v59, v1;
	v59 =	vmul.f32 v53, v46;
	v53 =	vmul.f32 v26, v17  }
0x214: {  	v4 =	vadd.f32 $0.0e+00, v4;
	v30 =	vld [tilespmem:$0x18E0]  }
0x215: {  	v17 =	vld [tilespmem:$0xF0];
	v8 =	vadd.f32 v53, v8;
	v53 =	vmul.f32 v27, v19  }
0x216: {  	v4 =	vadd.f32 v5, v4;
	v26 =	vld [tilespmem:$0x12F0]  }
0x217: {  	v8 =	vadd.f32 v53, v8;
	v53 =	vmul.f32 v51, v61;
	v46 =	vmul.f32 v63, v62;
	v63 =	vld [tilespmem:$0x1FFB0]  }
0x218: {  	v61 =	vld [tilespmem:$0x17F0]  }
0x219: {  	v4 =	vadd.f32 v53, v4;
	v53 =	vld [tilespmem:$0x1FFF0]  }
0x21a: {  	v59 =	vadd.f32 $0.0e+00, v59;
	v18 =	vld [tilespmem:$0x19E0]  }
0x21b: {  	v12 =	vadd.f32 v16, v12;
	v16 =	vmul.f32 v24, v25;
	v62 =	vmul.f32 v54, v47;
	v54 =	vld [tilespmem:$0x1F0]  }
0x21c: {  	v47 =	vmul.f32 v56, v63;
	v56 =	vmul.f32 v57, v48;
	v57 =	vld [tilespmem:$0x13F0]  }
0x21d: {  	v12 =	vadd.f32 v16, v12;
	v16 =	vadd.f32 v62, v59;
	v62 =	vld [tilespmem:$0x2F0]  }
0x21e: {  	v0 =	vadd.f32 v46, v0;
	v46 =	vld [tilespmem:$0x14F0]  }
0x21f: {  	v17 =	vmul.f32 v26, v17;
	v48 =	vld [tilespmem:$0x3F0]  }
0x220: {  	v59 =	vmul.f32 v28, v20;
	v63 =	vmul.f32 v58, v49;
	v49 =	vld [tilespmem:$0x15F0]  }
0x221: {  	v10 =	vmul.f32 v10, v11;
	v17 =	vadd.f32 $0.0e+00, v17;
	v25 =	vld [tilespmem:$0x1AE0];
	v19 =	vmul.f32 v57, v54  }
0x222: {  	v3 =	vadd.f32 v3, v4;
	v8 =	vadd.f32 v59, v8;
	v59 =	vmul.f32 v43, v42;
	v54 =	vld [tilespmem:$0x16F0]  }
0x223: {  	v43 =	vld [tilespmem:$0x18F0];
	v16 =	vadd.f32 v56, v16;
	v56 =	vmul.f32 v46, v62;
	v17 =	vadd.f32 v19, v17  }
0x224: {  	[tilespmem:$0x1B30] =	vst v15;
	v42 =	vmul.f32 v37, v6;
	v12 =	vadd.f32 v47, v12;
	v47 =	vmul.f32 v29, v23;
	v57 =	vld [tilespmem:$0x5F0]  }
0x225: {  	[tilespmem:$0x1B40] =	vst v9;
	v58 =	vld [tilespmem:$0x1FFC0];
	v16 =	vadd.f32 v63, v16;
	v28 =	vmul.f32 v49, v48;
	v63 =	vadd.f32 v56, v17  }
0x226: {  	[tilespmem:$0x1B50] =	vst v31;
	v44 =	vmul.f32 v41, v40;
	v3 =	vadd.f32 v42, v3;
	v29 =	vld [tilespmem:$0x6F0];
	v46 =	vmul.f32 v55, v60  }
0x227: {  	[tilespmem:$0x1B60] =	vst v36;
	v62 =	vld [tilespmem:$0x1FFD0];
	v8 =	vadd.f32 v47, v8;
	v14 =	vmul.f32 v54, v52;
	v11 =	vadd.f32 v28, v63  }
0x228: {  	[tilespmem:$0x1B70] =	vst v7;
	v51 =	vmul.f32 v30, v13;
	v47 =	vld [tilespmem:$0x19F0];
	v3 =	vadd.f32 v46, v3;
	v16 =	vadd.f32 v50, v16  }
0x229: {  	[tilespmem:$0x1B80] =	vst v2;
	v7 =	vmul.f32 v34, v53;
	v49 =	vld [tilespmem:$0x8F0];
	v5 =	vmul.f32 v61, v57;
	v11 =	vadd.f32 v14, v11  }
0x22a: {  	[tilespmem:$0x1B20] =	vst v39;
	v55 =	vmul.f32 v18, v22;
	v3 =	vadd.f32 v51, v3;
	v16 =	vadd.f32 v59, v16;
	v52 =	vld [tilespmem:$0x1AF0]  }
0x22b: {  	[tilespmem:$0x1B90] =	vst v1;
	v8 =	vadd.f32 v10, v8;
	v6 =	vmul.f32 v43, v29;
	v5 =	vadd.f32 v5, v11  }
0x22c: {  	[tilespmem:$0x1BA0] =	vst v0;
	v50 =	vmul.f32 v38, v35;
	v3 =	vadd.f32 v55, v3;
	v48 =	vadd.f32 v44, v16  }
0x22d: {  	[tilespmem:$0x1BB0] =	vst v12;
	v59 =	vmul.f32 v25, v21;
	v57 =	vmul.f32 v47, v45;
	v5 =	vadd.f32 v6, v5  }
0x22e: {  	[tilespmem:$0x1B00] =	vst v58;
	v58 =	vadd.f32 v7, v8;
	v56 =	vmul.f32 v33, v32;
	v54 =	vadd.f32 v50, v48  }
0x22f: {  	[tilespmem:$0x1B10] =	vst v62;
	v62 =	vadd.f32 v59, v3;
	v61 =	vmul.f32 v52, v49;
	v60 =	vadd.f32 v57, v5  }
0x230: {  	[tilespmem:$0x1BC0] =	vst v58;
	v1 =	vadd.f32 v56, v54  }
0x231: {  	[tilespmem:$0x1BE0] =	vst v62;
	v63 =	vadd.f32 v61, v60  }
0x232: {  	p0 =	sne.s32 s10, $0x1;
	[tilespmem:$0x1BD0] =	vst v1  }
.Ltmp0:
0x233: {  	[tilespmem:$0x1BF0] =	vst v63;
	(pc) =	sbr.rel @p0 .LBB2_1-.Ltmp0, $4  }
0x234: {  	[hbm4b:s9+s2] =	stream.linear.scatter [tilespmem:s31], [sflag:$0x2], $0x100, $0x38;
	[tilespmem:$0x1C00] =	vst v63  }
0x235: {  	_ =	swait.ge [sflag:s0], $0x100  }
0x236: {  	[sflag:s0] =	ssyncset.done $0x0  }
0x237: {  	s10 =	sadd.s32 $0xFFFFFFFF, s10;
	[sflag:s0] =	ssyncadd.s32 $0xFFFFFF00  }
0x238: {  	_ =	sfence.sel $0x180000  }
0x239: {  	[bflag:$0x0] =	sbarrier.arrive $0xFFFF  }
0x23a: {  	_ =	strace $0x90000047  }
0x23b: {  	s0 =	stileid.u32;
	[bflag:$0x2] =	sbarrier.arrive $0xFFFF  }
0x23c: {  	p0 =	sne.s32 s0, $0x0;
	s0 =	rddreg [dreg:$0x2]  }
0x23d: {  	s0 =	sadd.s32 @!p0 $0x100000, s0  }
0x23e: {  	[sflag:s0] =	ssyncadd.tile.s32 @!p0 $0x1;
	_ =	shalt  }
.Lfunc_end2:
_tile_overlayer_lowered:
.L_overlay_start_2:
0x23f: {  	(tag) =	ssettag $0x2  }
0x240: {  	s0 =	rddreg [dreg:$0x0];
	s2 =	stileid.u32  }
0x241: {  	s1 =	rddreg [dreg:$0x1];
	p0 =	sne.s32 s2, $0x0  }
0x242: {  	s3 =	rddreg [dreg:$0x2];
	[bflag:$0x3] =	sbarrier.arrive $0xFFFF;
	s2 =	simm.s32 @!p0 $0x1C02  }
0x243: {  	[timem:s3], [sflag:s2] =	dma.local @!p0 [hbm:s0], s1  }
0x244: {  	s0 =	simm.s32 @!p0 $0x2  }
0x245: {  	_ =	swait.ge @!p0 [sflag:s0], s1  }
0x246: {  	s1 =	ssub.s32 @!p0 $0x0, s1;
	[sflag:s0] =	ssyncset.done @!p0 $0x0  }
0x247: {  	[sflag:s0] =	ssyncadd.s32 @!p0 s1  }
0x248: {  	[bflag:$0x3] =	sbarrier.arrive $0xFFFF  }
0x249: {  	_ =	shalt  }

</sc_bundles>
